<compile_context>
chip_gen: v7x
topology: tpu7x:2x2x1
jax: 0.10.2.dev20260603
libtpu: 0.0.44.dev20260713+nightly
codegen_flags: <defaults>
</compile_context>

<pallas_src>
import functools

import jax
import jax.numpy as jnp
from jax.experimental import pallas as pl
from jax.experimental.pallas import tpu as pltpu

EK = 512
SPAN = EK + 8
NBLK = 512


def _scatter_kernel(lo_ref, loc_ref, g_ref, out_ref, *, npad):
    i = pl.program_id(0)

    @pl.when(i == 0)
    def _init():
        out_ref[...] = jnp.zeros((npad, 64), jnp.float32)

    loc = loc_ref[...]
    cols = jax.lax.broadcasted_iota(jnp.int32, (EK, SPAN), 1)
    onehot = (cols == loc).astype(jnp.float32)
    contrib = jax.lax.dot_general(
        onehot, g_ref[...], (((0,), (0,)), ((), ())),
        preferred_element_type=jnp.float32, precision=jax.lax.Precision.HIGHEST)
    lo = lo_ref[i]
    cur = out_ref[pl.ds(lo, SPAN), :]
    out_ref[pl.ds(lo, SPAN), :] = cur + contrib


def _dense_kernel(aggr_ref, c1_ref, c2_ref, e1_ref, e2_ref,
                  w1_ref, b1_ref, w2_ref, b2_ref,
                  hpre_ref, stats_ref, *, n):
    i = pl.program_id(0)
    aggr = aggr_ref[...]
    aggr = aggr + jnp.dot(c1_ref[...], e1_ref[...],
                          preferred_element_type=jnp.float32, precision=jax.lax.Precision.HIGHEST)
    aggr = aggr + jnp.dot(c2_ref[...], e2_ref[...],
                          preferred_element_type=jnp.float32, precision=jax.lax.Precision.HIGHEST)
    hm = jnp.maximum(
        jnp.dot(aggr, w1_ref[...], preferred_element_type=jnp.float32, precision=jax.lax.Precision.HIGHEST)
        + b1_ref[...], 0.0)
    hpre = (jnp.dot(hm, w2_ref[...], preferred_element_type=jnp.float32, precision=jax.lax.Precision.HIGHEST)
            + b2_ref[...])
    hpre_ref[...] = hpre

    @pl.when(i == 0)
    def _init():
        stats_ref[...] = jnp.zeros((8, 64), jnp.float32)

    gidx = jax.lax.broadcasted_iota(jnp.int32, (NBLK, 1), 0) + i * NBLK
    mask = (gidx < n).astype(jnp.float32)
    hm_ = hpre * mask
    s = jnp.sum(hm_, axis=0, keepdims=True)
    sq = jnp.sum(hm_ * hpre, axis=0, keepdims=True)
    stats_ref[0:1, :] = stats_ref[0:1, :] + s
    stats_ref[1:2, :] = stats_ref[1:2, :] + sq


def _apply_kernel(hpre_ref, stats_ref, gam_ref, bet_ref, out_ref,
                  *, n, relu):
    mean = stats_ref[0:1, :] / n
    var = stats_ref[1:2, :] / n - mean * mean
    h = ((hpre_ref[...] - mean) * jax.lax.rsqrt(var + 1e-5)
         * gam_ref[...] + bet_ref[...])
    if relu:
        h = jnp.maximum(h, 0.0)
    out_ref[...] = h


def _head_kernel(h_ref, b_ref, fw_ref, fb_ref, pw1_ref, pb1_ref,
                 pw2_ref, pb2_ref, pw3_ref, pb3_ref,
                 num_ref, cnt_ref, z_ref, *, nsteps):
    i = pl.program_id(0)

    @pl.when(i == 0)
    def _init():
        num_ref[...] = jnp.zeros((256, 64), jnp.float32)
        cnt_ref[...] = jnp.zeros((256, 64), jnp.float32)

    b = b_ref[...]
    cols = jax.lax.broadcasted_iota(jnp.int32, (NBLK, 256), 1)
    onehot = (cols == b).astype(jnp.float32)
    num_ref[...] = num_ref[...] + jax.lax.dot_general(
        onehot, h_ref[...], (((0,), (0,)), ((), ())),
        preferred_element_type=jnp.float32, precision=jax.lax.Precision.HIGHEST)
    cnt_ref[...] = cnt_ref[...] + jax.lax.dot_general(
        onehot, jnp.ones((NBLK, 64), jnp.float32), (((0,), (0,)), ((), ())),
        preferred_element_type=jnp.float32, precision=jax.lax.Precision.HIGHEST)

    @pl.when(i == nsteps - 1)
    def _finish():
        hg = num_ref[...] / jnp.maximum(cnt_ref[...], 1.0)
        hf = (jnp.dot(hg, fw_ref[...], preferred_element_type=jnp.float32, precision=jax.lax.Precision.HIGHEST)
              + fb_ref[...])
        z = jax.nn.softplus(
            jnp.dot(hf, pw1_ref[...], preferred_element_type=jnp.float32, precision=jax.lax.Precision.HIGHEST)
            + pb1_ref[...])
        z = jax.nn.softplus(
            jnp.dot(z, pw2_ref[...], preferred_element_type=jnp.float32, precision=jax.lax.Precision.HIGHEST)
            + pb2_ref[...])
        z_ref[...] = (jnp.dot(z, pw3_ref[...],
                              preferred_element_type=jnp.float32, precision=jax.lax.Precision.HIGHEST)
                      + pb3_ref[...])


def kernel(x, edge_index, edge_attr, batch, x_emb1, x_emb2, edge_emb1,
           edge_emb2, mlp_w1, mlp_b1, mlp_w2, mlp_b2, bn_gamma, bn_beta,
           feat_w, feat_b, pred_w1, pred_b1, pred_w2, pred_b2, pred_w3,
           pred_b3):
    n = x.shape[0]
    e = edge_index.shape[1]
    nlayer = edge_emb1.shape[0]
    f32 = jnp.float32

    h = x_emb1[x[:, 0]] + x_emb2[x[:, 1]]

    loop = jnp.arange(n, dtype=edge_index.dtype)
    src = jnp.concatenate([edge_index[0], loop]).astype(jnp.int32)
    dst = jnp.concatenate([edge_index[1], loop]).astype(jnp.int32)
    ea0 = jnp.concatenate(
        [edge_attr[:, 0], jnp.full((n,), 4, edge_attr.dtype)]).astype(jnp.int32)
    ea1 = jnp.concatenate(
        [edge_attr[:, 1], jnp.zeros((n,), edge_attr.dtype)]).astype(jnp.int32)

    perm = jnp.argsort(dst)
    dst_s = dst[perm]
    src_s = src[perm]

    etot = e + n
    nebl = -(-etot // EK)
    epad = nebl * EK

    lo8 = (dst_s[jnp.arange(nebl) * EK] // 8) * 8
    loc = dst_s - jnp.repeat(lo8, EK)[:etot]
    loc = jnp.concatenate(
        [loc, jnp.full((epad - etot,), SPAN + 7, jnp.int32)])
    loc = loc.reshape(epad, 1)
    src_sp = jnp.concatenate(
        [src_s, jnp.zeros((epad - etot,), jnp.int32)])

    c1 = jax.ops.segment_sum(jax.nn.one_hot(ea0, 8, dtype=f32),
                             dst, num_segments=n)
    c2 = jax.ops.segment_sum(jax.nn.one_hot(ea1, 8, dtype=f32),
                             dst, num_segments=n)

    nnbl = -(-n // NBLK)
    npad_n = nnbl * NBLK
    padn = npad_n - n
    c1 = jnp.pad(c1, ((0, padn), (0, 0)))
    c2 = jnp.pad(c2, ((0, padn), (0, 0)))
    npad_sc = ((n // 8) * 8 + SPAN + 8)

    scatter = pl.pallas_call(
        functools.partial(_scatter_kernel, npad=npad_sc),
        grid_spec=pltpu.PrefetchScalarGridSpec(
            num_scalar_prefetch=1,
            grid=(nebl,),
            in_specs=[
                pl.BlockSpec((EK, 1), lambda i, lo: (i, 0)),
                pl.BlockSpec((EK, 64), lambda i, lo: (i, 0)),
            ],
            out_specs=pl.BlockSpec((npad_sc, 64), lambda i, lo: (0, 0)),
        ),
        out_shape=jax.ShapeDtypeStruct((npad_sc, 64), f32),
    )

    dense = pl.pallas_call(
        functools.partial(_dense_kernel, n=n),
        grid=(nnbl,),
        in_specs=[
            pl.BlockSpec((NBLK, 64), lambda i: (i, 0)),
            pl.BlockSpec((NBLK, 8), lambda i: (i, 0)),
            pl.BlockSpec((NBLK, 8), lambda i: (i, 0)),
            pl.BlockSpec((8, 64), lambda i: (0, 0)),
            pl.BlockSpec((8, 64), lambda i: (0, 0)),
            pl.BlockSpec((64, 128), lambda i: (0, 0)),
            pl.BlockSpec((1, 128), lambda i: (0, 0)),
            pl.BlockSpec((128, 64), lambda i: (0, 0)),
            pl.BlockSpec((1, 64), lambda i: (0, 0)),
        ],
        out_specs=[
            pl.BlockSpec((NBLK, 64), lambda i: (i, 0)),
            pl.BlockSpec((8, 64), lambda i: (0, 0)),
        ],
        out_shape=[
            jax.ShapeDtypeStruct((npad_n, 64), f32),
            jax.ShapeDtypeStruct((8, 64), f32),
        ],
    )

    def make_apply(relu):
        return pl.pallas_call(
            functools.partial(_apply_kernel, n=n, relu=relu),
            grid=(nnbl,),
            in_specs=[
                pl.BlockSpec((NBLK, 64), lambda i: (i, 0)),
                pl.BlockSpec((8, 64), lambda i: (0, 0)),
                pl.BlockSpec((1, 64), lambda i: (0, 0)),
                pl.BlockSpec((1, 64), lambda i: (0, 0)),
            ],
            out_specs=pl.BlockSpec((NBLK, 64), lambda i: (i, 0)),
            out_shape=jax.ShapeDtypeStruct((npad_n, 64), f32),
        )

    apply_relu = make_apply(True)
    apply_last = make_apply(False)

    e1p = jnp.pad(edge_emb1, ((0, 0), (0, 3), (0, 0)))
    e2p = jnp.pad(edge_emb2, ((0, 0), (0, 5), (0, 0)))

    for l in range(nlayer):
        g = jnp.take(h, src_sp, axis=0)
        aggr = scatter(lo8, loc, g)
        hpre, stats = dense(aggr[:npad_n], c1, c2, e1p[l], e2p[l],
                            mlp_w1[l], mlp_b1[l].reshape(1, -1),
                            mlp_w2[l], mlp_b2[l].reshape(1, -1))
        app = apply_relu if l < nlayer - 1 else apply_last
        hp = app(hpre, stats, bn_gamma[l].reshape(1, -1),
                 bn_beta[l].reshape(1, -1))
        h = hp[:n]

    bpad = jnp.concatenate(
        [batch.astype(jnp.int32), jnp.full((padn,), 256, jnp.int32)])
    bpad = bpad.reshape(npad_n, 1)
    hpad = jnp.pad(h, ((0, padn), (0, 0)))
    pw3p = jnp.pad(pred_w3, ((0, 0), (0, 7)))
    pb3p = jnp.pad(pred_b3, ((0, 7))).reshape(1, 8)

    head = pl.pallas_call(
        functools.partial(_head_kernel, nsteps=nnbl),
        grid=(nnbl,),
        in_specs=[
            pl.BlockSpec((NBLK, 64), lambda i: (i, 0)),
            pl.BlockSpec((NBLK, 1), lambda i: (i, 0)),
            pl.BlockSpec((64, 512), lambda i: (0, 0)),
            pl.BlockSpec((1, 512), lambda i: (0, 0)),
            pl.BlockSpec((512, 256), lambda i: (0, 0)),
            pl.BlockSpec((1, 256), lambda i: (0, 0)),
            pl.BlockSpec((256, 256), lambda i: (0, 0)),
            pl.BlockSpec((1, 256), lambda i: (0, 0)),
            pl.BlockSpec((256, 8), lambda i: (0, 0)),
            pl.BlockSpec((1, 8), lambda i: (0, 0)),
        ],
        out_specs=[
            pl.BlockSpec((256, 64), lambda i: (0, 0)),
            pl.BlockSpec((256, 64), lambda i: (0, 0)),
            pl.BlockSpec((256, 8), lambda i: (0, 0)),
        ],
        out_shape=[
            jax.ShapeDtypeStruct((256, 64), f32),
            jax.ShapeDtypeStruct((256, 64), f32),
            jax.ShapeDtypeStruct((256, 8), f32),
        ],
    )
    _, _, z = head(hpad, bpad, feat_w, feat_b.reshape(1, -1),
                   pred_w1, pred_b1.reshape(1, -1),
                   pred_w2, pred_b2.reshape(1, -1),
                   pw3p, pb3p)
    return z[:, :1]

# --- scband reference (transcript-rebuilt; emitter-appended) ---
"""Pipeline reference for scband-ginet-10428180595432 (READ-ONLY COPY).

The authoritative reference and input builder live on the scoring server;
editing this copy changes nothing except your own understanding.
"""

import jax, jax.numpy as jnp
import numpy as np

N = 50000
E = 800000
EMB = 64
FEAT = 512
NLAYER = 5
NGRAPH = 256

def setup_inputs(seed: int = 0):
    key = jax.random.key(seed)
    ks = jax.random.split(key, 16)
    s = 0.1
    inp = {}
    inp['x'] = jax.random.randint(ks[0], (N, 2), 0, 3)
    inp['edge_index'] = jax.random.randint(ks[1], (2, E), 0, N)
    inp['edge_attr'] = jax.random.randint(ks[2], (E, 2), 0, 3)
    inp['batch'] = jnp.sort(jax.random.randint(ks[3], (N,), 0, NGRAPH))
    inp['x_emb1'] = jax.random.normal(ks[4], (119, EMB)) * s
    inp['x_emb2'] = jax.random.normal(ks[5], (3, EMB)) * s
    inp['edge_emb1'] = jax.random.normal(ks[6], (NLAYER, 5, EMB)) * s
    inp['edge_emb2'] = jax.random.normal(ks[7], (NLAYER, 3, EMB)) * s
    inp['mlp_w1'] = jax.random.normal(ks[8], (NLAYER, EMB, 2 * EMB)) * s
    inp['mlp_b1'] = jnp.zeros((NLAYER, 2 * EMB))
    inp['mlp_w2'] = jax.random.normal(ks[9], (NLAYER, 2 * EMB, EMB)) * s
    inp['mlp_b2'] = jnp.zeros((NLAYER, EMB))
    inp['bn_gamma'] = jnp.ones((NLAYER, EMB))
    inp['bn_beta'] = jnp.zeros((NLAYER, EMB))
    inp['feat_w'] = jax.random.normal(ks[10], (EMB, FEAT)) * s
    inp['feat_b'] = jnp.zeros((FEAT,))
    inp['pred_w1'] = jax.random.normal(ks[11], (FEAT, FEAT // 2)) * s
    inp['pred_b1'] = jnp.zeros((FEAT // 2,))
    inp['pred_w2'] = jax.random.normal(ks[12], (FEAT // 2, FEAT // 2)) * s
    inp['pred_b2'] = jnp.zeros((FEAT // 2,))
    inp['pred_w3'] = jax.random.normal(ks[13], (FEAT // 2, 1)) * s
    inp['pred_b3'] = jnp.zeros((1,))
    return inp

def _forward(x, edge_index, edge_attr, batch, x_emb1, x_emb2, edge_emb1, edge_emb2, mlp_w1, mlp_b1, mlp_w2, mlp_b2, bn_gamma, bn_beta, feat_w, feat_b, pred_w1, pred_b1, pred_w2, pred_b2, pred_w3, pred_b3):
    n = x.shape[0]
    # node embedding: sum of atom-type and chirality embeddings
    h = x_emb1[x[:, 0]] + x_emb2[x[:, 1]]
    # add self loops once (attrs identical across layers)
    loop = jnp.arange(n)
    src = jnp.concatenate([edge_index[0], loop])
    dst = jnp.concatenate([edge_index[1], loop])
    sl = jnp.concatenate([jnp.full((n, 1), 4, dtype=edge_attr.dtype), jnp.zeros((n, 1), dtype=edge_attr.dtype)], axis=1)
    ea = jnp.concatenate([edge_attr, sl], axis=0)
    for l in range(NLAYER):
        e_emb = edge_emb1[l][ea[:, 0]] + edge_emb2[l][ea[:, 1]]
        msg = h[src] + e_emb
        aggr = jax.ops.segment_sum(msg, dst, num_segments=n)
        hm = jax.nn.relu(aggr @ mlp_w1[l] + mlp_b1[l])
        h = hm @ mlp_w2[l] + mlp_b2[l]
        # BatchNorm1d in training mode (batch statistics), eps=1e-5
        mean = jnp.mean(h, axis=0)
        var = jnp.var(h, axis=0)
        h = (h - mean) / jnp.sqrt(var + 1e-5) * bn_gamma[l] + bn_beta[l]
        if l < NLAYER - 1:
            h = jax.nn.relu(h)
        # dropout with drop_ratio=0 is identity
    # global mean pool over graphs
    num = jax.ops.segment_sum(h, batch, num_segments=NGRAPH)
    cnt = jax.ops.segment_sum(jnp.ones((n, 1), h.dtype), batch, num_segments=NGRAPH)
    hg = num / jnp.maximum(cnt, 1.0)
    hf = hg @ feat_w + feat_b
    z = jax.nn.softplus(hf @ pred_w1 + pred_b1)
    z = jax.nn.softplus(z @ pred_w2 + pred_b2)
    z = z @ pred_w3 + pred_b3
    return z

def reference(x, edge_index, edge_attr, batch, x_emb1, x_emb2, edge_emb1, edge_emb2, mlp_w1, mlp_b1, mlp_w2, mlp_b2, bn_gamma, bn_beta, feat_w, feat_b, pred_w1, pred_b1, pred_w2, pred_b2, pred_w3, pred_b3):
    return _forward(x, edge_index, edge_attr, batch, x_emb1, x_emb2, edge_emb1, edge_emb2, mlp_w1, mlp_b1, mlp_w2, mlp_b2, bn_gamma, bn_beta, feat_w, feat_b, pred_w1, pred_b1, pred_w2, pred_b2, pred_w3, pred_b3)

if __name__ == "__main__":
    import jax
    _d = setup_inputs()
    print(jax.jit(kernel)(*tuple(_d.values())))

</pallas_src>

<mosaic_0001>
module attributes {stable_mosaic.version = 14 : i64} {
  func.func @_scatter_kernel(%arg0: i32, %arg1: memref<1661xi32, #tpu.memory_space<smem>>, %arg2: memref<512x1xi32, #tpu.memory_space<vmem>>, %arg3: memref<512x64xf32, #tpu.memory_space<vmem>>, %arg4: memref<50528x64xf32, #tpu.memory_space<vmem>>) attributes {dimension_semantics = [#tpu.dimension_semantics<arbitrary>], iteration_bounds = array<i64: 1661>, scalar_prefetch = 1 : i64, scratch_operands = 0 : i64, tpu.core_type = #tpu.core_type<tc>, window_params = [{transform_indices = @transform_0, window_bounds = array<i64: 512, 1>}, {transform_indices = @transform_1, window_bounds = array<i64: 512, 64>}, {pipeline_mode = #tpu.pipeline_mode<synchronous>, transform_indices = @transform_2, window_bounds = array<i64: 50528, 64>}]} {
    %eq3A = arith.constant 0 : i32
    %eq3A_0 = arith.cmpi eq, %arg0, %eq3A : i32
    %convert_element_type3A = arith.extui %eq3A_0 : i1 to i32
    %cond3A = arith.constant 0 : i32
    %cond3A_1 = arith.cmpi ne, %convert_element_type3A, %cond3A : i32
    scf.if %cond3A_1 {
      %broadcast_in_dim3A = arith.constant 0.000000e+00 : f32
      %broadcast_in_dim3A_19 = vector.broadcast %broadcast_in_dim3A : f32 to vector<50528x64xf32>
      %swap3A_20 = arith.constant 0 : index
      %swap3A_21 = arith.constant 0 : index
      %swap3A_22 = vector.load %arg4[%swap3A_20, %swap3A_21] : memref<50528x64xf32, #tpu.memory_space<vmem>>, vector<50528x64xf32>
      tpu.vector_store %arg4[%swap3A_20, %swap3A_21], %broadcast_in_dim3A_19 {strides = array<i32>} : memref<50528x64xf32, #tpu.memory_space<vmem>>, vector<50528x64xf32>,
    } else {
    }
    %get3A = arith.constant 0 : index
    %get3A_2 = arith.constant 0 : index
    %get3A_3 = vector.load %arg2[%get3A, %get3A_2] : memref<512x1xi32, #tpu.memory_space<vmem>>, vector<512x1xi32>
    %iota3A = tpu.iota {dimensions = array<i32: 1>} : vector<512x520xi32>
    %eq3A_4 = vector.broadcast %get3A_3 : vector<512x1xi32> to vector<512x520xi32>
    %eq3A_5 = arith.cmpi eq, %iota3A, %eq3A_4 : vector<512x520xi32>
    %convert_element_type3A_6 = arith.extui %eq3A_5 : vector<512x520xi1> to vector<512x520xi32>
    %convert_element_type3A_7 = arith.sitofp %convert_element_type3A_6 : vector<512x520xi32> to vector<512x520xf32>
    %get3A_8 = arith.constant 0 : index
    %get3A_9 = arith.constant 0 : index
    %get3A_10 = vector.load %arg3[%get3A_8, %get3A_9] : memref<512x64xf32, #tpu.memory_space<vmem>>, vector<512x64xf32>
    %dot_general3A = arith.constant dense<0.000000e+00> : vector<520x64xf32>
    %dot_general3A_11 = tpu.matmul %convert_element_type3A_7, %get3A_10, %dot_general3A {dimension_numbers = #tpu.dot_dimension_numbers<[0], [0], [1], [1], [0, 1, 1, 1], [], []>, precision = #tpu.contract_precision<fp32>, transpose_lhs_hint = false} : vector<512x520xf32>, vector<512x64xf32>, vector<520x64xf32> -> vector<520x64xf32>
    %get3A_12 = arith.index_cast %arg0 : i32 to index
    %get3A_13 = memref.load %arg1[%get3A_12] : memref<1661xi32, #tpu.memory_space<smem>>
    %get3A_14 = arith.index_cast %get3A_13 : i32 to index
    %get3A_15 = arith.constant 0 : index
    %get3A_16 = vector.load %arg4[%get3A_14, %get3A_15] : memref<50528x64xf32, #tpu.memory_space<vmem>>, vector<520x64xf32>
    %add3A = arith.addf %get3A_16, %dot_general3A_11 : vector<520x64xf32>
    %swap3A = arith.index_cast %get3A_13 : i32 to index
    %swap3A_17 = arith.constant 0 : index
    %swap3A_18 = vector.load %arg4[%swap3A, %swap3A_17] : memref<50528x64xf32, #tpu.memory_space<vmem>>, vector<520x64xf32>
    tpu.vector_store %arg4[%swap3A, %swap3A_17], %add3A {strides = array<i32>} : memref<50528x64xf32, #tpu.memory_space<vmem>>, vector<520x64xf32>,
    return
  }
  func.func @transform_0(%arg0: i32, %arg1: memref<1661xi32, #tpu.memory_space<smem>>) -> (i32, i32) {
    %c0_i32 = arith.constant 0 : i32
    %c0_i32_0 = arith.constant 0 : i32
    return %arg0, %c0_i32 : i32, i32
  }
  func.func @transform_1(%arg0: i32, %arg1: memref<1661xi32, #tpu.memory_space<smem>>) -> (i32, i32) {
    %c0_i32 = arith.constant 0 : i32
    %c0_i32_0 = arith.constant 0 : i32
    return %arg0, %c0_i32 : i32, i32
  }
  func.func @transform_2(%arg0: i32, %arg1: memref<1661xi32, #tpu.memory_space<smem>>) -> (i32, i32) {
    %c0_i32 = arith.constant 0 : i32
    %c0_i32_0 = arith.constant 0 : i32
    %c0_i32_1 = arith.constant 0 : i32
    return %c0_i32, %c0_i32_0 : i32, i32
  }
}

module attributes {stable_mosaic.version = 14 : i64} {
  func.func @_dense_kernel(%arg0: i32, %arg1: memref<512x64xf32, #tpu.memory_space<vmem>>, %arg2: memref<512x8xf32, #tpu.memory_space<vmem>>, %arg3: memref<512x8xf32, #tpu.memory_space<vmem>>, %arg4: memref<8x64xf32, #tpu.memory_space<vmem>>, %arg5: memref<8x64xf32, #tpu.memory_space<vmem>>, %arg6: memref<64x128xf32, #tpu.memory_space<vmem>>, %arg7: memref<1x128xf32, #tpu.memory_space<vmem>>, %arg8: memref<128x64xf32, #tpu.memory_space<vmem>>, %arg9: memref<1x64xf32, #tpu.memory_space<vmem>>, %arg10: memref<512x64xf32, #tpu.memory_space<vmem>>, %arg11: memref<8x64xf32, #tpu.memory_space<vmem>>) attributes {dimension_semantics = [#tpu.dimension_semantics<arbitrary>], iteration_bounds = array<i64: 98>, scalar_prefetch = 0 : i64, scratch_operands = 0 : i64, tpu.core_type = #tpu.core_type<tc>, window_params = [{transform_indices = @transform_0, window_bounds = array<i64: 512, 64>}, {transform_indices = @transform_1, window_bounds = array<i64: 512, 8>}, {transform_indices = @transform_2, window_bounds = array<i64: 512, 8>}, {pipeline_mode = #tpu.pipeline_mode<synchronous>, transform_indices = @transform_3, window_bounds = array<i64: 8, 64>}, {pipeline_mode = #tpu.pipeline_mode<synchronous>, transform_indices = @transform_4, window_bounds = array<i64: 8, 64>}, {pipeline_mode = #tpu.pipeline_mode<synchronous>, transform_indices = @transform_5, window_bounds = array<i64: 64, 128>}, {pipeline_mode = #tpu.pipeline_mode<synchronous>, transform_indices = @transform_6, window_bounds = array<i64: 1, 128>}, {pipeline_mode = #tpu.pipeline_mode<synchronous>, transform_indices = @transform_7, window_bounds = array<i64: 128, 64>}, {pipeline_mode = #tpu.pipeline_mode<synchronous>, transform_indices = @transform_8, window_bounds = array<i64: 1, 64>}, {transform_indices = @transform_9, window_bounds = array<i64: 512, 64>}, {pipeline_mode = #tpu.pipeline_mode<synchronous>, transform_indices = @transform_10, window_bounds = array<i64: 8, 64>}]} {
    %get3A = arith.constant 0 : index
    %get3A_0 = arith.constant 0 : index
    %get3A_1 = vector.load %arg1[%get3A, %get3A_0] : memref<512x64xf32, #tpu.memory_space<vmem>>, vector<512x64xf32>
    %get3A_2 = arith.constant 0 : index
    %get3A_3 = arith.constant 0 : index
    %get3A_4 = vector.load %arg2[%get3A_2, %get3A_3] : memref<512x8xf32, #tpu.memory_space<vmem>>, vector<512x8xf32>
    %get3A_5 = arith.constant 0 : index
    %get3A_6 = arith.constant 0 : index
    %get3A_7 = vector.load %arg4[%get3A_5, %get3A_6] : memref<8x64xf32, #tpu.memory_space<vmem>>, vector<8x64xf32>
    %dot_general3A = arith.constant dense<0.000000e+00> : vector<512x64xf32>
    %dot_general3A_8 = tpu.matmul %get3A_4, %get3A_7, %dot_general3A {dimension_numbers = #tpu.dot_dimension_numbers<[1], [0], [0], [1], [0, 0, 1, 1], [], []>, precision = #tpu.contract_precision<fp32>, transpose_lhs_hint = false} : vector<512x8xf32>, vector<8x64xf32>, vector<512x64xf32> -> vector<512x64xf32>
    %add3A = arith.addf %get3A_1, %dot_general3A_8 : vector<512x64xf32>
    %get3A_9 = arith.constant 0 : index
    %get3A_10 = arith.constant 0 : index
    %get3A_11 = vector.load %arg3[%get3A_9, %get3A_10] : memref<512x8xf32, #tpu.memory_space<vmem>>, vector<512x8xf32>
    %get3A_12 = arith.constant 0 : index
    %get3A_13 = arith.constant 0 : index
    %get3A_14 = vector.load %arg5[%get3A_12, %get3A_13] : memref<8x64xf32, #tpu.memory_space<vmem>>, vector<8x64xf32>
    %dot_general3A_15 = arith.constant dense<0.000000e+00> : vector<512x64xf32>
    %dot_general3A_16 = tpu.matmul %get3A_11, %get3A_14, %dot_general3A_15 {dimension_numbers = #tpu.dot_dimension_numbers<[1], [0], [0], [1], [0, 0, 1, 1], [], []>, precision = #tpu.contract_precision<fp32>, transpose_lhs_hint = false} : vector<512x8xf32>, vector<8x64xf32>, vector<512x64xf32> -> vector<512x64xf32>
    %add3A_17 = arith.addf %add3A, %dot_general3A_16 : vector<512x64xf32>
    %get3A_18 = arith.constant 0 : index
    %get3A_19 = arith.constant 0 : index
    %get3A_20 = vector.load %arg6[%get3A_18, %get3A_19] : memref<64x128xf32, #tpu.memory_space<vmem>>, vector<64x128xf32>
    %dot_general3A_21 = arith.constant dense<0.000000e+00> : vector<512x128xf32>
    %dot_general3A_22 = tpu.matmul %add3A_17, %get3A_20, %dot_general3A_21 {dimension_numbers = #tpu.dot_dimension_numbers<[1], [0], [0], [1], [0, 0, 1, 1], [], []>, precision = #tpu.contract_precision<fp32>, transpose_lhs_hint = false} : vector<512x64xf32>, vector<64x128xf32>, vector<512x128xf32> -> vector<512x128xf32>
    %get3A_23 = arith.constant 0 : index
    %get3A_24 = arith.constant 0 : index
    %get3A_25 = vector.load %arg7[%get3A_23, %get3A_24] : memref<1x128xf32, #tpu.memory_space<vmem>>, vector<1x128xf32>
    %add3A_26 = vector.broadcast %get3A_25 : vector<1x128xf32> to vector<512x128xf32>
    %add3A_27 = arith.addf %dot_general3A_22, %add3A_26 : vector<512x128xf32>
    %max3A = arith.constant 0.000000e+00 : f32
    %max3A_28 = vector.broadcast %max3A : f32 to vector<512x128xf32>
    %max3A_29 = arith.maximumf %add3A_27, %max3A_28 : vector<512x128xf32>
    %get3A_30 = arith.constant 0 : index
    %get3A_31 = arith.constant 0 : index
    %get3A_32 = vector.load %arg8[%get3A_30, %get3A_31] : memref<128x64xf32, #tpu.memory_space<vmem>>, vector<128x64xf32>
    %dot_general3A_33 = arith.constant dense<0.000000e+00> : vector<512x64xf32>
    %dot_general3A_34 = tpu.matmul %max3A_29, %get3A_32, %dot_general3A_33 {dimension_numbers = #tpu.dot_dimension_numbers<[1], [0], [0], [1], [0, 0, 1, 1], [], []>, precision = #tpu.contract_precision<fp32>, transpose_lhs_hint = false} : vector<512x128xf32>, vector<128x64xf32>, vector<512x64xf32> -> vector<512x64xf32>
    %get3A_35 = arith.constant 0 : index
    %get3A_36 = arith.constant 0 : index
    %get3A_37 = vector.load %arg9[%get3A_35, %get3A_36] : memref<1x64xf32, #tpu.memory_space<vmem>>, vector<1x64xf32>
    %add3A_38 = vector.broadcast %get3A_37 : vector<1x64xf32> to vector<512x64xf32>
    %add3A_39 = arith.addf %dot_general3A_34, %add3A_38 : vector<512x64xf32>
    %swap3A = arith.constant 0 : index
    %swap3A_40 = arith.constant 0 : index
    %swap3A_41 = vector.load %arg10[%swap3A, %swap3A_40] : memref<512x64xf32, #tpu.memory_space<vmem>>, vector<512x64xf32>
    tpu.vector_store %arg10[%swap3A, %swap3A_40], %add3A_39 {strides = array<i32>} : memref<512x64xf32, #tpu.memory_space<vmem>>, vector<512x64xf32>,
    %eq3A = arith.constant 0 : i32
    %eq3A_42 = arith.cmpi eq, %arg0, %eq3A : i32
    %convert_element_type3A = arith.extui %eq3A_42 : i1 to i32
    %cond3A = arith.constant 0 : i32
    %cond3A_43 = arith.cmpi ne, %convert_element_type3A, %cond3A : i32
    scf.if %cond3A_43 {
      %broadcast_in_dim3A_72 = arith.constant 0.000000e+00 : f32
      %broadcast_in_dim3A_73 = vector.broadcast %broadcast_in_dim3A_72 : f32 to vector<8x64xf32>
      %swap3A_74 = arith.constant 0 : index
      %swap3A_75 = arith.constant 0 : index
      %swap3A_76 = vector.load %arg11[%swap3A_74, %swap3A_75] : memref<8x64xf32, #tpu.memory_space<vmem>>, vector<8x64xf32>
      tpu.vector_store %arg11[%swap3A_74, %swap3A_75], %broadcast_in_dim3A_73 {strides = array<i32>} : memref<8x64xf32, #tpu.memory_space<vmem>>, vector<8x64xf32>,
    } else {
    }
    %iota3A = tpu.iota {dimensions = array<i32: 0>} : vector<512x1xi32>
    %mul3A = arith.constant 512 : i32
    %mul3A_44 = arith.muli %arg0, %mul3A : i32
    %add3A_45 = vector.broadcast %mul3A_44 : i32 to vector<512x1xi32>
    %add3A_46 = arith.addi %iota3A, %add3A_45 : vector<512x1xi32>
    %lt3A = arith.constant 50000 : i32
    %lt3A_47 = vector.broadcast %lt3A : i32 to vector<512x1xi32>
    %lt3A_48 = arith.cmpi slt, %add3A_46, %lt3A_47 : vector<512x1xi32>
    %convert_element_type3A_49 = arith.extui %lt3A_48 : vector<512x1xi1> to vector<512x1xi32>
    %convert_element_type3A_50 = arith.sitofp %convert_element_type3A_49 : vector<512x1xi32> to vector<512x1xf32>
    %mul3A_51 = vector.broadcast %convert_element_type3A_50 : vector<512x1xf32> to vector<512x64xf32>
    %mul3A_52 = arith.mulf %add3A_39, %mul3A_51 : vector<512x64xf32>
    %reduce_sum3A = arith.constant dense<0.000000e+00> : vector<64xf32>
    %reduce_sum3A_53 = vector.multi_reduction <add>, %mul3A_52, %reduce_sum3A [0] : vector<512x64xf32> to vector<64xf32>
    %broadcast_in_dim3A = vector.shape_cast %reduce_sum3A_53 : vector<64xf32> to vector<1x64xf32>
    %mul3A_54 = arith.mulf %mul3A_52, %add3A_39 : vector<512x64xf32>
    %reduce_sum3A_55 = arith.constant dense<0.000000e+00> : vector<64xf32>
    %reduce_sum3A_56 = vector.multi_reduction <add>, %mul3A_54, %reduce_sum3A_55 [0] : vector<512x64xf32> to vector<64xf32>
    %broadcast_in_dim3A_57 = vector.shape_cast %reduce_sum3A_56 : vector<64xf32> to vector<1x64xf32>
    %get3A_58 = arith.constant 0 : index
    %get3A_59 = arith.constant 0 : index
    %get3A_60 = vector.load %arg11[%get3A_58, %get3A_59] : memref<8x64xf32, #tpu.memory_space<vmem>>, vector<1x64xf32>
    %add3A_61 = arith.addf %get3A_60, %broadcast_in_dim3A : vector<1x64xf32>
    %swap3A_62 = arith.constant 0 : index
    %swap3A_63 = arith.constant 0 : index
    %swap3A_64 = vector.load %arg11[%swap3A_62, %swap3A_63] : memref<8x64xf32, #tpu.memory_space<vmem>>, vector<1x64xf32>
    tpu.vector_store %arg11[%swap3A_62, %swap3A_63], %add3A_61 {strides = array<i32>} : memref<8x64xf32, #tpu.memory_space<vmem>>, vector<1x64xf32>,
    %get3A_65 = arith.constant 1 : index
    %get3A_66 = arith.constant 0 : index
    %get3A_67 = vector.load %arg11[%get3A_65, %get3A_66] : memref<8x64xf32, #tpu.memory_space<vmem>>, vector<1x64xf32>
    %add3A_68 = arith.addf %get3A_67, %broadcast_in_dim3A_57 : vector<1x64xf32>
    %swap3A_69 = arith.constant 1 : index
    %swap3A_70 = arith.constant 0 : index
    %swap3A_71 = vector.load %arg11[%swap3A_69, %swap3A_70] : memref<8x64xf32, #tpu.memory_space<vmem>>, vector<1x64xf32>
    tpu.vector_store %arg11[%swap3A_69, %swap3A_70], %add3A_68 {strides = array<i32>} : memref<8x64xf32, #tpu.memory_space<vmem>>, vector<1x64xf32>,
    return
  }
  func.func @transform_0(%arg0: i32) -> (i32, i32) {
    %c0_i32 = arith.constant 0 : i32
    %c0_i32_0 = arith.constant 0 : i32
    return %arg0, %c0_i32 : i32, i32
  }
  func.func @transform_1(%arg0: i32) -> (i32, i32) {
    %c0_i32 = arith.constant 0 : i32
    %c0_i32_0 = arith.constant 0 : i32
    return %arg0, %c0_i32 : i32, i32
  }
  func.func @transform_2(%arg0: i32) -> (i32, i32) {
    %c0_i32 = arith.constant 0 : i32
    %c0_i32_0 = arith.constant 0 : i32
    return %arg0, %c0_i32 : i32, i32
  }
  func.func @transform_3(%arg0: i32) -> (i32, i32) {
    %c0_i32 = arith.constant 0 : i32
    %c0_i32_0 = arith.constant 0 : i32
    %c0_i32_1 = arith.constant 0 : i32
    return %c0_i32, %c0_i32_0 : i32, i32
  }
  func.func @transform_4(%arg0: i32) -> (i32, i32) {
    %c0_i32 = arith.constant 0 : i32
    %c0_i32_0 = arith.constant 0 : i32
    %c0_i32_1 = arith.constant 0 : i32
    return %c0_i32, %c0_i32_0 : i32, i32
  }
  func.func @transform_5(%arg0: i32) -> (i32, i32) {
    %c0_i32 = arith.constant 0 : i32
    %c0_i32_0 = arith.constant 0 : i32
    %c0_i32_1 = arith.constant 0 : i32
    return %c0_i32, %c0_i32_0 : i32, i32
  }
  func.func @transform_6(%arg0: i32) -> (i32, i32) {
    %c0_i32 = arith.constant 0 : i32
    %c0_i32_0 = arith.constant 0 : i32
    %c0_i32_1 = arith.constant 0 : i32
    return %c0_i32, %c0_i32_0 : i32, i32
  }
  func.func @transform_7(%arg0: i32) -> (i32, i32) {
    %c0_i32 = arith.constant 0 : i32
    %c0_i32_0 = arith.constant 0 : i32
    %c0_i32_1 = arith.constant 0 : i32
    return %c0_i32, %c0_i32_0 : i32, i32
  }
  func.func @transform_8(%arg0: i32) -> (i32, i32) {
    %c0_i32 = arith.constant 0 : i32
    %c0_i32_0 = arith.constant 0 : i32
    %c0_i32_1 = arith.constant 0 : i32
    return %c0_i32, %c0_i32_0 : i32, i32
  }
  func.func @transform_9(%arg0: i32) -> (i32, i32) {
    %c0_i32 = arith.constant 0 : i32
    %c0_i32_0 = arith.constant 0 : i32
    return %arg0, %c0_i32 : i32, i32
  }
  func.func @transform_10(%arg0: i32) -> (i32, i32) {
    %c0_i32 = arith.constant 0 : i32
    %c0_i32_0 = arith.constant 0 : i32
    %c0_i32_1 = arith.constant 0 : i32
    return %c0_i32, %c0_i32_0 : i32, i32
  }
}

module attributes {stable_mosaic.version = 14 : i64} {
  func.func @_apply_kernel(%arg0: i32, %arg1: memref<512x64xf32, #tpu.memory_space<vmem>>, %arg2: memref<8x64xf32, #tpu.memory_space<vmem>>, %arg3: memref<1x64xf32, #tpu.memory_space<vmem>>, %arg4: memref<1x64xf32, #tpu.memory_space<vmem>>, %arg5: memref<512x64xf32, #tpu.memory_space<vmem>>) attributes {dimension_semantics = [#tpu.dimension_semantics<arbitrary>], iteration_bounds = array<i64: 98>, scalar_prefetch = 0 : i64, scratch_operands = 0 : i64, tpu.core_type = #tpu.core_type<tc>, window_params = [{transform_indices = @transform_0, window_bounds = array<i64: 512, 64>}, {pipeline_mode = #tpu.pipeline_mode<synchronous>, transform_indices = @transform_1, window_bounds = array<i64: 8, 64>}, {pipeline_mode = #tpu.pipeline_mode<synchronous>, transform_indices = @transform_2, window_bounds = array<i64: 1, 64>}, {pipeline_mode = #tpu.pipeline_mode<synchronous>, transform_indices = @transform_3, window_bounds = array<i64: 1, 64>}, {transform_indices = @transform_4, window_bounds = array<i64: 512, 64>}]} {
    %get3A = arith.constant 0 : index
    %get3A_0 = arith.constant 0 : index
    %get3A_1 = vector.load %arg2[%get3A, %get3A_0] : memref<8x64xf32, #tpu.memory_space<vmem>>, vector<1x64xf32>
    %div3A = arith.constant 5.000000e+04 : f32
    %div3A_2 = vector.broadcast %div3A : f32 to vector<1x64xf32>
    %div3A_3 = arith.divf %get3A_1, %div3A_2 : vector<1x64xf32>
    %get3A_4 = arith.constant 1 : index
    %get3A_5 = arith.constant 0 : index
    %get3A_6 = vector.load %arg2[%get3A_4, %get3A_5] : memref<8x64xf32, #tpu.memory_space<vmem>>, vector<1x64xf32>
    %div3A_7 = arith.constant 5.000000e+04 : f32
    %div3A_8 = vector.broadcast %div3A_7 : f32 to vector<1x64xf32>
    %div3A_9 = arith.divf %get3A_6, %div3A_8 : vector<1x64xf32>
    %mul3A = arith.mulf %div3A_3, %div3A_3 : vector<1x64xf32>
    %sub3A = arith.subf %div3A_9, %mul3A : vector<1x64xf32>
    %get3A_10 = arith.constant 0 : index
    %get3A_11 = arith.constant 0 : index
    %get3A_12 = vector.load %arg1[%get3A_10, %get3A_11] : memref<512x64xf32, #tpu.memory_space<vmem>>, vector<512x64xf32>
    %sub3A_13 = vector.broadcast %div3A_3 : vector<1x64xf32> to vector<512x64xf32>
    %sub3A_14 = arith.subf %get3A_12, %sub3A_13 : vector<512x64xf32>
    %add3A = arith.constant 9.99999974E-6 : f32
    %add3A_15 = vector.broadcast %add3A : f32 to vector<1x64xf32>
    %add3A_16 = arith.addf %sub3A, %add3A_15 : vector<1x64xf32>
    %rsqrt3A = math.rsqrt %add3A_16 : vector<1x64xf32>
    %mul3A_17 = vector.broadcast %rsqrt3A : vector<1x64xf32> to vector<512x64xf32>
    %mul3A_18 = arith.mulf %sub3A_14, %mul3A_17 : vector<512x64xf32>
    %get3A_19 = arith.constant 0 : index
    %get3A_20 = arith.constant 0 : index
    %get3A_21 = vector.load %arg3[%get3A_19, %get3A_20] : memref<1x64xf32, #tpu.memory_space<vmem>>, vector<1x64xf32>
    %mul3A_22 = vector.broadcast %get3A_21 : vector<1x64xf32> to vector<512x64xf32>
    %mul3A_23 = arith.mulf %mul3A_18, %mul3A_22 : vector<512x64xf32>
    %get3A_24 = arith.constant 0 : index
    %get3A_25 = arith.constant 0 : index
    %get3A_26 = vector.load %arg4[%get3A_24, %get3A_25] : memref<1x64xf32, #tpu.memory_space<vmem>>, vector<1x64xf32>
    %add3A_27 = vector.broadcast %get3A_26 : vector<1x64xf32> to vector<512x64xf32>
    %add3A_28 = arith.addf %mul3A_23, %add3A_27 : vector<512x64xf32>
    %max3A = arith.constant 0.000000e+00 : f32
    %max3A_29 = vector.broadcast %max3A : f32 to vector<512x64xf32>
    %max3A_30 = arith.maximumf %add3A_28, %max3A_29 : vector<512x64xf32>
    %swap3A = arith.constant 0 : index
    %swap3A_31 = arith.constant 0 : index
    %swap3A_32 = vector.load %arg5[%swap3A, %swap3A_31] : memref<512x64xf32, #tpu.memory_space<vmem>>, vector<512x64xf32>
    tpu.vector_store %arg5[%swap3A, %swap3A_31], %max3A_30 {strides = array<i32>} : memref<512x64xf32, #tpu.memory_space<vmem>>, vector<512x64xf32>,
    return
  }
  func.func @transform_0(%arg0: i32) -> (i32, i32) {
    %c0_i32 = arith.constant 0 : i32
    %c0_i32_0 = arith.constant 0 : i32
    return %arg0, %c0_i32 : i32, i32
  }
  func.func @transform_1(%arg0: i32) -> (i32, i32) {
    %c0_i32 = arith.constant 0 : i32
    %c0_i32_0 = arith.constant 0 : i32
    %c0_i32_1 = arith.constant 0 : i32
    return %c0_i32, %c0_i32_0 : i32, i32
  }
  func.func @transform_2(%arg0: i32) -> (i32, i32) {
    %c0_i32 = arith.constant 0 : i32
    %c0_i32_0 = arith.constant 0 : i32
    %c0_i32_1 = arith.constant 0 : i32
    return %c0_i32, %c0_i32_0 : i32, i32
  }
  func.func @transform_3(%arg0: i32) -> (i32, i32) {
    %c0_i32 = arith.constant 0 : i32
    %c0_i32_0 = arith.constant 0 : i32
    %c0_i32_1 = arith.constant 0 : i32
    return %c0_i32, %c0_i32_0 : i32, i32
  }
  func.func @transform_4(%arg0: i32) -> (i32, i32) {
    %c0_i32 = arith.constant 0 : i32
    %c0_i32_0 = arith.constant 0 : i32
    return %arg0, %c0_i32 : i32, i32
  }
}

module attributes {stable_mosaic.version = 14 : i64} {
  func.func @_apply_kernel(%arg0: i32, %arg1: memref<512x64xf32, #tpu.memory_space<vmem>>, %arg2: memref<8x64xf32, #tpu.memory_space<vmem>>, %arg3: memref<1x64xf32, #tpu.memory_space<vmem>>, %arg4: memref<1x64xf32, #tpu.memory_space<vmem>>, %arg5: memref<512x64xf32, #tpu.memory_space<vmem>>) attributes {dimension_semantics = [#tpu.dimension_semantics<arbitrary>], iteration_bounds = array<i64: 98>, scalar_prefetch = 0 : i64, scratch_operands = 0 : i64, tpu.core_type = #tpu.core_type<tc>, window_params = [{transform_indices = @transform_0, window_bounds = array<i64: 512, 64>}, {pipeline_mode = #tpu.pipeline_mode<synchronous>, transform_indices = @transform_1, window_bounds = array<i64: 8, 64>}, {pipeline_mode = #tpu.pipeline_mode<synchronous>, transform_indices = @transform_2, window_bounds = array<i64: 1, 64>}, {pipeline_mode = #tpu.pipeline_mode<synchronous>, transform_indices = @transform_3, window_bounds = array<i64: 1, 64>}, {transform_indices = @transform_4, window_bounds = array<i64: 512, 64>}]} {
    %get3A = arith.constant 0 : index
    %get3A_0 = arith.constant 0 : index
    %get3A_1 = vector.load %arg2[%get3A, %get3A_0] : memref<8x64xf32, #tpu.memory_space<vmem>>, vector<1x64xf32>
    %div3A = arith.constant 5.000000e+04 : f32
    %div3A_2 = vector.broadcast %div3A : f32 to vector<1x64xf32>
    %div3A_3 = arith.divf %get3A_1, %div3A_2 : vector<1x64xf32>
    %get3A_4 = arith.constant 1 : index
    %get3A_5 = arith.constant 0 : index
    %get3A_6 = vector.load %arg2[%get3A_4, %get3A_5] : memref<8x64xf32, #tpu.memory_space<vmem>>, vector<1x64xf32>
    %div3A_7 = arith.constant 5.000000e+04 : f32
    %div3A_8 = vector.broadcast %div3A_7 : f32 to vector<1x64xf32>
    %div3A_9 = arith.divf %get3A_6, %div3A_8 : vector<1x64xf32>
    %mul3A = arith.mulf %div3A_3, %div3A_3 : vector<1x64xf32>
    %sub3A = arith.subf %div3A_9, %mul3A : vector<1x64xf32>
    %get3A_10 = arith.constant 0 : index
    %get3A_11 = arith.constant 0 : index
    %get3A_12 = vector.load %arg1[%get3A_10, %get3A_11] : memref<512x64xf32, #tpu.memory_space<vmem>>, vector<512x64xf32>
    %sub3A_13 = vector.broadcast %div3A_3 : vector<1x64xf32> to vector<512x64xf32>
    %sub3A_14 = arith.subf %get3A_12, %sub3A_13 : vector<512x64xf32>
    %add3A = arith.constant 9.99999974E-6 : f32
    %add3A_15 = vector.broadcast %add3A : f32 to vector<1x64xf32>
    %add3A_16 = arith.addf %sub3A, %add3A_15 : vector<1x64xf32>
    %rsqrt3A = math.rsqrt %add3A_16 : vector<1x64xf32>
    %mul3A_17 = vector.broadcast %rsqrt3A : vector<1x64xf32> to vector<512x64xf32>
    %mul3A_18 = arith.mulf %sub3A_14, %mul3A_17 : vector<512x64xf32>
    %get3A_19 = arith.constant 0 : index
    %get3A_20 = arith.constant 0 : index
    %get3A_21 = vector.load %arg3[%get3A_19, %get3A_20] : memref<1x64xf32, #tpu.memory_space<vmem>>, vector<1x64xf32>
    %mul3A_22 = vector.broadcast %get3A_21 : vector<1x64xf32> to vector<512x64xf32>
    %mul3A_23 = arith.mulf %mul3A_18, %mul3A_22 : vector<512x64xf32>
    %get3A_24 = arith.constant 0 : index
    %get3A_25 = arith.constant 0 : index
    %get3A_26 = vector.load %arg4[%get3A_24, %get3A_25] : memref<1x64xf32, #tpu.memory_space<vmem>>, vector<1x64xf32>
    %add3A_27 = vector.broadcast %get3A_26 : vector<1x64xf32> to vector<512x64xf32>
    %add3A_28 = arith.addf %mul3A_23, %add3A_27 : vector<512x64xf32>
    %swap3A = arith.constant 0 : index
    %swap3A_29 = arith.constant 0 : index
    %swap3A_30 = vector.load %arg5[%swap3A, %swap3A_29] : memref<512x64xf32, #tpu.memory_space<vmem>>, vector<512x64xf32>
    tpu.vector_store %arg5[%swap3A, %swap3A_29], %add3A_28 {strides = array<i32>} : memref<512x64xf32, #tpu.memory_space<vmem>>, vector<512x64xf32>,
    return
  }
  func.func @transform_0(%arg0: i32) -> (i32, i32) {
    %c0_i32 = arith.constant 0 : i32
    %c0_i32_0 = arith.constant 0 : i32
    return %arg0, %c0_i32 : i32, i32
  }
  func.func @transform_1(%arg0: i32) -> (i32, i32) {
    %c0_i32 = arith.constant 0 : i32
    %c0_i32_0 = arith.constant 0 : i32
    %c0_i32_1 = arith.constant 0 : i32
    return %c0_i32, %c0_i32_0 : i32, i32
  }
  func.func @transform_2(%arg0: i32) -> (i32, i32) {
    %c0_i32 = arith.constant 0 : i32
    %c0_i32_0 = arith.constant 0 : i32
    %c0_i32_1 = arith.constant 0 : i32
    return %c0_i32, %c0_i32_0 : i32, i32
  }
  func.func @transform_3(%arg0: i32) -> (i32, i32) {
    %c0_i32 = arith.constant 0 : i32
    %c0_i32_0 = arith.constant 0 : i32
    %c0_i32_1 = arith.constant 0 : i32
    return %c0_i32, %c0_i32_0 : i32, i32
  }
  func.func @transform_4(%arg0: i32) -> (i32, i32) {
    %c0_i32 = arith.constant 0 : i32
    %c0_i32_0 = arith.constant 0 : i32
    return %arg0, %c0_i32 : i32, i32
  }
}

module attributes {stable_mosaic.version = 14 : i64} {
  func.func @_head_kernel(%arg0: i32, %arg1: memref<512x64xf32, #tpu.memory_space<vmem>>, %arg2: memref<512x1xi32, #tpu.memory_space<vmem>>, %arg3: memref<64x512xf32, #tpu.memory_space<vmem>>, %arg4: memref<1x512xf32, #tpu.memory_space<vmem>>, %arg5: memref<512x256xf32, #tpu.memory_space<vmem>>, %arg6: memref<1x256xf32, #tpu.memory_space<vmem>>, %arg7: memref<256x256xf32, #tpu.memory_space<vmem>>, %arg8: memref<1x256xf32, #tpu.memory_space<vmem>>, %arg9: memref<256x8xf32, #tpu.memory_space<vmem>>, %arg10: memref<1x8xf32, #tpu.memory_space<vmem>>, %arg11: memref<256x64xf32, #tpu.memory_space<vmem>>, %arg12: memref<256x64xf32, #tpu.memory_space<vmem>>, %arg13: memref<256x8xf32, #tpu.memory_space<vmem>>) attributes {dimension_semantics = [#tpu.dimension_semantics<arbitrary>], iteration_bounds = array<i64: 98>, scalar_prefetch = 0 : i64, scratch_operands = 0 : i64, tpu.core_type = #tpu.core_type<tc>, window_params = [{transform_indices = @transform_0, window_bounds = array<i64: 512, 64>}, {transform_indices = @transform_1, window_bounds = array<i64: 512, 1>}, {pipeline_mode = #tpu.pipeline_mode<synchronous>, transform_indices = @transform_2, window_bounds = array<i64: 64, 512>}, {pipeline_mode = #tpu.pipeline_mode<synchronous>, transform_indices = @transform_3, window_bounds = array<i64: 1, 512>}, {pipeline_mode = #tpu.pipeline_mode<synchronous>, transform_indices = @transform_4, window_bounds = array<i64: 512, 256>}, {pipeline_mode = #tpu.pipeline_mode<synchronous>, transform_indices = @transform_5, window_bounds = array<i64: 1, 256>}, {pipeline_mode = #tpu.pipeline_mode<synchronous>, transform_indices = @transform_6, window_bounds = array<i64: 256, 256>}, {pipeline_mode = #tpu.pipeline_mode<synchronous>, transform_indices = @transform_7, window_bounds = array<i64: 1, 256>}, {pipeline_mode = #tpu.pipeline_mode<synchronous>, transform_indices = @transform_8, window_bounds = array<i64: 256, 8>}, {pipeline_mode = #tpu.pipeline_mode<synchronous>, transform_indices = @transform_9, window_bounds = array<i64: 1, 8>}, {pipeline_mode = #tpu.pipeline_mode<synchronous>, transform_indices = @transform_10, window_bounds = array<i64: 256, 64>}, {pipeline_mode = #tpu.pipeline_mode<synchronous>, transform_indices = @transform_11, window_bounds = array<i64: 256, 64>}, {pipeline_mode = #tpu.pipeline_mode<synchronous>, transform_indices = @transform_12, window_bounds = array<i64: 256, 8>}]} {
    %eq3A = arith.constant 0 : i32
    %eq3A_0 = arith.cmpi eq, %arg0, %eq3A : i32
    %convert_element_type3A = arith.extui %eq3A_0 : i1 to i32
    %cond3A = arith.constant 0 : i32
    %cond3A_1 = arith.cmpi ne, %convert_element_type3A, %cond3A : i32
    scf.if %cond3A_1 {
      %broadcast_in_dim3A_32 = arith.constant 0.000000e+00 : f32
      %broadcast_in_dim3A_33 = vector.broadcast %broadcast_in_dim3A_32 : f32 to vector<256x64xf32>
      %swap3A_34 = arith.constant 0 : index
      %swap3A_35 = arith.constant 0 : index
      %swap3A_36 = vector.load %arg11[%swap3A_34, %swap3A_35] : memref<256x64xf32, #tpu.memory_space<vmem>>, vector<256x64xf32>
      tpu.vector_store %arg11[%swap3A_34, %swap3A_35], %broadcast_in_dim3A_33 {strides = array<i32>} : memref<256x64xf32, #tpu.memory_space<vmem>>, vector<256x64xf32>,
      %broadcast_in_dim3A_37 = arith.constant 0.000000e+00 : f32
      %broadcast_in_dim3A_38 = vector.broadcast %broadcast_in_dim3A_37 : f32 to vector<256x64xf32>
      %swap3A_39 = arith.constant 0 : index
      %swap3A_40 = arith.constant 0 : index
      %swap3A_41 = vector.load %arg12[%swap3A_39, %swap3A_40] : memref<256x64xf32, #tpu.memory_space<vmem>>, vector<256x64xf32>
      tpu.vector_store %arg12[%swap3A_39, %swap3A_40], %broadcast_in_dim3A_38 {strides = array<i32>} : memref<256x64xf32, #tpu.memory_space<vmem>>, vector<256x64xf32>,
    } else {
    }
    %get3A = arith.constant 0 : index
    %get3A_2 = arith.constant 0 : index
    %get3A_3 = vector.load %arg2[%get3A, %get3A_2] : memref<512x1xi32, #tpu.memory_space<vmem>>, vector<512x1xi32>
    %iota3A = tpu.iota {dimensions = array<i32: 1>} : vector<512x256xi32>
    %eq3A_4 = vector.broadcast %get3A_3 : vector<512x1xi32> to vector<512x256xi32>
    %eq3A_5 = arith.cmpi eq, %iota3A, %eq3A_4 : vector<512x256xi32>
    %convert_element_type3A_6 = arith.extui %eq3A_5 : vector<512x256xi1> to vector<512x256xi32>
    %convert_element_type3A_7 = arith.sitofp %convert_element_type3A_6 : vector<512x256xi32> to vector<512x256xf32>
    %get3A_8 = arith.constant 0 : index
    %get3A_9 = arith.constant 0 : index
    %get3A_10 = vector.load %arg11[%get3A_8, %get3A_9] : memref<256x64xf32, #tpu.memory_space<vmem>>, vector<256x64xf32>
    %get3A_11 = arith.constant 0 : index
    %get3A_12 = arith.constant 0 : index
    %get3A_13 = vector.load %arg1[%get3A_11, %get3A_12] : memref<512x64xf32, #tpu.memory_space<vmem>>, vector<512x64xf32>
    %dot_general3A = arith.constant dense<0.000000e+00> : vector<256x64xf32>
    %dot_general3A_14 = tpu.matmul %convert_element_type3A_7, %get3A_13, %dot_general3A {dimension_numbers = #tpu.dot_dimension_numbers<[0], [0], [1], [1], [0, 1, 1, 1], [], []>, precision = #tpu.contract_precision<fp32>, transpose_lhs_hint = false} : vector<512x256xf32>, vector<512x64xf32>, vector<256x64xf32> -> vector<256x64xf32>
    %add3A = arith.addf %get3A_10, %dot_general3A_14 : vector<256x64xf32>
    %swap3A = arith.constant 0 : index
    %swap3A_15 = arith.constant 0 : index
    %swap3A_16 = vector.load %arg11[%swap3A, %swap3A_15] : memref<256x64xf32, #tpu.memory_space<vmem>>, vector<256x64xf32>
    tpu.vector_store %arg11[%swap3A, %swap3A_15], %add3A {strides = array<i32>} : memref<256x64xf32, #tpu.memory_space<vmem>>, vector<256x64xf32>,
    %get3A_17 = arith.constant 0 : index
    %get3A_18 = arith.constant 0 : index
    %get3A_19 = vector.load %arg12[%get3A_17, %get3A_18] : memref<256x64xf32, #tpu.memory_space<vmem>>, vector<256x64xf32>
    %broadcast_in_dim3A = arith.constant 1.000000e+00 : f32
    %broadcast_in_dim3A_20 = vector.broadcast %broadcast_in_dim3A : f32 to vector<512x64xf32>
    %dot_general3A_21 = arith.constant dense<0.000000e+00> : vector<256x64xf32>
    %dot_general3A_22 = tpu.matmul %convert_element_type3A_7, %broadcast_in_dim3A_20, %dot_general3A_21 {dimension_numbers = #tpu.dot_dimension_numbers<[0], [0], [1], [1], [0, 1, 1, 1], [], []>, precision = #tpu.contract_precision<fp32>, transpose_lhs_hint = false} : vector<512x256xf32>, vector<512x64xf32>, vector<256x64xf32> -> vector<256x64xf32>
    %add3A_23 = arith.addf %get3A_19, %dot_general3A_22 : vector<256x64xf32>
    %swap3A_24 = arith.constant 0 : index
    %swap3A_25 = arith.constant 0 : index
    %swap3A_26 = vector.load %arg12[%swap3A_24, %swap3A_25] : memref<256x64xf32, #tpu.memory_space<vmem>>, vector<256x64xf32>
    tpu.vector_store %arg12[%swap3A_24, %swap3A_25], %add3A_23 {strides = array<i32>} : memref<256x64xf32, #tpu.memory_space<vmem>>, vector<256x64xf32>,
    %eq3A_27 = arith.constant 97 : i32
    %eq3A_28 = arith.cmpi eq, %arg0, %eq3A_27 : i32
    %convert_element_type3A_29 = arith.extui %eq3A_28 : i1 to i32
    %cond3A_30 = arith.constant 0 : i32
    %cond3A_31 = arith.cmpi ne, %convert_element_type3A_29, %cond3A_30 : i32
    scf.if %cond3A_31 {
      %get3A_32 = arith.constant 0 : index
      %get3A_33 = arith.constant 0 : index
      %get3A_34 = vector.load %arg11[%get3A_32, %get3A_33] : memref<256x64xf32, #tpu.memory_space<vmem>>, vector<256x64xf32>
      %get3A_35 = arith.constant 0 : index
      %get3A_36 = arith.constant 0 : index
      %get3A_37 = vector.load %arg12[%get3A_35, %get3A_36] : memref<256x64xf32, #tpu.memory_space<vmem>>, vector<256x64xf32>
      %max3A = arith.constant 1.000000e+00 : f32
      %max3A_38 = vector.broadcast %max3A : f32 to vector<256x64xf32>
      %max3A_39 = arith.maximumf %get3A_37, %max3A_38 : vector<256x64xf32>
      %div3A = arith.divf %get3A_34, %max3A_39 : vector<256x64xf32>
      %get3A_40 = arith.constant 0 : index
      %get3A_41 = arith.constant 0 : index
      %get3A_42 = vector.load %arg3[%get3A_40, %get3A_41] : memref<64x512xf32, #tpu.memory_space<vmem>>, vector<64x512xf32>
      %dot_general3A_43 = arith.constant dense<0.000000e+00> : vector<256x512xf32>
      %dot_general3A_44 = tpu.matmul %div3A, %get3A_42, %dot_general3A_43 {dimension_numbers = #tpu.dot_dimension_numbers<[1], [0], [0], [1], [0, 0, 1, 1], [], []>, precision = #tpu.contract_precision<fp32>, transpose_lhs_hint = false} : vector<256x64xf32>, vector<64x512xf32>, vector<256x512xf32> -> vector<256x512xf32>
      %get3A_45 = arith.constant 0 : index
      %get3A_46 = arith.constant 0 : index
      %get3A_47 = vector.load %arg4[%get3A_45, %get3A_46] : memref<1x512xf32, #tpu.memory_space<vmem>>, vector<1x512xf32>
      %add3A_48 = vector.broadcast %get3A_47 : vector<1x512xf32> to vector<256x512xf32>
      %add3A_49 = arith.addf %dot_general3A_44, %add3A_48 : vector<256x512xf32>
      %get3A_50 = arith.constant 0 : index
      %get3A_51 = arith.constant 0 : index
      %get3A_52 = vector.load %arg5[%get3A_50, %get3A_51] : memref<512x256xf32, #tpu.memory_space<vmem>>, vector<512x256xf32>
      %dot_general3A_53 = arith.constant dense<0.000000e+00> : vector<256x256xf32>
      %dot_general3A_54 = tpu.matmul %add3A_49, %get3A_52, %dot_general3A_53 {dimension_numbers = #tpu.dot_dimension_numbers<[1], [0], [0], [1], [0, 0, 1, 1], [], []>, precision = #tpu.contract_precision<fp32>, transpose_lhs_hint = false} : vector<256x512xf32>, vector<512x256xf32>, vector<256x256xf32> -> vector<256x256xf32>
      %get3A_55 = arith.constant 0 : index
      %get3A_56 = arith.constant 0 : index
      %get3A_57 = vector.load %arg6[%get3A_55, %get3A_56] : memref<1x256xf32, #tpu.memory_space<vmem>>, vector<1x256xf32>
      %add3A_58 = vector.broadcast %get3A_57 : vector<1x256xf32> to vector<256x256xf32>
      %add3A_59 = arith.addf %dot_general3A_54, %add3A_58 : vector<256x256xf32>
      %custom_jvp_call3A = arith.constant 0.000000e+00 : f32
      %max3A_60 = vector.broadcast %custom_jvp_call3A : f32 to vector<256x256xf32>
      %max3A_61 = arith.maximumf %add3A_59, %max3A_60 : vector<256x256xf32>
      %sub3A = vector.broadcast %custom_jvp_call3A : f32 to vector<256x256xf32>
      %sub3A_62 = arith.subf %add3A_59, %sub3A : vector<256x256xf32>
      %ne3A = arith.cmpf one, %sub3A_62, %sub3A_62 : vector<256x256xf32>
      %add3A_63 = vector.broadcast %custom_jvp_call3A : f32 to vector<256x256xf32>
      %add3A_64 = arith.addf %add3A_59, %add3A_63 : vector<256x256xf32>
      %abs3A = math.absf %sub3A_62 : vector<256x256xf32>
      %neg3A = arith.constant 0.000000e+00 : f32
      %neg3A_65 = vector.broadcast %neg3A : f32 to vector<256x256xf32>
      %neg3A_66 = arith.subf %neg3A_65, %abs3A : vector<256x256xf32>
      %exp3A = math.exp %neg3A_66 : vector<256x256xf32>
      %log1p3A = math.log1p %exp3A : vector<256x256xf32>
      %add3A_67 = arith.addf %max3A_61, %log1p3A : vector<256x256xf32>
      %select_n3A = arith.select %ne3A, %add3A_64, %add3A_67 : vector<256x256xi1>, vector<256x256xf32>
      %get3A_68 = arith.constant 0 : index
      %get3A_69 = arith.constant 0 : index
      %get3A_70 = vector.load %arg7[%get3A_68, %get3A_69] : memref<256x256xf32, #tpu.memory_space<vmem>>, vector<256x256xf32>
      %dot_general3A_71 = arith.constant dense<0.000000e+00> : vector<256x256xf32>
      %dot_general3A_72 = tpu.matmul %select_n3A, %get3A_70, %dot_general3A_71 {dimension_numbers = #tpu.dot_dimension_numbers<[1], [0], [0], [1], [0, 0, 1, 1], [], []>, precision = #tpu.contract_precision<fp32>, transpose_lhs_hint = false} : vector<256x256xf32>, vector<256x256xf32>, vector<256x256xf32> -> vector<256x256xf32>
      %get3A_73 = arith.constant 0 : index
      %get3A_74 = arith.constant 0 : index
      %get3A_75 = vector.load %arg8[%get3A_73, %get3A_74] : memref<1x256xf32, #tpu.memory_space<vmem>>, vector<1x256xf32>
      %add3A_76 = vector.broadcast %get3A_75 : vector<1x256xf32> to vector<256x256xf32>
      %add3A_77 = arith.addf %dot_general3A_72, %add3A_76 : vector<256x256xf32>
      %custom_jvp_call3A_78 = arith.constant 0.000000e+00 : f32
      %max3A_79 = vector.broadcast %custom_jvp_call3A_78 : f32 to vector<256x256xf32>
      %max3A_80 = arith.maximumf %add3A_77, %max3A_79 : vector<256x256xf32>
      %sub3A_81 = vector.broadcast %custom_jvp_call3A_78 : f32 to vector<256x256xf32>
      %sub3A_82 = arith.subf %add3A_77, %sub3A_81 : vector<256x256xf32>
      %ne3A_83 = arith.cmpf one, %sub3A_82, %sub3A_82 : vector<256x256xf32>
      %add3A_84 = vector.broadcast %custom_jvp_call3A_78 : f32 to vector<256x256xf32>
      %add3A_85 = arith.addf %add3A_77, %add3A_84 : vector<256x256xf32>
      %abs3A_86 = math.absf %sub3A_82 : vector<256x256xf32>
      %neg3A_87 = arith.constant 0.000000e+00 : f32
      %neg3A_88 = vector.broadcast %neg3A_87 : f32 to vector<256x256xf32>
      %neg3A_89 = arith.subf %neg3A_88, %abs3A_86 : vector<256x256xf32>
      %exp3A_90 = math.exp %neg3A_89 : vector<256x256xf32>
      %log1p3A_91 = math.log1p %exp3A_90 : vector<256x256xf32>
      %add3A_92 = arith.addf %max3A_80, %log1p3A_91 : vector<256x256xf32>
      %select_n3A_93 = arith.select %ne3A_83, %add3A_85, %add3A_92 : vector<256x256xi1>, vector<256x256xf32>
      %get3A_94 = arith.constant 0 : index
      %get3A_95 = arith.constant 0 : index
      %get3A_96 = vector.load %arg9[%get3A_94, %get3A_95] : memref<256x8xf32, #tpu.memory_space<vmem>>, vector<256x8xf32>
      %dot_general3A_97 = arith.constant dense<0.000000e+00> : vector<256x8xf32>
      %dot_general3A_98 = tpu.matmul %select_n3A_93, %get3A_96, %dot_general3A_97 {dimension_numbers = #tpu.dot_dimension_numbers<[1], [0], [0], [1], [0, 0, 1, 1], [], []>, precision = #tpu.contract_precision<fp32>, transpose_lhs_hint = false} : vector<256x256xf32>, vector<256x8xf32>, vector<256x8xf32> -> vector<256x8xf32>
      %get3A_99 = arith.constant 0 : index
      %get3A_100 = arith.constant 0 : index
      %get3A_101 = vector.load %arg10[%get3A_99, %get3A_100] : memref<1x8xf32, #tpu.memory_space<vmem>>, vector<1x8xf32>
      %add3A_102 = vector.broadcast %get3A_101 : vector<1x8xf32> to vector<256x8xf32>
      %add3A_103 = arith.addf %dot_general3A_98, %add3A_102 : vector<256x8xf32>
      %swap3A_104 = arith.constant 0 : index
      %swap3A_105 = arith.constant 0 : index
      %swap3A_106 = vector.load %arg13[%swap3A_104, %swap3A_105] : memref<256x8xf32, #tpu.memory_space<vmem>>, vector<256x8xf32>
      tpu.vector_store %arg13[%swap3A_104, %swap3A_105], %add3A_103 {strides = array<i32>} : memref<256x8xf32, #tpu.memory_space<vmem>>, vector<256x8xf32>,
    } else {
    }
    return
  }
  func.func @transform_0(%arg0: i32) -> (i32, i32) {
    %c0_i32 = arith.constant 0 : i32
    %c0_i32_0 = arith.constant 0 : i32
    return %arg0, %c0_i32 : i32, i32
  }
  func.func @transform_1(%arg0: i32) -> (i32, i32) {
    %c0_i32 = arith.constant 0 : i32
    %c0_i32_0 = arith.constant 0 : i32
    return %arg0, %c0_i32 : i32, i32
  }
  func.func @transform_2(%arg0: i32) -> (i32, i32) {
    %c0_i32 = arith.constant 0 : i32
    %c0_i32_0 = arith.constant 0 : i32
    %c0_i32_1 = arith.constant 0 : i32
    return %c0_i32, %c0_i32_0 : i32, i32
  }
  func.func @transform_3(%arg0: i32) -> (i32, i32) {
    %c0_i32 = arith.constant 0 : i32
    %c0_i32_0 = arith.constant 0 : i32
    %c0_i32_1 = arith.constant 0 : i32
    return %c0_i32, %c0_i32_0 : i32, i32
  }
  func.func @transform_4(%arg0: i32) -> (i32, i32) {
    %c0_i32 = arith.constant 0 : i32
    %c0_i32_0 = arith.constant 0 : i32
    %c0_i32_1 = arith.constant 0 : i32
    return %c0_i32, %c0_i32_0 : i32, i32
  }
  func.func @transform_5(%arg0: i32) -> (i32, i32) {
    %c0_i32 = arith.constant 0 : i32
    %c0_i32_0 = arith.constant 0 : i32
    %c0_i32_1 = arith.constant 0 : i32
    return %c0_i32, %c0_i32_0 : i32, i32
  }
  func.func @transform_6(%arg0: i32) -> (i32, i32) {
    %c0_i32 = arith.constant 0 : i32
    %c0_i32_0 = arith.constant 0 : i32
    %c0_i32_1 = arith.constant 0 : i32
    return %c0_i32, %c0_i32_0 : i32, i32
  }
  func.func @transform_7(%arg0: i32) -> (i32, i32) {
    %c0_i32 = arith.constant 0 : i32
    %c0_i32_0 = arith.constant 0 : i32
    %c0_i32_1 = arith.constant 0 : i32
    return %c0_i32, %c0_i32_0 : i32, i32
  }
  func.func @transform_8(%arg0: i32) -> (i32, i32) {
    %c0_i32 = arith.constant 0 : i32
    %c0_i32_0 = arith.constant 0 : i32
    %c0_i32_1 = arith.constant 0 : i32
    return %c0_i32, %c0_i32_0 : i32, i32
  }
  func.func @transform_9(%arg0: i32) -> (i32, i32) {
    %c0_i32 = arith.constant 0 : i32
    %c0_i32_0 = arith.constant 0 : i32
    %c0_i32_1 = arith.constant 0 : i32
    return %c0_i32, %c0_i32_0 : i32, i32
  }
  func.func @transform_10(%arg0: i32) -> (i32, i32) {
    %c0_i32 = arith.constant 0 : i32
    %c0_i32_0 = arith.constant 0 : i32
    %c0_i32_1 = arith.constant 0 : i32
    return %c0_i32, %c0_i32_0 : i32, i32
  }
  func.func @transform_11(%arg0: i32) -> (i32, i32) {
    %c0_i32 = arith.constant 0 : i32
    %c0_i32_0 = arith.constant 0 : i32
    %c0_i32_1 = arith.constant 0 : i32
    return %c0_i32, %c0_i32_0 : i32, i32
  }
  func.func @transform_12(%arg0: i32) -> (i32, i32) {
    %c0_i32 = arith.constant 0 : i32
    %c0_i32_0 = arith.constant 0 : i32
    %c0_i32_1 = arith.constant 0 : i32
    return %c0_i32, %c0_i32_0 : i32, i32
  }
}

</mosaic_0001>

<sc_bundles>
// kernel: gather_offload_async_start.1
scs
__scs_entry_jumppad:
0x0: {  	(pc) =	sbr.rel $0x88, $3  }
0x1: {  	(tag) =	ssettag $0x0;
	lr =	simm.s32 $0x1  }
0x2: {  	[smem:$0x3F8B] =	sst lr;
	_ =	strace $0xD0000000  }
0x3: {  	_ = 	snop  }
0x4: {  	_ = 	snop  }
0x5: {  	_ = 	snop  }
0x6: {  	_ = 	snop  }
0x7: {  	_ = 	snop  }
__scs_overlays_trampoline_lowered:
0x8: {  	[smem:$0x3F9A] =	sst s0  }
0x9: {  	[smem:$0x3F9B] =	sst s1  }
0xa: {  	[smem:$0x3F9C] =	sst s2  }
0xb: {  	[smem:$0x3F9D] =	sst s3  }
0xc: {  	[smem:$0x3F9E] =	sst s4  }
0xd: {  	[smem:$0x3F9F] =	sst s5  }
0xe: {  	[smem:$0x3FA0] =	sst s6  }
0xf: {  	[smem:$0x3FA1] =	sst s7  }
0x10: {  	[smem:$0x3FA2] =	sst s8  }
0x11: {  	[smem:$0x3FA3] =	sst s9;
	s0 =	simm.s32 @!p0 $0x0  }
0x12: {  	s1 =	sld [smem:$0x3F89];
	s0 =	simm.s32 @p0 $0x1  }
0x13: {  	[smem:$0x3FA4] =	sst s0;
	s0 =	simm.s32 @!p1 $0x0  }
0x14: {  	s2 =	sld [smem:$0x3F88];
	s0 =	simm.s32 @p1 $0x1  }
0x15: {  	[smem:$0x3FA5] =	sst s0;
	s0 =	simm.s32 @!p2 $0x0  }
0x16: {  	s3 =	sld [smem:$0x3FDB];
	s0 =	simm.s32 @p2 $0x1  }
0x17: {  	s4 =	simm.s32 $0x1BF5;
	[smem:$0x3FA7] =	sst s0  }
0x18: {  	s0 =	sld [smem:$0x3F8A];
	_ =	swait.ge [sflag:s4], $0x0  }
0x19: {  	s7 =	sld [smem:$0x3F8B]  }
0x1a: {  	s8 =	sadd.s32 $0xFFFFE003, lr  }
0x1b: {  	s9 =	sadd.s32 $0xFFFFFEF7, lr;
	s5 =	simm.s32 $0xFFFFFFFF;
	p2 =	slt.u32 s8, $0xFFFFF086  }
0x1c: {  	p1 =	slt.u32 s9, $0xF7A;
	s5 =	simm.s32 @!p2 $0x0  }
0x1d: {  	s5 =	simm.s32 @p1 $0x1;
	p0 =	seq.s32 s7, s2  }
0x1e: {  	s7 =	smul.u32 @!p0 $0xF7A, s2;
	p2 =	seq.s32 @!p0 s5, $0x0  }
0x1f: {  	s9 =	smul.u32 $0xF7A, s1;
	s8 =	simm.s32 @!p0 $0x1BF5;
	p2 =	por !p2, p0  }
0x20: {  	[sflag:s8] =	ssyncset.s32 @!p0 $0xFFFFF086;
	s6 =	sadd.s32 @!p0 s3, s7;
	s7 =	simm.s32 @!p0 $0x108  }
0x21: {  	s3 =	sadd.s32 s3, s9;
	s6 =	sadd.s32 @!p0 $0x88, s6;
	s7 =	simm.s32 @p2 $0x1082  }
0x22: {  	[simem:s7], [sflag:s8] =	dma.local @!p0 [hbm:s6], $0xF7A  }
0x23: {  	s9 =	sor.u32 $0xD0000000, s2;
	s6 =	simm.s32 $0x108;
	_ =	swait.ge @!p0 [sflag:s8], $0x0  }
0x24: {  	s3 =	sadd.s32 $0x88, s3;
	s6 =	simm.s32 @!p1 $0x1082;
	[sflag:s4] =	ssyncset.s32 $0xFFFFF086  }
0x25: {  	[simem:s6], [sflag:s4] =	dma.local [hbm:s3], $0xF7A  }
0x26: {  	[smem:$0x3F8B] =	sst s1;
	(tag) =	ssettag s2;
	_ =	strace s9  }
0x27: {  	s1 =	sld [smem:$0x3F9B]  }
0x28: {  	s2 =	sld [smem:$0x3F9C]  }
0x29: {  	s4 =	sld [smem:$0x3F9E]  }
0x2a: {  	p0 =	seq.s32 s5, $0x0;
	s5 =	sld [smem:$0x3F9F]  }
0x2b: {  	s6 =	sld [smem:$0x3FA0]  }
0x2c: {  	s7 =	sld [smem:$0x3FA1]  }
0x2d: {  	s3 =	simm.s32 $0x108;
	s8 =	sld [smem:$0x3FA2]  }
0x2e: {  	s3 =	simm.s32 @!p0 $0x1082;
	s9 =	sld [smem:$0x3FA3]  }
0x2f: {  	lr =	sadd.s32 s0, s3;
	s0 =	sld [smem:$0x3F9A]  }
0x30: {  	s3 =	sld [smem:$0x3F9D]  }
0x31: {  	[smem:$0x3FA6] =	sst s10  }
0x32: {  	s10 =	sld [smem:$0x3FA4];
	_ =	sdelay $0x3  }
0x33: {  	p0 =	seq.s32 s10, $0x1;
	s10 =	sld [smem:$0x3FA6];
	_ =	sdelay $0x3  }
0x34: {  	[smem:$0x3FA6] =	sst s10  }
0x35: {  	s10 =	sld [smem:$0x3FA5];
	_ =	sdelay $0x3  }
0x36: {  	p1 =	seq.s32 s10, $0x1;
	s10 =	sld [smem:$0x3FA6];
	_ =	sdelay $0x3  }
0x37: {  	[smem:$0x3FA6] =	sst s10  }
0x38: {  	s10 =	sld [smem:$0x3FA7]  }
0x39: {  	_ = 	snop;
	(pc) =	sbr.ind lr, $3  }
0x3a: {  	_ = 	snop  }
0x3b: {  	_ = 	snop  }
0x3c: {  	p2 =	seq.s32 s10, $0x1;
	s10 =	sld [smem:$0x3FA6]  }
0x3d: {  	_ =	shalt  }
0x3e: {  	_ =	shalt  }
0x3f: {  	_ =	shalt  }
0x40: {  	_ =	shalt  }
0x41: {  	_ =	shalt  }
0x42: {  	_ =	shalt  }
0x43: {  	_ =	shalt  }
0x44: {  	_ =	shalt  }
0x45: {  	_ =	shalt  }
0x46: {  	_ =	shalt  }
0x47: {  	_ =	shalt  }
0x48: {  	_ =	shalt  }
0x49: {  	_ =	shalt  }
0x4a: {  	_ =	shalt  }
0x4b: {  	_ =	shalt  }
0x4c: {  	_ =	shalt  }
0x4d: {  	_ =	shalt  }
0x4e: {  	_ =	shalt  }
0x4f: {  	_ =	shalt  }
0x50: {  	_ =	shalt  }
0x51: {  	_ =	shalt  }
0x52: {  	_ =	shalt  }
0x53: {  	_ =	shalt  }
0x54: {  	_ =	shalt  }
0x55: {  	_ =	shalt  }
0x56: {  	_ =	shalt  }
0x57: {  	_ =	shalt  }
0x58: {  	_ =	shalt  }
0x59: {  	_ =	shalt  }
0x5a: {  	_ =	shalt  }
0x5b: {  	_ =	shalt  }
0x5c: {  	_ =	shalt  }
0x5d: {  	_ =	shalt  }
0x5e: {  	_ =	shalt  }
0x5f: {  	_ =	shalt  }
0x60: {  	_ =	shalt  }
0x61: {  	_ =	shalt  }
0x62: {  	_ =	shalt  }
0x63: {  	_ =	shalt  }
0x64: {  	_ =	shalt  }
0x65: {  	_ =	shalt  }
0x66: {  	_ =	shalt  }
0x67: {  	_ =	shalt  }
0x68: {  	_ =	shalt  }
0x69: {  	_ =	shalt  }
0x6a: {  	_ =	shalt  }
0x6b: {  	_ =	shalt  }
0x6c: {  	_ =	shalt  }
0x6d: {  	_ =	shalt  }
0x6e: {  	_ =	shalt  }
0x6f: {  	_ =	shalt  }
0x70: {  	_ =	shalt  }
0x71: {  	_ =	shalt  }
0x72: {  	_ =	shalt  }
0x73: {  	_ =	shalt  }
0x74: {  	_ =	shalt  }
0x75: {  	_ =	shalt  }
0x76: {  	_ =	shalt  }
0x77: {  	_ =	shalt  }
0x78: {  	_ =	shalt  }
0x79: {  	_ =	shalt  }
0x7a: {  	_ =	shalt  }
0x7b: {  	_ =	shalt  }
0x7c: {  	_ =	shalt  }
0x7d: {  	_ =	shalt  }
0x7e: {  	_ =	shalt  }
0x7f: {  	_ =	shalt  }
0x80: {  	_ =	shalt  }
0x81: {  	_ =	shalt  }
0x82: {  	_ =	shalt  }
0x83: {  	_ =	shalt  }
0x84: {  	_ =	shalt  }
0x85: {  	_ =	shalt  }
0x86: {  	_ =	shalt  }
0x87: {  	_ =	shalt  }
.Lfunc_end0:
.L_simem_size_0:
called_computation.3_lowered:
.L_overlay_start_0:
0x88: {  	s0 =	sld [smem:$0x3FD9]  }
0x89: {  	s1 =	sld [smem:$0x3FFE];
	_ =	sdelay $0x3  }
0x8a: {  	s0 =	sadd.s32 s1, s0  }
0x8b: {  	[smem:$0x3FB2] =	sst s0  }
0x8c: {  	_ = 	snop  }
0x8d: {  	(tm) =	ssettm $0x1  }
0x8e: {  	s15 =	sld [smem:$0x3FFB];
	_ =	sdelay $0x3  }
0x8f: {  	_ =	strace s15  }
0x90: {  	s0 =	sld [smem:$0x3FFC];
	_ =	sdelay $0x3  }
0x91: {  	_ =	strace s0  }
0x92: {  	s0 =	sld [smem:$0x3FFD];
	_ =	sdelay $0x3  }
0x93: {  	_ =	strace s0  }
0x94: {  	_ =	strace $0x8FFFFFFF  }
0x95: {  	s16 =	sld [smem:$0x3FDB];
	_ =	sdelay $0x1  }
0x96: {  	s17 =	simm.s32 $_scs_section_size  }
0x97: {  	s2 =	simm.s32 $_size__tile_overlayer_lowered;
	s3 =	simm.s32 $_tile_overlayer_lowered  }
0x98: {  	s20 =	simm.s32 $0x1BFF;
	s19 =	sshll.u32 s3, $0x1;
	s0 =	sadd.s32 s17, s16  }
0x99: {  	s4 =	simm.s32 $0x0;
	s18 =	sshll.u32 s2, $0x1;
	s2 =	sadd.s32 s19, s0  }
0x9a: {  	[timem:s4], [sflag:s20] =	dma.local [hbm:s2], s18  }
0x9b: {  	_ =	swait.ge [sflag:s20], s18  }
0x9c: {  	s1 =	ssub.s32 $0x0, s18;
	[sflag:s20] =	ssyncset.done $0x0  }
0x9d: {  	[sflag:s20] =	ssyncadd.s32 s1;
	_ =	sdelay $0x1  }
0x9e: {  	s21 =	simm.s32 $0x1B8B  }
0x9f: {  	_ =	swait.ge [sflag:s21], $0x1  }
0xa0: {  	[sflag:s21] =	ssyncset.done $0x0  }
0xa1: {  	s23 =	simm.s32 $0x1B8E;
	s22 =	sld [smem:$0x3FFE];
	[sflag:s21] =	ssyncadd.s32 $0xFFFFFFFF  }
0xa2: {  	s24 =	simm.s32 $execute0_lowered;
	[smem:$0x3FD2] =	sst s23  }
0xa3: {  	s2 =	sshll.u32 s24, $0x1;
	_ =	strace $0x80000049;
	[dreg:$0x1] =	wrdreg $0xFFFFFFFF  }
0xa4: {  	s25 =	simm.s32 $_size_execute0_lowered;
	s0 =	sadd.s32 s0, s2;
	[dreg:$0x0] =	wrdreg $0x0  }
0xa5: {  	s2 =	sshll.u32 s25, $0x1;
	[dreg:$0x2] =	wrdreg s0  }
0xa6: {  	[dreg:$0x3] =	wrdreg s2  }
0xa7: {  	[dreg:$0x4] =	wrdreg $0xC0  }
0xa8: {  	_ =	task [dreg:s4], $0x5FFFF  }
0xa9: {  	[dreg:$0x1] =	wrdreg $0xFFFFFFFF  }
0xaa: {  	[dreg:$0x0] =	wrdreg $0x60  }
0xab: {  	[dreg:$0x2] =	wrdreg s22  }
0xac: {  	[dreg:$0x3] =	wrdreg $0xC  }
0xad: {  	_ =	task.clear_ibuf [dreg:s4], $0x4FFFF;
	_ =	strace $0x90000049  }
0xae: {  	s26 =	simm.s32 $0xC;
	_ =	strace $0x8000004B  }
0xaf: {  	_ =	swait.ge [sflag:s26], $0x1  }
0xb0: {  	[sflag:s26] =	ssyncadd.s32 $0xFFFFFFFF  }
0xb1: {  	_ =	strace $0x9000004B  }
0xb2: {  	_ =	sfence  }
0xb3: {  	s28 =	sld [smem:$0x0];
	_ =	sdelay $0x1  }
0xb4: {  	s29 =	srdreg.scid  }
0xb5: {  	s30 =	sshll.u32 s29, $0xD;
	s31 =	sshrl.u32 s29, $0x2  }
0xb6: {  	s1 =	sand.u32 $0x1, s29;
	s2 =	sand.u32 $0x4000, s30;
	s0 =	sadd.s32 s31, s28  }
0xb7: {  	s1 =	sor.u32 s2, s1;
	s0 =	sshll.u32 s0, $0x11  }
0xb8: {  	s0 =	sor.u32 s0, s1  }
0xb9: {  	s0 =	sadd.s32 $0x8F2B, s0  }
0xba: {  	[sflag:s0] =	ssyncadd.remote.s32 $0x1  }
0xbb: {  	_ =	sfence.sel $0xFFFF  }
0xbc: {  	[dreg:$0x0] =	wrdreg $0xFFFFFFFF;
	(pc) =	sbr.abs _section_cstart, $3  }
0xbd: {  	[dreg:$0x1] =	wrdreg $0xFFFFFFFF  }
0xbe: {  	_ =	task.clear_ibuf [dreg:s4], $0x2FFFF;
	_ =	strace $0x9FFFFFFF  }
0xbf: {  	(tm) =	ssettm $0x7FFFFFFF  }
tec
execute0_lowered:
.L_overlay_start_1:
0x0: {  	(tag) =	ssettag $0x1  }
0x1: {  	s0 =	stileid.u32  }
0x2: {  	s2 =	smul.u32 $0x2710, s0;
	_ =	sdelay $0x1  }
0x3: {  	s6 =	ssub.s32 $0xCF850, s2  }
0x4: {  	s1 =	smulhi.u32 $0x68DB9, s6  }
0x5: {  	s8 =	rddreg [dreg:$0x0];
	s5 =	simm.s32 $0x1;
	s10 =	simm.s32 $0x3  }
0x6: {  	s13 =	simm.s32 $0x0;
	s12 =	simm.s32 $0x0;
	s7 =	sshrl.u32 s1, $0x4  }
0x7: {  	s3 =	sadd.s32 $0x9E00, s8;
	s4 =	sadd.s32 $0x3DE00, s8;
	s9 =	smul.u32 $0x27100, s7  }
.Ltmp0:
0x8: {  	s8 =	sadd.s32 $0xDB8400, s8;
	s1 =	rddreg [dreg:$0x1];
	(pc) =	sbr.rel .LBB2_1-.Ltmp0, $4  }
0x9: {  	_ =	strace $0x8000004A;
	p0 =	sne.s32 s6, s9;
	s9 =	simm.s32 $0x1  }
0xa: {  	[sflag:s5] =	ssyncpa.u1 $0x0;
	s6 =	simm.s32 $0x2;
	s9 =	simm.s32 @!p0 $0x0  }
0xb: {  	s11 =	smov.u32 s2;
	[sflag:s6] =	ssyncpa.u1 $0x0;
	s7 =	sadd.s32 s9, s7  }
0xc: {  	vm0 =	vmmov $0xffff;
	[sflag:s10] =	ssyncpa.u1 $0x0;
	s10 =	simm.s32 $0x0;
	s9 =	sadd.s32 $0x1, s7  }
.LBB2_4:
0xd: {  	v2 =	vnsel vm1, $0x0, v2  }
0xe: {  	vm1 =	vgt.s32 v0, $0x0;
	v2 =	vmin.u32 v2, $0xCF84F  }
0xf: {  	v0 =	vnsel vm1, $0x0, v0  }
0x10: {  	v0 =	vmin.u32 v0, $0xCF84F  }
0x11: {  	[tilespmem:s18], [sflag:$0x1] =	stream.indirect_vreg.gather [hbm4b:s3+s10], $0x1, v1, vm0, $0x4038;
	[tilespmem:$0x9C40] =	vst v63  }
0x12: {  	(ifvalue) =	ssetifvalue $0x7FFFFFFF  }
0x13: {  	[tilespmem:s15], [sflag:$0x1] =	stream.indirect_vreg.gather [hbm4b:s3+s10], $0x1, v2, vm0, $0x4038;
	[tilespmem:$0x9C40] =	vst v63  }
0x14: {  	s29 =	sadd.s32 $0x10, s15;
	(ifvalue) =	ssetifvalue $0x7FFFFFFF  }
0x15: {  	[tilespmem:s29], [sflag:$0x1] =	stream.indirect_vreg.gather [hbm4b:s3+s10], $0x1, v0, vm0, $0x4038;
	[tilespmem:$0x9C40] =	vst v63  }
0x16: {  	_ =	swait.ge [sflag:s5], $0x2710  }
0x17: {  	s30 =	sshrl.u32 s13, $0x3;
	[sflag:s5] =	ssyncset.done $0x0  }
0x18: {  	s31 =	sand.u32 $0x7, s13;
	s15 =	sadd.s32 s8, s30;
	[sflag:s5] =	ssyncadd.s32 $0xFFFFD8F0  }
0x19: {  	[hbm4b:s15+s31] =	stream.linear.scatter [tilespmem:s14], [sflag:$0x3], $0x2710, $0x38;
	[tilespmem:$0x9C40] =	vst v63  }
.LBB2_5:
0x1a: {  	s15 =	sadd.s32 $0x27100, s11  }
0x1b: {  	p1 =	sgt.s32 s15, $0xCF84F  }
0x1c: {  	s15 =	smov.u32 @p1 s2;
	p1 =	sne.s32 s12, s9  }
.Ltmp1:
0x1d: {  	p0 =	slt.u32 s12, $0x2;
	(pc) =	sbr.rel @!p1 .LBB2_6-.Ltmp1, $4  }
0x1e: {  	s14 =	simm.s32 @!p0 $0x3  }
0x1f: {  	_ =	swait.ge @!p0 [sflag:s14], $0x2710  }
0x20: {  	s16 =	sadd.s32 $0x1, s12;
	s13 =	smov.u32 s11;
	[sflag:s14] =	ssyncset.done @!p0 $0x0  }
0x21: {  	s12 =	smov.u32 s16;
	s11 =	smov.u32 s15;
	[sflag:s14] =	ssyncadd.s32 @!p0 $0xFFFFD8F0  }
.LBB2_1:
0x22: {  	p0 =	sge.u32 s12, s7  }
0x23: {  	s14 =	sxor.u32 @!p0 $0xFFFFFFFF, s12  }
0x24: {  	s14 =	sand.u32 @!p0 $0x1, s14  }
0x25: {  	s14 =	smul.u32 @!p0 $0x9C40, s14  }
0x26: {  	s31 =	sadd.s32 $0xFFFFFFFF, s12;
	s15 =	sshrl.u32 @!p0 s11, $0x3  }
0x27: {  	s16 =	sand.u32 @!p0 $0x7, s11;
	s15 =	sadd.s32 @!p0 s4, s15;
	s14 =	sshrl.u32 @!p0 s14, $0x2  }
0x28: {  	[tilespmem:s14], [sflag:$0x2] =	stream.linear.gather @!p0 [hbm4b:s15+s16], $0x2710, $0x38;
	[tilespmem:$0x9C40] =	vst v63  }
0x29: {  	p0 =	sge.u32 s31, s7  }
.Ltmp2:
0x2a: {  	_ = 	snop;
	(pc) =	sbr.rel @p0 .LBB2_5-.Ltmp2, $1  }
0x2b: {  	_ =	sdelay $0x3  }
0x2c: {  	s14 =	sand.u32 $0x1, s12  }
0x2d: {  	_ =	swait.ge [sflag:s6], $0x2710;
	p0 =	seq.s32 s14, $0x1;
	s14 =	simm.s32 $0x2710  }
0x2e: {  	[sflag:s6] =	ssyncset.done $0x0;
	s14 =	simm.s32 @!p0 $0x0  }
0x2f: {  	[sflag:s6] =	ssyncadd.s32 $0xFFFFD8F0;
	(ifvalue) =	ssetifvalue $0x7FFFFFFF;
	v0 =	vld.msk [tilespmem:s14+$0x0 ss:$0x1], $0xffff;
	_ =	sdelay $0x4  }
0x30: {  	s15 =	sadd.s32 $0x10, s14;
	vm1 =	vgt.s32 v0, $0x0  }
0x31: {  	v2 =	vld.msk [tilespmem:s15+$0x0 ss:$0x1], $0xffff;
	v1 =	vnsel vm1, $0x0, v0  }
0x32: {  	v1 =	vmin.u32 v1, $0xCF84F;
	_ =	sdelay $0x2  }
0x33: {  	s17 =	simm.s32 $0x20;
	s14 =	sadd.s32 $0x4E20, s14;
	s16 =	sadd.s32 $0x10, s15  }
0x34: {  	s15 =	sadd.s32 $0x10, s14;
	s18 =	smov.u32 s14;
	v0 =	vld.msk [tilespmem:s16+$0x0 ss:$0x1], $0xffff;
	vm1 =	vgt.s32 v2, $0x0;
	(ifvalue) =	ssetifvalue $0x7FFFFFFF  }
.LBB2_3:
0x35: {  	[tilespmem:s18], [sflag:$0x1] =	stream.indirect_vreg.gather [hbm4b:s3+s10], $0x1, v1, vm0, $0x4038;
	[tilespmem:$0x9C40] =	vst v63  }
0x36: {  	s17 =	sadd.s32 $0x10, s17  }
0x37: {  	v2 =	vnsel vm1, $0x0, v2;
	p0 =	slt.u32 s17, $0x2700  }
.Ltmp3:
0x38: {  	s18 =	smov.u32 s15;
	v1 =	vmin.u32 v2, $0xCF84F;
	(pc) =	sbr.rel @p0 .LBB2_3-.Ltmp3, $3  }
0x39: {  	_ =	sdelay $0x1  }
0x3a: {  	s16 =	sadd.s32 $0x10, s16  }
0x3b: {  	vm1 =	vgt.s32 v0, $0x0;
	s15 =	sadd.s32 $0x10, s15;
	v2 =	vmov v0;
	(ifvalue) =	ssetifvalue $0x7FFFFFFF;
	v0 =	vld.msk [tilespmem:s16+$0x0 ss:$0x1], $0xffff  }
.Ltmp4:
0x3c: {  	_ = 	snop;
	(pc) =	sbr.rel .LBB2_4-.Ltmp4, $1  }
0x3d: {  	_ =	sdelay $0x3  }
.LBB2_6:
0x3e: {  	_ =	sfence.sel $0x180000  }
0x3f: {  	s2 =	simm.s32 $0x2;
	[bflag:$0x0] =	sbarrier.arrive $0xFFFF  }
0x40: {  	s30 =	simm.s32 $0x3;
	[sflag:s2] =	ssyncpa.u1 $0x1  }
0x41: {  	s31 =	simm.s32 $0x1;
	[sflag:s30] =	ssyncpa.u1 $0x1  }
0x42: {  	[sflag:s31] =	ssyncpa.u1 $0x1  }
0x43: {  	p0 =	sne.s32 s0, $0x0;
	_ =	strace $0x9000004A  }
0x44: {  	s0 =	sadd.s32 @!p0 $0x100000, s1;
	[bflag:$0x2] =	sbarrier.arrive $0xFFFF  }
0x45: {  	[sflag:s0] =	ssyncadd.tile.s32 @!p0 $0x1;
	_ =	shalt  }
.Lfunc_end2:
_tile_overlayer_lowered:
.L_overlay_start_2:
0x46: {  	(tag) =	ssettag $0x2  }
0x47: {  	s0 =	rddreg [dreg:$0x0];
	s2 =	stileid.u32  }
0x48: {  	s1 =	rddreg [dreg:$0x1];
	p0 =	sne.s32 s2, $0x0  }
0x49: {  	s3 =	rddreg [dreg:$0x2];
	[bflag:$0x3] =	sbarrier.arrive $0xFFFF;
	s2 =	simm.s32 @!p0 $0x1C01  }
0x4a: {  	[timem:s3], [sflag:s2] =	dma.local @!p0 [hbm:s0], s1  }
0x4b: {  	s0 =	simm.s32 @!p0 $0x1  }
0x4c: {  	_ =	swait.ge @!p0 [sflag:s0], s1  }
0x4d: {  	s1 =	ssub.s32 @!p0 $0x0, s1;
	[sflag:s0] =	ssyncset.done @!p0 $0x0  }
0x4e: {  	[sflag:s0] =	ssyncadd.s32 @!p0 s1  }
0x4f: {  	[bflag:$0x3] =	sbarrier.arrive $0xFFFF  }
0x50: {  	_ =	shalt  }

// kernel: gather_offload_async_start
scs
__scs_entry_jumppad:
0x0: {  	(pc) =	sbr.rel $0x88, $3  }
0x1: {  	(tag) =	ssettag $0x0;
	lr =	simm.s32 $0x1  }
0x2: {  	[smem:$0x3F8B] =	sst lr;
	_ =	strace $0xD0000000  }
0x3: {  	_ = 	snop  }
0x4: {  	_ = 	snop  }
0x5: {  	_ = 	snop  }
0x6: {  	_ = 	snop  }
0x7: {  	_ = 	snop  }
__scs_overlays_trampoline_lowered:
0x8: {  	[smem:$0x3F9A] =	sst s0  }
0x9: {  	[smem:$0x3F9B] =	sst s1  }
0xa: {  	[smem:$0x3F9C] =	sst s2  }
0xb: {  	[smem:$0x3F9D] =	sst s3  }
0xc: {  	[smem:$0x3F9E] =	sst s4  }
0xd: {  	[smem:$0x3F9F] =	sst s5  }
0xe: {  	[smem:$0x3FA0] =	sst s6  }
0xf: {  	[smem:$0x3FA1] =	sst s7  }
0x10: {  	[smem:$0x3FA2] =	sst s8  }
0x11: {  	[smem:$0x3FA3] =	sst s9;
	s0 =	simm.s32 @!p0 $0x0  }
0x12: {  	s1 =	sld [smem:$0x3F89];
	s0 =	simm.s32 @p0 $0x1  }
0x13: {  	[smem:$0x3FA4] =	sst s0;
	s0 =	simm.s32 @!p1 $0x0  }
0x14: {  	s2 =	sld [smem:$0x3F88];
	s0 =	simm.s32 @p1 $0x1  }
0x15: {  	[smem:$0x3FA5] =	sst s0;
	s0 =	simm.s32 @!p2 $0x0  }
0x16: {  	s3 =	sld [smem:$0x3FDB];
	s0 =	simm.s32 @p2 $0x1  }
0x17: {  	s4 =	simm.s32 $0x1BF5;
	[smem:$0x3FA7] =	sst s0  }
0x18: {  	s0 =	sld [smem:$0x3F8A];
	_ =	swait.ge [sflag:s4], $0x0  }
0x19: {  	s7 =	sld [smem:$0x3F8B]  }
0x1a: {  	s8 =	sadd.s32 $0xFFFFE003, lr  }
0x1b: {  	s9 =	sadd.s32 $0xFFFFFEF7, lr;
	s5 =	simm.s32 $0xFFFFFFFF;
	p2 =	slt.u32 s8, $0xFFFFF086  }
0x1c: {  	p1 =	slt.u32 s9, $0xF7A;
	s5 =	simm.s32 @!p2 $0x0  }
0x1d: {  	s5 =	simm.s32 @p1 $0x1;
	p0 =	seq.s32 s7, s2  }
0x1e: {  	s7 =	smul.u32 @!p0 $0xF7A, s2;
	p2 =	seq.s32 @!p0 s5, $0x0  }
0x1f: {  	s9 =	smul.u32 $0xF7A, s1;
	s8 =	simm.s32 @!p0 $0x1BF5;
	p2 =	por !p2, p0  }
0x20: {  	[sflag:s8] =	ssyncset.s32 @!p0 $0xFFFFF086;
	s6 =	sadd.s32 @!p0 s3, s7;
	s7 =	simm.s32 @!p0 $0x108  }
0x21: {  	s3 =	sadd.s32 s3, s9;
	s6 =	sadd.s32 @!p0 $0x88, s6;
	s7 =	simm.s32 @p2 $0x1082  }
0x22: {  	[simem:s7], [sflag:s8] =	dma.local @!p0 [hbm:s6], $0xF7A  }
0x23: {  	s9 =	sor.u32 $0xD0000000, s2;
	s6 =	simm.s32 $0x108;
	_ =	swait.ge @!p0 [sflag:s8], $0x0  }
0x24: {  	s3 =	sadd.s32 $0x88, s3;
	s6 =	simm.s32 @!p1 $0x1082;
	[sflag:s4] =	ssyncset.s32 $0xFFFFF086  }
0x25: {  	[simem:s6], [sflag:s4] =	dma.local [hbm:s3], $0xF7A  }
0x26: {  	[smem:$0x3F8B] =	sst s1;
	(tag) =	ssettag s2;
	_ =	strace s9  }
0x27: {  	s1 =	sld [smem:$0x3F9B]  }
0x28: {  	s2 =	sld [smem:$0x3F9C]  }
0x29: {  	s4 =	sld [smem:$0x3F9E]  }
0x2a: {  	p0 =	seq.s32 s5, $0x0;
	s5 =	sld [smem:$0x3F9F]  }
0x2b: {  	s6 =	sld [smem:$0x3FA0]  }
0x2c: {  	s7 =	sld [smem:$0x3FA1]  }
0x2d: {  	s3 =	simm.s32 $0x108;
	s8 =	sld [smem:$0x3FA2]  }
0x2e: {  	s3 =	simm.s32 @!p0 $0x1082;
	s9 =	sld [smem:$0x3FA3]  }
0x2f: {  	lr =	sadd.s32 s0, s3;
	s0 =	sld [smem:$0x3F9A]  }
0x30: {  	s3 =	sld [smem:$0x3F9D]  }
0x31: {  	[smem:$0x3FA6] =	sst s10  }
0x32: {  	s10 =	sld [smem:$0x3FA4];
	_ =	sdelay $0x3  }
0x33: {  	p0 =	seq.s32 s10, $0x1;
	s10 =	sld [smem:$0x3FA6];
	_ =	sdelay $0x3  }
0x34: {  	[smem:$0x3FA6] =	sst s10  }
0x35: {  	s10 =	sld [smem:$0x3FA5];
	_ =	sdelay $0x3  }
0x36: {  	p1 =	seq.s32 s10, $0x1;
	s10 =	sld [smem:$0x3FA6];
	_ =	sdelay $0x3  }
0x37: {  	[smem:$0x3FA6] =	sst s10  }
0x38: {  	s10 =	sld [smem:$0x3FA7]  }
0x39: {  	_ = 	snop;
	(pc) =	sbr.ind lr, $3  }
0x3a: {  	_ = 	snop  }
0x3b: {  	_ = 	snop  }
0x3c: {  	p2 =	seq.s32 s10, $0x1;
	s10 =	sld [smem:$0x3FA6]  }
0x3d: {  	_ =	shalt  }
0x3e: {  	_ =	shalt  }
0x3f: {  	_ =	shalt  }
0x40: {  	_ =	shalt  }
0x41: {  	_ =	shalt  }
0x42: {  	_ =	shalt  }
0x43: {  	_ =	shalt  }
0x44: {  	_ =	shalt  }
0x45: {  	_ =	shalt  }
0x46: {  	_ =	shalt  }
0x47: {  	_ =	shalt  }
0x48: {  	_ =	shalt  }
0x49: {  	_ =	shalt  }
0x4a: {  	_ =	shalt  }
0x4b: {  	_ =	shalt  }
0x4c: {  	_ =	shalt  }
0x4d: {  	_ =	shalt  }
0x4e: {  	_ =	shalt  }
0x4f: {  	_ =	shalt  }
0x50: {  	_ =	shalt  }
0x51: {  	_ =	shalt  }
0x52: {  	_ =	shalt  }
0x53: {  	_ =	shalt  }
0x54: {  	_ =	shalt  }
0x55: {  	_ =	shalt  }
0x56: {  	_ =	shalt  }
0x57: {  	_ =	shalt  }
0x58: {  	_ =	shalt  }
0x59: {  	_ =	shalt  }
0x5a: {  	_ =	shalt  }
0x5b: {  	_ =	shalt  }
0x5c: {  	_ =	shalt  }
0x5d: {  	_ =	shalt  }
0x5e: {  	_ =	shalt  }
0x5f: {  	_ =	shalt  }
0x60: {  	_ =	shalt  }
0x61: {  	_ =	shalt  }
0x62: {  	_ =	shalt  }
0x63: {  	_ =	shalt  }
0x64: {  	_ =	shalt  }
0x65: {  	_ =	shalt  }
0x66: {  	_ =	shalt  }
0x67: {  	_ =	shalt  }
0x68: {  	_ =	shalt  }
0x69: {  	_ =	shalt  }
0x6a: {  	_ =	shalt  }
0x6b: {  	_ =	shalt  }
0x6c: {  	_ =	shalt  }
0x6d: {  	_ =	shalt  }
0x6e: {  	_ =	shalt  }
0x6f: {  	_ =	shalt  }
0x70: {  	_ =	shalt  }
0x71: {  	_ =	shalt  }
0x72: {  	_ =	shalt  }
0x73: {  	_ =	shalt  }
0x74: {  	_ =	shalt  }
0x75: {  	_ =	shalt  }
0x76: {  	_ =	shalt  }
0x77: {  	_ =	shalt  }
0x78: {  	_ =	shalt  }
0x79: {  	_ =	shalt  }
0x7a: {  	_ =	shalt  }
0x7b: {  	_ =	shalt  }
0x7c: {  	_ =	shalt  }
0x7d: {  	_ =	shalt  }
0x7e: {  	_ =	shalt  }
0x7f: {  	_ =	shalt  }
0x80: {  	_ =	shalt  }
0x81: {  	_ =	shalt  }
0x82: {  	_ =	shalt  }
0x83: {  	_ =	shalt  }
0x84: {  	_ =	shalt  }
0x85: {  	_ =	shalt  }
0x86: {  	_ =	shalt  }
0x87: {  	_ =	shalt  }
.Lfunc_end0:
.L_simem_size_0:
called_computation.2_lowered:
.L_overlay_start_0:
0x88: {  	s0 =	sld [smem:$0x3FD9]  }
0x89: {  	s1 =	sld [smem:$0x3FFE];
	_ =	sdelay $0x3  }
0x8a: {  	s0 =	sadd.s32 s1, s0  }
0x8b: {  	[smem:$0x3FB2] =	sst s0  }
0x8c: {  	_ = 	snop  }
0x8d: {  	(tm) =	ssettm $0x1  }
0x8e: {  	s15 =	sld [smem:$0x3FFB];
	_ =	sdelay $0x3  }
0x8f: {  	_ =	strace s15  }
0x90: {  	s0 =	sld [smem:$0x3FFC];
	_ =	sdelay $0x3  }
0x91: {  	_ =	strace s0  }
0x92: {  	s0 =	sld [smem:$0x3FFD];
	_ =	sdelay $0x3  }
0x93: {  	_ =	strace s0  }
0x94: {  	_ =	strace $0x8FFFFFFF  }
0x95: {  	s16 =	sld [smem:$0x3FDB];
	_ =	sdelay $0x1  }
0x96: {  	s17 =	simm.s32 $_scs_section_size  }
0x97: {  	s2 =	simm.s32 $_size__tile_overlayer_lowered;
	s3 =	simm.s32 $_tile_overlayer_lowered  }
0x98: {  	s20 =	simm.s32 $0x1BFF;
	s19 =	sshll.u32 s3, $0x1;
	s0 =	sadd.s32 s17, s16  }
0x99: {  	s4 =	simm.s32 $0x0;
	s18 =	sshll.u32 s2, $0x1;
	s2 =	sadd.s32 s19, s0  }
0x9a: {  	[timem:s4], [sflag:s20] =	dma.local [hbm:s2], s18  }
0x9b: {  	_ =	swait.ge [sflag:s20], s18  }
0x9c: {  	s1 =	ssub.s32 $0x0, s18;
	[sflag:s20] =	ssyncset.done $0x0  }
0x9d: {  	[sflag:s20] =	ssyncadd.s32 s1;
	_ =	sdelay $0x1  }
0x9e: {  	s21 =	simm.s32 $0x1B8B  }
0x9f: {  	_ =	swait.ge [sflag:s21], $0x1  }
0xa0: {  	[sflag:s21] =	ssyncset.done $0x0  }
0xa1: {  	s23 =	simm.s32 $0x1B8E;
	s22 =	sld [smem:$0x3FFE];
	[sflag:s21] =	ssyncadd.s32 $0xFFFFFFFF  }
0xa2: {  	s24 =	simm.s32 $execute0_lowered;
	[smem:$0x3FD2] =	sst s23  }
0xa3: {  	s2 =	sshll.u32 s24, $0x1;
	_ =	strace $0x80000046;
	[dreg:$0x1] =	wrdreg $0xFFFFFFFF  }
0xa4: {  	s25 =	simm.s32 $_size_execute0_lowered;
	s0 =	sadd.s32 s0, s2;
	[dreg:$0x0] =	wrdreg $0x0  }
0xa5: {  	s2 =	sshll.u32 s25, $0x1;
	[dreg:$0x2] =	wrdreg s0  }
0xa6: {  	[dreg:$0x3] =	wrdreg s2  }
0xa7: {  	[dreg:$0x4] =	wrdreg $0xC0  }
0xa8: {  	_ =	task [dreg:s4], $0x5FFFF  }
0xa9: {  	[dreg:$0x1] =	wrdreg $0xFFFFFFFF  }
0xaa: {  	[dreg:$0x0] =	wrdreg $0x60  }
0xab: {  	[dreg:$0x2] =	wrdreg s22  }
0xac: {  	[dreg:$0x3] =	wrdreg $0xB  }
0xad: {  	_ =	task.clear_ibuf [dreg:s4], $0x4FFFF;
	_ =	strace $0x90000046  }
0xae: {  	s26 =	simm.s32 $0xB;
	_ =	strace $0x80000048  }
0xaf: {  	_ =	swait.ge [sflag:s26], $0x1  }
0xb0: {  	[sflag:s26] =	ssyncadd.s32 $0xFFFFFFFF  }
0xb1: {  	_ =	strace $0x90000048  }
0xb2: {  	_ =	sfence  }
0xb3: {  	s28 =	sld [smem:$0x0];
	_ =	sdelay $0x1  }
0xb4: {  	s29 =	srdreg.scid  }
0xb5: {  	s30 =	sshll.u32 s29, $0xD;
	s31 =	sshrl.u32 s29, $0x2  }
0xb6: {  	s1 =	sand.u32 $0x1, s29;
	s2 =	sand.u32 $0x4000, s30;
	s0 =	sadd.s32 s31, s28  }
0xb7: {  	s1 =	sor.u32 s2, s1;
	s0 =	sshll.u32 s0, $0x11  }
0xb8: {  	s0 =	sor.u32 s0, s1  }
0xb9: {  	s0 =	sadd.s32 $0x8F2B, s0  }
0xba: {  	[sflag:s0] =	ssyncadd.remote.s32 $0x1  }
0xbb: {  	_ =	sfence.sel $0xFFFF  }
0xbc: {  	[dreg:$0x0] =	wrdreg $0xFFFFFFFF;
	(pc) =	sbr.abs _section_cstart, $3  }
0xbd: {  	[dreg:$0x1] =	wrdreg $0xFFFFFFFF  }
0xbe: {  	_ =	task.clear_ibuf [dreg:s4], $0x2FFFF;
	_ =	strace $0x9FFFFFFF  }
0xbf: {  	(tm) =	ssettm $0x7FFFFFFF  }
tec
execute0_lowered:
.L_overlay_start_1:
0x0: {  	(tag) =	ssettag $0x1  }
0x1: {  	s0 =	stileid.u32  }
0x2: {  	s2 =	smul.u32 $0x2710, s0;
	_ =	sdelay $0x1  }
0x3: {  	s6 =	ssub.s32 $0xCF850, s2  }
0x4: {  	s1 =	smulhi.u32 $0x68DB9, s6  }
0x5: {  	s8 =	rddreg [dreg:$0x0];
	s5 =	simm.s32 $0x1;
	s10 =	simm.s32 $0x3  }
0x6: {  	s13 =	simm.s32 $0x0;
	s12 =	simm.s32 $0x0;
	s7 =	sshrl.u32 s1, $0x4  }
0x7: {  	s3 =	sadd.s32 $0x23E00, s8;
	s4 =	sadd.s32 $0x3DE00, s8;
	s9 =	smul.u32 $0x27100, s7  }
.Ltmp0:
0x8: {  	s8 =	sadd.s32 $0xD9E400, s8;
	s1 =	rddreg [dreg:$0x1];
	(pc) =	sbr.rel .LBB2_1-.Ltmp0, $4  }
0x9: {  	_ =	strace $0x80000047;
	p0 =	sne.s32 s6, s9;
	s9 =	simm.s32 $0x1  }
0xa: {  	[sflag:s5] =	ssyncpa.u1 $0x0;
	s6 =	simm.s32 $0x2;
	s9 =	simm.s32 @!p0 $0x0  }
0xb: {  	s11 =	smov.u32 s2;
	[sflag:s6] =	ssyncpa.u1 $0x0;
	s7 =	sadd.s32 s9, s7  }
0xc: {  	vm0 =	vmmov $0xffff;
	[sflag:s10] =	ssyncpa.u1 $0x0;
	s10 =	simm.s32 $0x0;
	s9 =	sadd.s32 $0x1, s7  }
.LBB2_4:
0xd: {  	v2 =	vnsel vm1, $0x0, v2  }
0xe: {  	vm1 =	vgt.s32 v0, $0x0;
	v2 =	vmin.u32 v2, $0xCF84F  }
0xf: {  	v0 =	vnsel vm1, $0x0, v0  }
0x10: {  	v0 =	vmin.u32 v0, $0xCF84F  }
0x11: {  	[tilespmem:s18], [sflag:$0x1] =	stream.indirect_vreg.gather [hbm4b:s3+s10], $0x1, v1, vm0, $0x4038;
	[tilespmem:$0x9C40] =	vst v63  }
0x12: {  	(ifvalue) =	ssetifvalue $0x7FFFFFFF  }
0x13: {  	[tilespmem:s15], [sflag:$0x1] =	stream.indirect_vreg.gather [hbm4b:s3+s10], $0x1, v2, vm0, $0x4038;
	[tilespmem:$0x9C40] =	vst v63  }
0x14: {  	s29 =	sadd.s32 $0x10, s15;
	(ifvalue) =	ssetifvalue $0x7FFFFFFF  }
0x15: {  	[tilespmem:s29], [sflag:$0x1] =	stream.indirect_vreg.gather [hbm4b:s3+s10], $0x1, v0, vm0, $0x4038;
	[tilespmem:$0x9C40] =	vst v63  }
0x16: {  	_ =	swait.ge [sflag:s5], $0x2710  }
0x17: {  	s30 =	sshrl.u32 s13, $0x3;
	[sflag:s5] =	ssyncset.done $0x0  }
0x18: {  	s31 =	sand.u32 $0x7, s13;
	s15 =	sadd.s32 s8, s30;
	[sflag:s5] =	ssyncadd.s32 $0xFFFFD8F0  }
0x19: {  	[hbm4b:s15+s31] =	stream.linear.scatter [tilespmem:s14], [sflag:$0x3], $0x2710, $0x38;
	[tilespmem:$0x9C40] =	vst v63  }
.LBB2_5:
0x1a: {  	s15 =	sadd.s32 $0x27100, s11  }
0x1b: {  	p1 =	sgt.s32 s15, $0xCF84F  }
0x1c: {  	s15 =	smov.u32 @p1 s2;
	p1 =	sne.s32 s12, s9  }
.Ltmp1:
0x1d: {  	p0 =	slt.u32 s12, $0x2;
	(pc) =	sbr.rel @!p1 .LBB2_6-.Ltmp1, $4  }
0x1e: {  	s14 =	simm.s32 @!p0 $0x3  }
0x1f: {  	_ =	swait.ge @!p0 [sflag:s14], $0x2710  }
0x20: {  	s16 =	sadd.s32 $0x1, s12;
	s13 =	smov.u32 s11;
	[sflag:s14] =	ssyncset.done @!p0 $0x0  }
0x21: {  	s12 =	smov.u32 s16;
	s11 =	smov.u32 s15;
	[sflag:s14] =	ssyncadd.s32 @!p0 $0xFFFFD8F0  }
.LBB2_1:
0x22: {  	p0 =	sge.u32 s12, s7  }
0x23: {  	s14 =	sxor.u32 @!p0 $0xFFFFFFFF, s12  }
0x24: {  	s14 =	sand.u32 @!p0 $0x1, s14  }
0x25: {  	s14 =	smul.u32 @!p0 $0x9C40, s14  }
0x26: {  	s31 =	sadd.s32 $0xFFFFFFFF, s12;
	s15 =	sshrl.u32 @!p0 s11, $0x3  }
0x27: {  	s16 =	sand.u32 @!p0 $0x7, s11;
	s15 =	sadd.s32 @!p0 s4, s15;
	s14 =	sshrl.u32 @!p0 s14, $0x2  }
0x28: {  	[tilespmem:s14], [sflag:$0x2] =	stream.linear.gather @!p0 [hbm4b:s15+s16], $0x2710, $0x38;
	[tilespmem:$0x9C40] =	vst v63  }
0x29: {  	p0 =	sge.u32 s31, s7  }
.Ltmp2:
0x2a: {  	_ = 	snop;
	(pc) =	sbr.rel @p0 .LBB2_5-.Ltmp2, $1  }
0x2b: {  	_ =	sdelay $0x3  }
0x2c: {  	s14 =	sand.u32 $0x1, s12  }
0x2d: {  	_ =	swait.ge [sflag:s6], $0x2710;
	p0 =	seq.s32 s14, $0x1;
	s14 =	simm.s32 $0x2710  }
0x2e: {  	[sflag:s6] =	ssyncset.done $0x0;
	s14 =	simm.s32 @!p0 $0x0  }
0x2f: {  	[sflag:s6] =	ssyncadd.s32 $0xFFFFD8F0;
	(ifvalue) =	ssetifvalue $0x7FFFFFFF;
	v0 =	vld.msk [tilespmem:s14+$0x0 ss:$0x1], $0xffff;
	_ =	sdelay $0x4  }
0x30: {  	s15 =	sadd.s32 $0x10, s14;
	vm1 =	vgt.s32 v0, $0x0  }
0x31: {  	v2 =	vld.msk [tilespmem:s15+$0x0 ss:$0x1], $0xffff;
	v1 =	vnsel vm1, $0x0, v0  }
0x32: {  	v1 =	vmin.u32 v1, $0xCF84F;
	_ =	sdelay $0x2  }
0x33: {  	s17 =	simm.s32 $0x20;
	s14 =	sadd.s32 $0x4E20, s14;
	s16 =	sadd.s32 $0x10, s15  }
0x34: {  	s15 =	sadd.s32 $0x10, s14;
	s18 =	smov.u32 s14;
	v0 =	vld.msk [tilespmem:s16+$0x0 ss:$0x1], $0xffff;
	vm1 =	vgt.s32 v2, $0x0;
	(ifvalue) =	ssetifvalue $0x7FFFFFFF  }
.LBB2_3:
0x35: {  	[tilespmem:s18], [sflag:$0x1] =	stream.indirect_vreg.gather [hbm4b:s3+s10], $0x1, v1, vm0, $0x4038;
	[tilespmem:$0x9C40] =	vst v63  }
0x36: {  	s17 =	sadd.s32 $0x10, s17  }
0x37: {  	v2 =	vnsel vm1, $0x0, v2;
	p0 =	slt.u32 s17, $0x2700  }
.Ltmp3:
0x38: {  	s18 =	smov.u32 s15;
	v1 =	vmin.u32 v2, $0xCF84F;
	(pc) =	sbr.rel @p0 .LBB2_3-.Ltmp3, $3  }
0x39: {  	_ =	sdelay $0x1  }
0x3a: {  	s16 =	sadd.s32 $0x10, s16  }
0x3b: {  	vm1 =	vgt.s32 v0, $0x0;
	s15 =	sadd.s32 $0x10, s15;
	v2 =	vmov v0;
	(ifvalue) =	ssetifvalue $0x7FFFFFFF;
	v0 =	vld.msk [tilespmem:s16+$0x0 ss:$0x1], $0xffff  }
.Ltmp4:
0x3c: {  	_ = 	snop;
	(pc) =	sbr.rel .LBB2_4-.Ltmp4, $1  }
0x3d: {  	_ =	sdelay $0x3  }
.LBB2_6:
0x3e: {  	_ =	sfence.sel $0x180000  }
0x3f: {  	s2 =	simm.s32 $0x2;
	[bflag:$0x0] =	sbarrier.arrive $0xFFFF  }
0x40: {  	s30 =	simm.s32 $0x3;
	[sflag:s2] =	ssyncpa.u1 $0x1  }
0x41: {  	s31 =	simm.s32 $0x1;
	[sflag:s30] =	ssyncpa.u1 $0x1  }
0x42: {  	[sflag:s31] =	ssyncpa.u1 $0x1  }
0x43: {  	p0 =	sne.s32 s0, $0x0;
	_ =	strace $0x90000047  }
0x44: {  	s0 =	sadd.s32 @!p0 $0x100000, s1;
	[bflag:$0x2] =	sbarrier.arrive $0xFFFF  }
0x45: {  	[sflag:s0] =	ssyncadd.tile.s32 @!p0 $0x1;
	_ =	shalt  }
.Lfunc_end2:
_tile_overlayer_lowered:
.L_overlay_start_2:
0x46: {  	(tag) =	ssettag $0x2  }
0x47: {  	s0 =	rddreg [dreg:$0x0];
	s2 =	stileid.u32  }
0x48: {  	s1 =	rddreg [dreg:$0x1];
	p0 =	sne.s32 s2, $0x0  }
0x49: {  	s3 =	rddreg [dreg:$0x2];
	[bflag:$0x3] =	sbarrier.arrive $0xFFFF;
	s2 =	simm.s32 @!p0 $0x1C01  }
0x4a: {  	[timem:s3], [sflag:s2] =	dma.local @!p0 [hbm:s0], s1  }
0x4b: {  	s0 =	simm.s32 @!p0 $0x1  }
0x4c: {  	_ =	swait.ge @!p0 [sflag:s0], s1  }
0x4d: {  	s1 =	ssub.s32 @!p0 $0x0, s1;
	[sflag:s0] =	ssyncset.done @!p0 $0x0  }
0x4e: {  	[sflag:s0] =	ssyncadd.s32 @!p0 s1  }
0x4f: {  	[bflag:$0x3] =	sbarrier.arrive $0xFFFF  }
0x50: {  	_ =	shalt  }

// kernel: scatter_offload_async_start.1
scs
__scs_entry_jumppad:
0x0: {  	(pc) =	sbr.rel $0x88, $3  }
0x1: {  	(tag) =	ssettag $0x0;
	lr =	simm.s32 $0x1  }
0x2: {  	[smem:$0x3F8B] =	sst lr;
	_ =	strace $0xD0000000  }
0x3: {  	_ = 	snop  }
0x4: {  	_ = 	snop  }
0x5: {  	_ = 	snop  }
0x6: {  	_ = 	snop  }
0x7: {  	_ = 	snop  }
__scs_overlays_trampoline_lowered:
0x8: {  	[smem:$0x3F9A] =	sst s0  }
0x9: {  	[smem:$0x3F9B] =	sst s1  }
0xa: {  	[smem:$0x3F9C] =	sst s2  }
0xb: {  	[smem:$0x3F9D] =	sst s3  }
0xc: {  	[smem:$0x3F9E] =	sst s4  }
0xd: {  	[smem:$0x3F9F] =	sst s5  }
0xe: {  	[smem:$0x3FA0] =	sst s6  }
0xf: {  	[smem:$0x3FA1] =	sst s7  }
0x10: {  	[smem:$0x3FA2] =	sst s8  }
0x11: {  	[smem:$0x3FA3] =	sst s9;
	s0 =	simm.s32 @!p0 $0x0  }
0x12: {  	s1 =	sld [smem:$0x3F89];
	s0 =	simm.s32 @p0 $0x1  }
0x13: {  	[smem:$0x3FA4] =	sst s0;
	s0 =	simm.s32 @!p1 $0x0  }
0x14: {  	s2 =	sld [smem:$0x3F88];
	s0 =	simm.s32 @p1 $0x1  }
0x15: {  	[smem:$0x3FA5] =	sst s0;
	s0 =	simm.s32 @!p2 $0x0  }
0x16: {  	s3 =	sld [smem:$0x3FDB];
	s0 =	simm.s32 @p2 $0x1  }
0x17: {  	s4 =	simm.s32 $0x1BF5;
	[smem:$0x3FA7] =	sst s0  }
0x18: {  	s0 =	sld [smem:$0x3F8A];
	_ =	swait.ge [sflag:s4], $0x0  }
0x19: {  	s7 =	sld [smem:$0x3F8B]  }
0x1a: {  	s8 =	sadd.s32 $0xFFFFE003, lr  }
0x1b: {  	s9 =	sadd.s32 $0xFFFFFEF7, lr;
	s5 =	simm.s32 $0xFFFFFFFF;
	p2 =	slt.u32 s8, $0xFFFFF086  }
0x1c: {  	p1 =	slt.u32 s9, $0xF7A;
	s5 =	simm.s32 @!p2 $0x0  }
0x1d: {  	s5 =	simm.s32 @p1 $0x1;
	p0 =	seq.s32 s7, s2  }
0x1e: {  	s7 =	smul.u32 @!p0 $0xF7A, s2;
	p2 =	seq.s32 @!p0 s5, $0x0  }
0x1f: {  	s9 =	smul.u32 $0xF7A, s1;
	s8 =	simm.s32 @!p0 $0x1BF5;
	p2 =	por !p2, p0  }
0x20: {  	[sflag:s8] =	ssyncset.s32 @!p0 $0xFFFFF086;
	s6 =	sadd.s32 @!p0 s3, s7;
	s7 =	simm.s32 @!p0 $0x108  }
0x21: {  	s3 =	sadd.s32 s3, s9;
	s6 =	sadd.s32 @!p0 $0x88, s6;
	s7 =	simm.s32 @p2 $0x1082  }
0x22: {  	[simem:s7], [sflag:s8] =	dma.local @!p0 [hbm:s6], $0xF7A  }
0x23: {  	s9 =	sor.u32 $0xD0000000, s2;
	s6 =	simm.s32 $0x108;
	_ =	swait.ge @!p0 [sflag:s8], $0x0  }
0x24: {  	s3 =	sadd.s32 $0x88, s3;
	s6 =	simm.s32 @!p1 $0x1082;
	[sflag:s4] =	ssyncset.s32 $0xFFFFF086  }
0x25: {  	[simem:s6], [sflag:s4] =	dma.local [hbm:s3], $0xF7A  }
0x26: {  	[smem:$0x3F8B] =	sst s1;
	(tag) =	ssettag s2;
	_ =	strace s9  }
0x27: {  	s1 =	sld [smem:$0x3F9B]  }
0x28: {  	s2 =	sld [smem:$0x3F9C]  }
0x29: {  	s4 =	sld [smem:$0x3F9E]  }
0x2a: {  	p0 =	seq.s32 s5, $0x0;
	s5 =	sld [smem:$0x3F9F]  }
0x2b: {  	s6 =	sld [smem:$0x3FA0]  }
0x2c: {  	s7 =	sld [smem:$0x3FA1]  }
0x2d: {  	s3 =	simm.s32 $0x108;
	s8 =	sld [smem:$0x3FA2]  }
0x2e: {  	s3 =	simm.s32 @!p0 $0x1082;
	s9 =	sld [smem:$0x3FA3]  }
0x2f: {  	lr =	sadd.s32 s0, s3;
	s0 =	sld [smem:$0x3F9A]  }
0x30: {  	s3 =	sld [smem:$0x3F9D]  }
0x31: {  	[smem:$0x3FA6] =	sst s10  }
0x32: {  	s10 =	sld [smem:$0x3FA4];
	_ =	sdelay $0x3  }
0x33: {  	p0 =	seq.s32 s10, $0x1;
	s10 =	sld [smem:$0x3FA6];
	_ =	sdelay $0x3  }
0x34: {  	[smem:$0x3FA6] =	sst s10  }
0x35: {  	s10 =	sld [smem:$0x3FA5];
	_ =	sdelay $0x3  }
0x36: {  	p1 =	seq.s32 s10, $0x1;
	s10 =	sld [smem:$0x3FA6];
	_ =	sdelay $0x3  }
0x37: {  	[smem:$0x3FA6] =	sst s10  }
0x38: {  	s10 =	sld [smem:$0x3FA7]  }
0x39: {  	_ = 	snop;
	(pc) =	sbr.ind lr, $3  }
0x3a: {  	_ = 	snop  }
0x3b: {  	_ = 	snop  }
0x3c: {  	p2 =	seq.s32 s10, $0x1;
	s10 =	sld [smem:$0x3FA6]  }
0x3d: {  	_ =	shalt  }
0x3e: {  	_ =	shalt  }
0x3f: {  	_ =	shalt  }
0x40: {  	_ =	shalt  }
0x41: {  	_ =	shalt  }
0x42: {  	_ =	shalt  }
0x43: {  	_ =	shalt  }
0x44: {  	_ =	shalt  }
0x45: {  	_ =	shalt  }
0x46: {  	_ =	shalt  }
0x47: {  	_ =	shalt  }
0x48: {  	_ =	shalt  }
0x49: {  	_ =	shalt  }
0x4a: {  	_ =	shalt  }
0x4b: {  	_ =	shalt  }
0x4c: {  	_ =	shalt  }
0x4d: {  	_ =	shalt  }
0x4e: {  	_ =	shalt  }
0x4f: {  	_ =	shalt  }
0x50: {  	_ =	shalt  }
0x51: {  	_ =	shalt  }
0x52: {  	_ =	shalt  }
0x53: {  	_ =	shalt  }
0x54: {  	_ =	shalt  }
0x55: {  	_ =	shalt  }
0x56: {  	_ =	shalt  }
0x57: {  	_ =	shalt  }
0x58: {  	_ =	shalt  }
0x59: {  	_ =	shalt  }
0x5a: {  	_ =	shalt  }
0x5b: {  	_ =	shalt  }
0x5c: {  	_ =	shalt  }
0x5d: {  	_ =	shalt  }
0x5e: {  	_ =	shalt  }
0x5f: {  	_ =	shalt  }
0x60: {  	_ =	shalt  }
0x61: {  	_ =	shalt  }
0x62: {  	_ =	shalt  }
0x63: {  	_ =	shalt  }
0x64: {  	_ =	shalt  }
0x65: {  	_ =	shalt  }
0x66: {  	_ =	shalt  }
0x67: {  	_ =	shalt  }
0x68: {  	_ =	shalt  }
0x69: {  	_ =	shalt  }
0x6a: {  	_ =	shalt  }
0x6b: {  	_ =	shalt  }
0x6c: {  	_ =	shalt  }
0x6d: {  	_ =	shalt  }
0x6e: {  	_ =	shalt  }
0x6f: {  	_ =	shalt  }
0x70: {  	_ =	shalt  }
0x71: {  	_ =	shalt  }
0x72: {  	_ =	shalt  }
0x73: {  	_ =	shalt  }
0x74: {  	_ =	shalt  }
0x75: {  	_ =	shalt  }
0x76: {  	_ =	shalt  }
0x77: {  	_ =	shalt  }
0x78: {  	_ =	shalt  }
0x79: {  	_ =	shalt  }
0x7a: {  	_ =	shalt  }
0x7b: {  	_ =	shalt  }
0x7c: {  	_ =	shalt  }
0x7d: {  	_ =	shalt  }
0x7e: {  	_ =	shalt  }
0x7f: {  	_ =	shalt  }
0x80: {  	_ =	shalt  }
0x81: {  	_ =	shalt  }
0x82: {  	_ =	shalt  }
0x83: {  	_ =	shalt  }
0x84: {  	_ =	shalt  }
0x85: {  	_ =	shalt  }
0x86: {  	_ =	shalt  }
0x87: {  	_ =	shalt  }
.Lfunc_end0:
.L_simem_size_0:
called_computation.1_lowered:
.L_overlay_start_0:
0x88: {  	s0 =	sld [smem:$0x3FD9]  }
0x89: {  	s1 =	sld [smem:$0x3FFE];
	_ =	sdelay $0x3  }
0x8a: {  	s0 =	sadd.s32 s1, s0  }
0x8b: {  	[smem:$0x3FB2] =	sst s0  }
0x8c: {  	_ = 	snop  }
0x8d: {  	(tm) =	ssettm $0x1  }
0x8e: {  	s14 =	sld [smem:$0x3FFB];
	_ =	sdelay $0x3  }
0x8f: {  	_ =	strace s14  }
0x90: {  	s0 =	sld [smem:$0x3FFC];
	_ =	sdelay $0x3  }
0x91: {  	_ =	strace s0  }
0x92: {  	s0 =	sld [smem:$0x3FFD];
	_ =	sdelay $0x3  }
0x93: {  	_ =	strace s0  }
0x94: {  	_ =	strace $0x8FFFFFFF  }
0x95: {  	s15 =	sld [smem:$0x3FDB];
	_ =	sdelay $0x1  }
0x96: {  	s16 =	simm.s32 $_scs_section_size  }
0x97: {  	s2 =	simm.s32 $_size__tile_overlayer_lowered;
	s3 =	simm.s32 $_tile_overlayer_lowered  }
0x98: {  	s4 =	simm.s32 $0x1BFF;
	s17 =	sshll.u32 s3, $0x1;
	s1 =	sadd.s32 s16, s15  }
0x99: {  	s18 =	simm.s32 $0x0;
	s2 =	sshll.u32 s2, $0x1;
	s3 =	sadd.s32 s17, s1  }
0x9a: {  	[timem:s18], [sflag:s4] =	dma.local [hbm:s3], s2  }
0x9b: {  	_ =	swait.ge [sflag:s4], s2  }
0x9c: {  	s2 =	ssub.s32 $0x0, s2;
	[sflag:s4] =	ssyncset.done $0x0  }
0x9d: {  	[sflag:s4] =	ssyncadd.s32 s2;
	_ =	sdelay $0x1  }
0x9e: {  	s19 =	simm.s32 $0x1B8B  }
0x9f: {  	_ =	swait.ge [sflag:s19], $0x1  }
0xa0: {  	[sflag:s19] =	ssyncset.done $0x0  }
0xa1: {  	s21 =	simm.s32 $0x1B8E;
	s20 =	sld [smem:$0x3FFE];
	[sflag:s19] =	ssyncadd.s32 $0xFFFFFFFF  }
0xa2: {  	s22 =	simm.s32 $execute0_lowered;
	[smem:$0x3FD2] =	sst s21  }
0xa3: {  	s3 =	sshll.u32 s22, $0x1;
	_ =	strace $0x80000052;
	[dreg:$0x1] =	wrdreg $0xFFFFFFFF  }
0xa4: {  	s23 =	simm.s32 $_size_execute0_lowered;
	s3 =	sadd.s32 s1, s3;
	[dreg:$0x0] =	wrdreg $0x0  }
0xa5: {  	s4 =	sshll.u32 s23, $0x1;
	[dreg:$0x2] =	wrdreg s3  }
0xa6: {  	[dreg:$0x3] =	wrdreg s4  }
0xa7: {  	[dreg:$0x4] =	wrdreg $0xC0  }
0xa8: {  	s24 =	simm.s32 $execute1_lowered;
	_ =	task [dreg:s18], $0x5FFFF  }
0xa9: {  	s3 =	sshll.u32 s24, $0x1;
	[dreg:$0x1] =	wrdreg $0xFFFFFFFF  }
0xaa: {  	s1 =	sadd.s32 s1, s3;
	[dreg:$0x0] =	wrdreg $0x60  }
0xab: {  	[dreg:$0x2] =	wrdreg s1  }
0xac: {  	[dreg:$0x3] =	wrdreg s20  }
0xad: {  	[dreg:$0x4] =	wrdreg $0xB  }
0xae: {  	_ =	task.clear_ibuf [dreg:s18], $0x5FFFF;
	_ =	strace $0x90000052  }
0xaf: {  	s25 =	simm.s32 $0xB;
	_ =	strace $0x80000054  }
0xb0: {  	_ =	swait.ge [sflag:s25], $0x1  }
0xb1: {  	[sflag:s25] =	ssyncadd.s32 $0xFFFFFFFF  }
0xb2: {  	_ =	strace $0x90000054  }
0xb3: {  	_ =	strace $0x80000055;
	[dreg:$0x1] =	wrdreg $0xFFFFFFFF  }
0xb4: {  	[dreg:$0x0] =	wrdreg $0x2030  }
0xb5: {  	[dreg:$0x2] =	wrdreg s20  }
0xb6: {  	[dreg:$0x3] =	wrdreg $0xC  }
0xb7: {  	_ =	task.clear_ibuf [dreg:s18], $0x4FFFF;
	_ =	strace $0x90000055  }
0xb8: {  	s26 =	simm.s32 $0xC;
	_ =	strace $0x80000057  }
0xb9: {  	_ =	swait.ge [sflag:s26], $0x1  }
0xba: {  	[sflag:s26] =	ssyncadd.s32 $0xFFFFFFFF  }
0xbb: {  	_ =	strace $0x90000057  }
0xbc: {  	_ =	sfence  }
0xbd: {  	s28 =	sld [smem:$0x0];
	_ =	sdelay $0x1  }
0xbe: {  	s29 =	srdreg.scid  }
0xbf: {  	s30 =	sshll.u32 s29, $0xD;
	s31 =	sshrl.u32 s29, $0x2  }
0xc0: {  	s2 =	sand.u32 $0x1, s29;
	s3 =	sand.u32 $0x4000, s30;
	s1 =	sadd.s32 s31, s28  }
0xc1: {  	s2 =	sor.u32 s3, s2;
	s1 =	sshll.u32 s1, $0x11  }
0xc2: {  	s1 =	sor.u32 s1, s2  }
0xc3: {  	s1 =	sadd.s32 $0x8F2B, s1  }
0xc4: {  	[sflag:s1] =	ssyncadd.remote.s32 $0x1  }
0xc5: {  	_ =	sfence.sel $0xFFFF  }
0xc6: {  	[dreg:$0x0] =	wrdreg $0xFFFFFFFF;
	(pc) =	sbr.abs _section_cstart, $3  }
0xc7: {  	[dreg:$0x1] =	wrdreg $0xFFFFFFFF  }
0xc8: {  	_ =	task.clear_ibuf [dreg:s18], $0x2FFFF;
	_ =	strace $0x9FFFFFFF  }
0xc9: {  	(tm) =	ssettm $0x7FFFFFFF  }
tec
execute0_lowered:
.L_overlay_start_1:
0x0: {  	(tag) =	ssettag $0x1  }
0x1: {  	s2 =	rddreg [dreg:$0x0]  }
0x2: {  	s5 =	rddreg [dreg:$0x1]  }
0x3: {  	s0 =	rddreg [dreg:$0x2];
	s3 =	stileid.u32  }
0x4: {  	[bflag:$0x3] =	sbarrier.arrive $0xFFFF;
	s1 =	simm.s32 $_size_execute1_lowered;
	s31 =	simm.s32 $0x2  }
0x5: {  	s13 =	simm.s32 $0x0;
	s8 =	simm.s32 $0x20;
	s9 =	simm.s32 $0x80  }
0x6: {  	s11 =	simm.s32 $0x0;
	s12 =	simm.s32 $0x0;
	p0 =	sne.s32 s3, $0x0  }
0x7: {  	s1 =	sshll.u32 s1, $0x1;
	s3 =	sshll.u32 s3, $0x9;
	s4 =	simm.s32 @!p0 $0x1C3F  }
.Ltmp0:
0x8: {  	s6 =	simm.s32 @!p0 $0x4060;
	s7 =	ssub.s32 $0xC200, s3;
	(pc) =	sbr.rel .LBB2_1-.Ltmp0, $4  }
0x9: {  	[timem:s6], [sflag:s4] =	dma.local @!p0 [hbm:s2], s1  }
0xa: {  	s10 =	smov.u32 s3;
	s4 =	simm.s32 $0x1;
	_ =	strace $0x80000053  }
0xb: {  	s2 =	sadd.s32 $0xDD2400, s5;
	s6 =	sshrl.u32 s7, $0xD;
	[sflag:s4] =	ssyncpa.u1 $0x0  }
0xc: {  	s5 =	sadd.s32 $0x3709600, s5;
	s7 =	sadd.s32 $0x2, s6;
	[sflag:s31] =	ssyncpa.u1 $0x0  }
.LBB2_5:
0xd: {  	_ =	sdelay $0x3  }
0xe: {  	[tilespmem:v1+s16+$0x0 ss:$0x1] =	vst.idx.msk $0xffff, v2  }
.LBB2_6:
0xf: {  	s16 =	sand.u32 $0x1FFFFFF, s11  }
0x10: {  	s17 =	smulhi.u32 $0x14F8B59, s16;
	_ =	sdelay $0x1  }
0x11: {  	s17 =	sshrl.u32 s17, $0x8  }
0x12: {  	s17 =	smul.u32 $0xC350, s17;
	_ =	sdelay $0x1  }
0x13: {  	s16 =	ssub.s32 s16, s17  }
0x14: {  	s16 =	sshll.u32 s16, $0x4  }
0x15: {  	s16 =	sadd.s32 s5, s16  }
0x16: {  	[hbm4b:s16+s8] =	stream.strided.scatter [tilespmem:s15], [sflag:$0x2], s14, s9, s8, $0x38;
	[tilespmem:$0x10000] =	vst v63  }
.LBB2_7:
0x17: {  	p1 =	slt.u32 s12, $0x2  }
0x18: {  	p2 =	sgt.s32 @!p1 s13, $0xC150  }
0x19: {  	s14 =	smov.u32 s13;
	s15 =	sshra.s32 @!p1 s13, $0x1F;
	p2 =	por !p2, p1  }
0x1a: {  	s13 =	sand.u32 @!p1 s15, s13;
	s14 =	simm.s32 @p2 $0xC150  }
0x1b: {  	s13 =	ssub.s32 @!p1 s14, s13  }
0x1c: {  	s13 =	sadd.s32 @!p1 $0xFFFF3EB0, s13  }
0x1d: {  	s14 =	sshll.u32 @!p1 s13, $0x7  }
0x1e: {  	p2 =	sgt.s32 @!p1 s13, $0x1FF;
	s13 =	ssub.s32 @!p1 $0x10000, s14  }
0x1f: {  	s15 =	sadd.s32 $0x2000, s10;
	p2 =	por !p2, p1;
	s13 =	sshrl.u32 @!p1 s13, $0x2  }
0x20: {  	s13 =	simm.s32 @!p2 $0x0;
	p2 =	sgt.s32 s15, $0xC34F  }
0x21: {  	s15 =	smov.u32 @p2 s3;
	p2 =	sne.s32 s12, s7  }
.Ltmp1:
0x22: {  	_ = 	snop;
	(pc) =	sbr.rel @!p2 .LBB2_8-.Ltmp1, $4  }
0x23: {  	s14 =	simm.s32 @!p1 $0x2  }
0x24: {  	_ =	swait.ge @!p1 [sflag:s14], s13;
	s16 =	ssub.s32 @!p1 $0x0, s13  }
0x25: {  	s13 =	smov.u32 s11;
	s12 =	sadd.s32 $0x1, s12;
	[sflag:s14] =	ssyncset.done @!p1 $0x0  }
0x26: {  	s11 =	smov.u32 s10;
	s10 =	smov.u32 s15;
	[sflag:s14] =	ssyncadd.s32 @!p1 s16  }
.LBB2_1:
0x27: {  	p1 =	sgt.u32 s12, s6  }
0x28: {  	s15 =	smov.u32 s10;
	p2 =	sgt.s32 @!p1 s10, $0xC150  }
0x29: {  	s14 =	sand.u32 @!p1 $0x1FFFFFF, s10;
	s16 =	sshra.s32 @!p1 s10, $0x1F;
	p2 =	por !p2, p1  }
0x2a: {  	s17 =	smulhi.u32 @!p1 $0x14F8B59, s14;
	s16 =	sand.u32 @!p1 s16, s10;
	s15 =	simm.s32 @p2 $0xC150  }
0x2b: {  	s15 =	ssub.s32 @!p1 s15, s16  }
0x2c: {  	s16 =	sshrl.u32 @!p1 s17, $0x8;
	s15 =	sadd.s32 @!p1 $0xFFFF3EB0, s15  }
0x2d: {  	s17 =	sxor.u32 @!p1 $0xFFFFFFFF, s12;
	s16 =	smul.u32 @!p1 $0xC350, s16;
	s18 =	sshll.u32 @!p1 s15, $0x7  }
0x2e: {  	s17 =	sshll.u32 @!p1 s17, $0xE;
	p2 =	sgt.s32 @!p1 s15, $0x1FF;
	s15 =	ssub.s32 @!p1 $0x10000, s18  }
0x2f: {  	s14 =	ssub.s32 @!p1 s14, s16;
	p2 =	por !p2, p1;
	s16 =	sand.u32 @!p1 $0x4000, s17  }
0x30: {  	s17 =	simm.s32 @!p1 $0x20;
	s15 =	sshrl.u32 @!p1 s15, $0x2;
	s14 =	sshll.u32 @!p1 s14, $0x4  }
0x31: {  	s18 =	simm.s32 @!p1 $0x80;
	s15 =	simm.s32 @!p2 $0x0;
	s14 =	sadd.s32 @!p1 s2, s14  }
0x32: {  	[tilespmem:s16], [sflag:$0x1] =	stream.strided.gather @!p1 [hbm4b:s14+s17], s15, s18, s17, $0x38;
	[tilespmem:$0x10000] =	vst v63  }
0x33: {  	p1 =	seq.s32 s12, $0x0  }
0x34: {  	p2 =	sge.u32 @!p1 s12, s7  }
0x35: {  	p1 =	por p1, p2  }
.Ltmp2:
0x36: {  	_ = 	snop;
	(pc) =	sbr.rel @p1 .LBB2_7-.Ltmp2, $1  }
0x37: {  	_ =	sdelay $0x3  }
0x38: {  	p1 =	sgt.s32 s11, $0xC150;
	s14 =	smov.u32 s11;
	s15 =	sshra.s32 s11, $0x1F  }
0x39: {  	s14 =	simm.s32 @!p1 $0xC150;
	s15 =	sand.u32 s15, s11  }
0x3a: {  	s14 =	ssub.s32 s14, s15  }
0x3b: {  	s14 =	sadd.s32 $0xFFFF3EB0, s14  }
0x3c: {  	s31 =	sshll.u32 s14, $0x7  }
0x3d: {  	s15 =	ssub.s32 $0x10000, s31  }
0x3e: {  	p1 =	sgt.s32 s14, $0x1FF;
	s14 =	sshrl.u32 s15, $0x2;
	s15 =	sadd.s32 $0x200, s11  }
0x3f: {  	s14 =	simm.s32 @p1 $0x0;
	p1 =	slt.s32 s15, $0xC350  }
0x40: {  	s15 =	simm.s32 @!p1 $0xC350  }
0x41: {  	s17 =	ssub.s32 s15, s11  }
0x42: {  	p1 =	slt.s32 s17, $0x1  }
.Ltmp3:
0x43: {  	_ = 	snop;
	(pc) =	sbr.rel @p1 .LBB2_6-.Ltmp3, $4  }
0x44: {  	_ = 	snop  }
0x45: {  	s16 =	sshll.u32 s12, $0xE;
	_ =	swait.ge [sflag:s4], s14  }
0x46: {  	s16 =	sand.u32 $0x4000, s16;
	s18 =	ssub.s32 $0x0, s14;
	[sflag:s4] =	ssyncset.done $0x0  }
0x47: {  	s15 =	sor.u32 $0x8000, s16;
	[sflag:s4] =	ssyncadd.s32 s18  }
0x48: {  	v0 =	vmov s16;
	_ =	sdelay $0x2  }
0x49: {  	s31 =	simm.s32 $0x0;
	p1 =	sne.s32 s17, $0x1  }
.Ltmp4:
0x4a: {  	s16 =	sand.u32 $0x3FE0, s31;
	(pc) =	sbr.rel @!p1 .LBB2_5-.Ltmp4, $2  }
0x4b: {  	v1 =	vmov s15;
	v2 =	vld.idx.msk [tilespmem:v0+s16+$0x0 ss:$0x1], $0xffff;
	_ =	sdelay $0x2  }
0x4c: {  	s17 =	sadd.s32 $0xFFFFFFFF, s17;
	s18 =	simm.s32 $0x20  }
.LBB2_4:
0x4d: {  	s19 =	sand.u32 $0x3FE0, s18;
	p1 =	sne.s32 s17, $0x1;
	s17 =	sadd.s32 $0xFFFFFFFF, s17  }
.Ltmp5:
0x4e: {  	[tilespmem:v1+s16+$0x0 ss:$0x1] =	vst.idx.msk $0xffff, v2;
	v2 =	vld.idx.msk [tilespmem:v0+s19+$0x0 ss:$0x1], $0xffff;
	s16 =	smov.u32 s19;
	(pc) =	sbr.rel @p1 .LBB2_4-.Ltmp5, $2  }
0x4f: {  	_ =	sdelay $0x2  }
0x50: {  	s18 =	sadd.s32 $0x20, s18  }
.Ltmp6:
0x51: {  	_ = 	snop;
	(pc) =	sbr.rel .LBB2_5-.Ltmp6, $1  }
0x52: {  	_ =	sdelay $0x3  }
.LBB2_8:
0x53: {  	_ =	sfence.sel $0x180000  }
0x54: {  	s2 =	simm.s32 $0x1;
	[bflag:$0x0] =	sbarrier.arrive $0xFFFF  }
0x55: {  	s31 =	simm.s32 $0x2;
	[sflag:s2] =	ssyncpa.u1 $0x1  }
0x56: {  	[sflag:s31] =	ssyncpa.u1 $0x1  }
0x57: {  	_ =	strace $0x90000053  }
0x58: {  	s0 =	sadd.s32 @!p0 $0x100000, s0;
	[bflag:$0x2] =	sbarrier.arrive $0xFFFF  }
0x59: {  	[sflag:s0] =	ssyncadd.tile.s32 @!p0 $0x1;
	s0 =	simm.s32 @!p0 $0x3F  }
0x5a: {  	_ =	swait.ge @!p0 [sflag:s0], s1  }
0x5b: {  	s1 =	ssub.s32 @!p0 $0x0, s1;
	[sflag:s0] =	ssyncset.done @!p0 $0x0  }
0x5c: {  	[sflag:s0] =	ssyncadd.s32 @!p0 s1  }
0x5d: {  	[bflag:$0x3] =	sbarrier.arrive $0xFFFF  }
0x5e: {  	_ =	shalt  }
.Lfunc_end2:
execute1_lowered:
.L_overlay_start_2:
0x5f: {  	(tag) =	ssettag $0x2  }
0x60: {  	s8 =	rddreg [dreg:$0x0];
	_ =	strace $0x80000056;
	s11 =	simm.s32 $0x1  }
0x61: {  	v0 =	vimm.s32 $0x0;
	[sflag:s11] =	ssyncpa.u1 $0x0  }
0x62: {  	[tilespmem:$0x28] =	vst v0  }
0x63: {  	[tilespmem:$0x38] =	vst v0  }
0x64: {  	[tilespmem:$0x48] =	vst v0  }
0x65: {  	[tilespmem:$0x58] =	vst v0  }
0x66: {  	[tilespmem:$0x68] =	vst v0  }
0x67: {  	[tilespmem:$0x78] =	vst v0  }
0x68: {  	[tilespmem:$0x88] =	vst v0  }
0x69: {  	[tilespmem:$0x98] =	vst v0  }
0x6a: {  	[tilespmem:$0xA8] =	vst v0  }
0x6b: {  	[tilespmem:$0xB8] =	vst v0  }
0x6c: {  	[tilespmem:$0xC8] =	vst v0  }
0x6d: {  	[tilespmem:$0xD8] =	vst v0  }
0x6e: {  	[tilespmem:$0xE8] =	vst v0  }
0x6f: {  	[tilespmem:$0xF8] =	vst v0  }
0x70: {  	[tilespmem:$0x108] =	vst v0  }
0x71: {  	[tilespmem:$0x118] =	vst v0  }
0x72: {  	[tilespmem:$0x128] =	vst v0  }
0x73: {  	[tilespmem:$0x138] =	vst v0  }
0x74: {  	[tilespmem:$0x148] =	vst v0  }
0x75: {  	[tilespmem:$0x158] =	vst v0  }
0x76: {  	[tilespmem:$0x168] =	vst v0  }
0x77: {  	[tilespmem:$0x178] =	vst v0  }
0x78: {  	[tilespmem:$0x188] =	vst v0  }
0x79: {  	[tilespmem:$0x198] =	vst v0  }
0x7a: {  	[tilespmem:$0x1A8] =	vst v0  }
0x7b: {  	[tilespmem:$0x1B8] =	vst v0  }
0x7c: {  	[tilespmem:$0x1C8] =	vst v0  }
0x7d: {  	[tilespmem:$0x1D8] =	vst v0  }
0x7e: {  	[tilespmem:$0x1E8] =	vst v0  }
0x7f: {  	[tilespmem:$0x1F8] =	vst v0  }
0x80: {  	[tilespmem:$0x208] =	vst v0  }
0x81: {  	[tilespmem:$0x218] =	vst v0  }
0x82: {  	[tilespmem:$0x228] =	vst v0  }
0x83: {  	[tilespmem:$0x238] =	vst v0  }
0x84: {  	[tilespmem:$0x248] =	vst v0  }
0x85: {  	[tilespmem:$0x258] =	vst v0  }
0x86: {  	[tilespmem:$0x268] =	vst v0  }
0x87: {  	[tilespmem:$0x278] =	vst v0  }
0x88: {  	[tilespmem:$0x288] =	vst v0  }
0x89: {  	[tilespmem:$0x298] =	vst v0  }
0x8a: {  	[tilespmem:$0x2A8] =	vst v0  }
0x8b: {  	[tilespmem:$0x2B8] =	vst v0  }
0x8c: {  	[tilespmem:$0x2C8] =	vst v0  }
0x8d: {  	[tilespmem:$0x2D8] =	vst v0  }
0x8e: {  	[tilespmem:$0x2E8] =	vst v0  }
0x8f: {  	[tilespmem:$0x2F8] =	vst v0  }
0x90: {  	[tilespmem:$0x308] =	vst v0  }
0x91: {  	[tilespmem:$0x318] =	vst v0  }
0x92: {  	[tilespmem:$0x328] =	vst v0  }
0x93: {  	[tilespmem:$0x338] =	vst v0  }
0x94: {  	[tilespmem:$0x348] =	vst v0  }
0x95: {  	[tilespmem:$0x358] =	vst v0  }
0x96: {  	[tilespmem:$0x368] =	vst v0  }
0x97: {  	[tilespmem:$0x378] =	vst v0  }
0x98: {  	[tilespmem:$0x388] =	vst v0  }
0x99: {  	[tilespmem:$0x398] =	vst v0  }
0x9a: {  	[tilespmem:$0x3A8] =	vst v0  }
0x9b: {  	[tilespmem:$0x3B8] =	vst v0  }
0x9c: {  	[tilespmem:$0x3C8] =	vst v0  }
0x9d: {  	[tilespmem:$0x3D8] =	vst v0  }
0x9e: {  	[tilespmem:$0x3E8] =	vst v0  }
0x9f: {  	[tilespmem:$0x3F8] =	vst v0  }
0xa0: {  	[tilespmem:$0x408] =	vst v0  }
0xa1: {  	[tilespmem:$0x418] =	vst v0  }
0xa2: {  	[tilespmem:$0x428] =	vst v0  }
0xa3: {  	[tilespmem:$0x438] =	vst v0  }
0xa4: {  	[tilespmem:$0x448] =	vst v0  }
0xa5: {  	[tilespmem:$0x458] =	vst v0  }
0xa6: {  	[tilespmem:$0x468] =	vst v0  }
0xa7: {  	[tilespmem:$0x478] =	vst v0  }
0xa8: {  	[tilespmem:$0x488] =	vst v0  }
0xa9: {  	[tilespmem:$0x498] =	vst v0  }
0xaa: {  	[tilespmem:$0x4A8] =	vst v0  }
0xab: {  	[tilespmem:$0x4B8] =	vst v0  }
0xac: {  	[tilespmem:$0x4C8] =	vst v0  }
0xad: {  	[tilespmem:$0x4D8] =	vst v0  }
0xae: {  	[tilespmem:$0x4E8] =	vst v0  }
0xaf: {  	[tilespmem:$0x4F8] =	vst v0  }
0xb0: {  	[tilespmem:$0x508] =	vst v0  }
0xb1: {  	[tilespmem:$0x518] =	vst v0  }
0xb2: {  	[tilespmem:$0x528] =	vst v0  }
0xb3: {  	[tilespmem:$0x538] =	vst v0  }
0xb4: {  	[tilespmem:$0x548] =	vst v0  }
0xb5: {  	[tilespmem:$0x558] =	vst v0  }
0xb6: {  	[tilespmem:$0x568] =	vst v0  }
0xb7: {  	[tilespmem:$0x578] =	vst v0  }
0xb8: {  	[tilespmem:$0x588] =	vst v0  }
0xb9: {  	[tilespmem:$0x598] =	vst v0  }
0xba: {  	[tilespmem:$0x5A8] =	vst v0  }
0xbb: {  	[tilespmem:$0x5B8] =	vst v0  }
0xbc: {  	[tilespmem:$0x5C8] =	vst v0  }
0xbd: {  	[tilespmem:$0x5D8] =	vst v0  }
0xbe: {  	[tilespmem:$0x5E8] =	vst v0  }
0xbf: {  	[tilespmem:$0x5F8] =	vst v0  }
0xc0: {  	[tilespmem:$0x608] =	vst v0  }
0xc1: {  	[tilespmem:$0x618] =	vst v0  }
0xc2: {  	[tilespmem:$0x628] =	vst v0  }
0xc3: {  	[tilespmem:$0x638] =	vst v0  }
0xc4: {  	[tilespmem:$0x648] =	vst v0  }
0xc5: {  	[tilespmem:$0x658] =	vst v0  }
0xc6: {  	[tilespmem:$0x668] =	vst v0  }
0xc7: {  	[tilespmem:$0x678] =	vst v0  }
0xc8: {  	[tilespmem:$0x688] =	vst v0  }
0xc9: {  	[tilespmem:$0x698] =	vst v0  }
0xca: {  	[tilespmem:$0x6A8] =	vst v0  }
0xcb: {  	[tilespmem:$0x6B8] =	vst v0  }
0xcc: {  	[tilespmem:$0x6C8] =	vst v0  }
0xcd: {  	[tilespmem:$0x6D8] =	vst v0  }
0xce: {  	[tilespmem:$0x6E8] =	vst v0  }
0xcf: {  	[tilespmem:$0x6F8] =	vst v0  }
0xd0: {  	[tilespmem:$0x708] =	vst v0  }
0xd1: {  	[tilespmem:$0x718] =	vst v0  }
0xd2: {  	[tilespmem:$0x728] =	vst v0  }
0xd3: {  	[tilespmem:$0x738] =	vst v0  }
0xd4: {  	[tilespmem:$0x748] =	vst v0  }
0xd5: {  	[tilespmem:$0x758] =	vst v0  }
0xd6: {  	[tilespmem:$0x768] =	vst v0  }
0xd7: {  	[tilespmem:$0x778] =	vst v0  }
0xd8: {  	[tilespmem:$0x788] =	vst v0  }
0xd9: {  	[tilespmem:$0x798] =	vst v0  }
0xda: {  	[tilespmem:$0x7A8] =	vst v0  }
0xdb: {  	[tilespmem:$0x7B8] =	vst v0  }
0xdc: {  	[tilespmem:$0x7C8] =	vst v0  }
0xdd: {  	[tilespmem:$0x7D8] =	vst v0  }
0xde: {  	[tilespmem:$0x7E8] =	vst v0  }
0xdf: {  	[tilespmem:$0x7F8] =	vst v0  }
0xe0: {  	[tilespmem:$0x808] =	vst v0  }
0xe1: {  	[tilespmem:$0x818] =	vst v0  }
0xe2: {  	[tilespmem:$0x828] =	vst v0  }
0xe3: {  	[tilespmem:$0x838] =	vst v0  }
0xe4: {  	[tilespmem:$0x848] =	vst v0  }
0xe5: {  	[tilespmem:$0x858] =	vst v0  }
0xe6: {  	[tilespmem:$0x868] =	vst v0  }
0xe7: {  	[tilespmem:$0x878] =	vst v0  }
0xe8: {  	[tilespmem:$0x888] =	vst v0  }
0xe9: {  	[tilespmem:$0x898] =	vst v0  }
0xea: {  	[tilespmem:$0x8A8] =	vst v0  }
0xeb: {  	[tilespmem:$0x8B8] =	vst v0  }
0xec: {  	[tilespmem:$0x8C8] =	vst v0  }
0xed: {  	[tilespmem:$0x8D8] =	vst v0  }
0xee: {  	[tilespmem:$0x8E8] =	vst v0  }
0xef: {  	[tilespmem:$0x8F8] =	vst v0  }
0xf0: {  	[tilespmem:$0x908] =	vst v0  }
0xf1: {  	[tilespmem:$0x918] =	vst v0  }
0xf2: {  	[tilespmem:$0x928] =	vst v0  }
0xf3: {  	[tilespmem:$0x938] =	vst v0  }
0xf4: {  	[tilespmem:$0x948] =	vst v0  }
0xf5: {  	[tilespmem:$0x958] =	vst v0  }
0xf6: {  	[tilespmem:$0x968] =	vst v0  }
0xf7: {  	[tilespmem:$0x978] =	vst v0  }
0xf8: {  	[tilespmem:$0x988] =	vst v0  }
0xf9: {  	[tilespmem:$0x998] =	vst v0  }
0xfa: {  	[tilespmem:$0x9A8] =	vst v0  }
0xfb: {  	[tilespmem:$0x9B8] =	vst v0  }
0xfc: {  	[tilespmem:$0x9C8] =	vst v0  }
0xfd: {  	[tilespmem:$0x9D8] =	vst v0  }
0xfe: {  	[tilespmem:$0x9E8] =	vst v0  }
0xff: {  	[tilespmem:$0x9F8] =	vst v0  }
0x100: {  	[tilespmem:$0xA08] =	vst v0  }
0x101: {  	[tilespmem:$0xA18] =	vst v0  }
0x102: {  	[tilespmem:$0xA28] =	vst v0  }
0x103: {  	[tilespmem:$0xA38] =	vst v0  }
0x104: {  	[tilespmem:$0xA48] =	vst v0  }
0x105: {  	[tilespmem:$0xA58] =	vst v0  }
0x106: {  	[tilespmem:$0xA68] =	vst v0  }
0x107: {  	[tilespmem:$0xA78] =	vst v0  }
0x108: {  	[tilespmem:$0xA88] =	vst v0  }
0x109: {  	[tilespmem:$0xA98] =	vst v0  }
0x10a: {  	[tilespmem:$0xAA8] =	vst v0  }
0x10b: {  	[tilespmem:$0xAB8] =	vst v0  }
0x10c: {  	[tilespmem:$0xAC8] =	vst v0  }
0x10d: {  	[tilespmem:$0xAD8] =	vst v0  }
0x10e: {  	[tilespmem:$0xAE8] =	vst v0  }
0x10f: {  	[tilespmem:$0xAF8] =	vst v0  }
0x110: {  	[tilespmem:$0xB08] =	vst v0  }
0x111: {  	[tilespmem:$0xB18] =	vst v0  }
0x112: {  	[tilespmem:$0xB28] =	vst v0  }
0x113: {  	[tilespmem:$0xB38] =	vst v0  }
0x114: {  	[tilespmem:$0xB48] =	vst v0  }
0x115: {  	[tilespmem:$0xB58] =	vst v0  }
0x116: {  	[tilespmem:$0xB68] =	vst v0  }
0x117: {  	[tilespmem:$0xB78] =	vst v0  }
0x118: {  	[tilespmem:$0xB88] =	vst v0  }
0x119: {  	[tilespmem:$0xB98] =	vst v0  }
0x11a: {  	[tilespmem:$0xBA8] =	vst v0  }
0x11b: {  	[tilespmem:$0xBB8] =	vst v0  }
0x11c: {  	[tilespmem:$0xBC8] =	vst v0  }
0x11d: {  	[tilespmem:$0xBD8] =	vst v0  }
0x11e: {  	[tilespmem:$0xBE8] =	vst v0  }
0x11f: {  	[tilespmem:$0xBF8] =	vst v0  }
0x120: {  	[tilespmem:$0xC08] =	vst v0  }
0x121: {  	[tilespmem:$0xC18] =	vst v0  }
0x122: {  	[tilespmem:$0xC28] =	vst v0  }
0x123: {  	[tilespmem:$0xC38] =	vst v0  }
0x124: {  	[tilespmem:$0xC48] =	vst v0  }
0x125: {  	[tilespmem:$0xC58] =	vst v0  }
0x126: {  	[tilespmem:$0xC68] =	vst v0  }
0x127: {  	[tilespmem:$0xC78] =	vst v0  }
0x128: {  	[tilespmem:$0xC88] =	vst v0  }
0x129: {  	[tilespmem:$0xC98] =	vst v0  }
0x12a: {  	[tilespmem:$0xCA8] =	vst v0  }
0x12b: {  	[tilespmem:$0xCB8] =	vst v0  }
0x12c: {  	[tilespmem:$0xCC8] =	vst v0  }
0x12d: {  	[tilespmem:$0xCD8] =	vst v0  }
0x12e: {  	[tilespmem:$0xCE8] =	vst v0  }
0x12f: {  	[tilespmem:$0xCF8] =	vst v0  }
0x130: {  	[tilespmem:$0xD08] =	vst v0  }
0x131: {  	[tilespmem:$0xD18] =	vst v0  }
0x132: {  	[tilespmem:$0xD28] =	vst v0  }
0x133: {  	[tilespmem:$0xD38] =	vst v0  }
0x134: {  	[tilespmem:$0xD48] =	vst v0  }
0x135: {  	[tilespmem:$0xD58] =	vst v0  }
0x136: {  	[tilespmem:$0xD68] =	vst v0  }
0x137: {  	[tilespmem:$0xD78] =	vst v0  }
0x138: {  	[tilespmem:$0xD88] =	vst v0  }
0x139: {  	[tilespmem:$0xD98] =	vst v0  }
0x13a: {  	[tilespmem:$0xDA8] =	vst v0  }
0x13b: {  	[tilespmem:$0xDB8] =	vst v0  }
0x13c: {  	[tilespmem:$0xDC8] =	vst v0  }
0x13d: {  	[tilespmem:$0xDD8] =	vst v0  }
0x13e: {  	[tilespmem:$0xDE8] =	vst v0  }
0x13f: {  	[tilespmem:$0xDF8] =	vst v0  }
0x140: {  	[tilespmem:$0xE08] =	vst v0  }
0x141: {  	[tilespmem:$0xE18] =	vst v0  }
0x142: {  	[tilespmem:$0xE28] =	vst v0  }
0x143: {  	[tilespmem:$0xE38] =	vst v0  }
0x144: {  	[tilespmem:$0xE48] =	vst v0  }
0x145: {  	[tilespmem:$0xE58] =	vst v0  }
0x146: {  	[tilespmem:$0xE68] =	vst v0  }
0x147: {  	[tilespmem:$0xE78] =	vst v0  }
0x148: {  	[tilespmem:$0xE88] =	vst v0  }
0x149: {  	[tilespmem:$0xE98] =	vst v0  }
0x14a: {  	[tilespmem:$0xEA8] =	vst v0  }
0x14b: {  	[tilespmem:$0xEB8] =	vst v0  }
0x14c: {  	[tilespmem:$0xEC8] =	vst v0  }
0x14d: {  	[tilespmem:$0xED8] =	vst v0  }
0x14e: {  	[tilespmem:$0xEE8] =	vst v0  }
0x14f: {  	[tilespmem:$0xEF8] =	vst v0  }
0x150: {  	[tilespmem:$0xF08] =	vst v0  }
0x151: {  	[tilespmem:$0xF18] =	vst v0  }
0x152: {  	[tilespmem:$0xF28] =	vst v0  }
0x153: {  	[tilespmem:$0xF38] =	vst v0  }
0x154: {  	[tilespmem:$0xF48] =	vst v0  }
0x155: {  	[tilespmem:$0xF58] =	vst v0  }
0x156: {  	[tilespmem:$0xF68] =	vst v0  }
0x157: {  	[tilespmem:$0xF78] =	vst v0  }
0x158: {  	[tilespmem:$0xF88] =	vst v0  }
0x159: {  	[tilespmem:$0xF98] =	vst v0  }
0x15a: {  	[tilespmem:$0xFA8] =	vst v0  }
0x15b: {  	[tilespmem:$0xFB8] =	vst v0  }
0x15c: {  	[tilespmem:$0xFC8] =	vst v0  }
0x15d: {  	[tilespmem:$0xFD8] =	vst v0  }
0x15e: {  	[tilespmem:$0xFE8] =	vst v0  }
0x15f: {  	[tilespmem:$0xFF8] =	vst v0  }
0x160: {  	[tilespmem:$0x1018] =	vst v0  }
0x161: {  	[tilespmem:$0x1098] =	vst v0  }
0x162: {  	[tilespmem:$0x1B28] =	vst v0  }
0x163: {  	[tilespmem:$0x1B18] =	vst v0  }
0x164: {  	[tilespmem:$0x1B08] =	vst v0  }
0x165: {  	[tilespmem:$0x1AF8] =	vst v0  }
0x166: {  	[tilespmem:$0x1AE8] =	vst v0  }
0x167: {  	[tilespmem:$0x1AD8] =	vst v0  }
0x168: {  	[tilespmem:$0x1AC8] =	vst v0  }
0x169: {  	[tilespmem:$0x1AB8] =	vst v0  }
0x16a: {  	[tilespmem:$0x1AA8] =	vst v0  }
0x16b: {  	[tilespmem:$0x1A98] =	vst v0  }
0x16c: {  	[tilespmem:$0x1A88] =	vst v0  }
0x16d: {  	[tilespmem:$0x1A78] =	vst v0  }
0x16e: {  	[tilespmem:$0x1A68] =	vst v0  }
0x16f: {  	[tilespmem:$0x1A58] =	vst v0  }
0x170: {  	[tilespmem:$0x1A48] =	vst v0  }
0x171: {  	[tilespmem:$0x1A38] =	vst v0  }
0x172: {  	[tilespmem:$0x1A28] =	vst v0  }
0x173: {  	[tilespmem:$0x1A18] =	vst v0  }
0x174: {  	[tilespmem:$0x1A08] =	vst v0  }
0x175: {  	[tilespmem:$0x19F8] =	vst v0  }
0x176: {  	[tilespmem:$0x19E8] =	vst v0  }
0x177: {  	[tilespmem:$0x19D8] =	vst v0  }
0x178: {  	[tilespmem:$0x19C8] =	vst v0  }
0x179: {  	[tilespmem:$0x19B8] =	vst v0  }
0x17a: {  	[tilespmem:$0x19A8] =	vst v0  }
0x17b: {  	[tilespmem:$0x1998] =	vst v0  }
0x17c: {  	[tilespmem:$0x1988] =	vst v0  }
0x17d: {  	[tilespmem:$0x1978] =	vst v0  }
0x17e: {  	[tilespmem:$0x1968] =	vst v0  }
0x17f: {  	[tilespmem:$0x1958] =	vst v0  }
0x180: {  	[tilespmem:$0x1948] =	vst v0  }
0x181: {  	[tilespmem:$0x1938] =	vst v0  }
0x182: {  	[tilespmem:$0x1928] =	vst v0  }
0x183: {  	[tilespmem:$0x1918] =	vst v0  }
0x184: {  	[tilespmem:$0x1908] =	vst v0  }
0x185: {  	[tilespmem:$0x18F8] =	vst v0  }
0x186: {  	[tilespmem:$0x18E8] =	vst v0  }
0x187: {  	[tilespmem:$0x18D8] =	vst v0  }
0x188: {  	[tilespmem:$0x18C8] =	vst v0  }
0x189: {  	[tilespmem:$0x18B8] =	vst v0  }
0x18a: {  	[tilespmem:$0x18A8] =	vst v0  }
0x18b: {  	[tilespmem:$0x1898] =	vst v0  }
0x18c: {  	[tilespmem:$0x1888] =	vst v0  }
0x18d: {  	[tilespmem:$0x1878] =	vst v0  }
0x18e: {  	[tilespmem:$0x1868] =	vst v0  }
0x18f: {  	[tilespmem:$0x1858] =	vst v0  }
0x190: {  	[tilespmem:$0x1848] =	vst v0  }
0x191: {  	[tilespmem:$0x1838] =	vst v0  }
0x192: {  	[tilespmem:$0x1828] =	vst v0  }
0x193: {  	[tilespmem:$0x1818] =	vst v0  }
0x194: {  	[tilespmem:$0x1808] =	vst v0  }
0x195: {  	[tilespmem:$0x17F8] =	vst v0  }
0x196: {  	[tilespmem:$0x17E8] =	vst v0  }
0x197: {  	[tilespmem:$0x17D8] =	vst v0  }
0x198: {  	[tilespmem:$0x17C8] =	vst v0  }
0x199: {  	[tilespmem:$0x17B8] =	vst v0  }
0x19a: {  	[tilespmem:$0x17A8] =	vst v0  }
0x19b: {  	[tilespmem:$0x1798] =	vst v0  }
0x19c: {  	[tilespmem:$0x1788] =	vst v0  }
0x19d: {  	[tilespmem:$0x1778] =	vst v0  }
0x19e: {  	[tilespmem:$0x1768] =	vst v0  }
0x19f: {  	[tilespmem:$0x1758] =	vst v0  }
0x1a0: {  	[tilespmem:$0x1748] =	vst v0  }
0x1a1: {  	[tilespmem:$0x1738] =	vst v0  }
0x1a2: {  	[tilespmem:$0x1728] =	vst v0  }
0x1a3: {  	[tilespmem:$0x1718] =	vst v0  }
0x1a4: {  	[tilespmem:$0x1708] =	vst v0  }
0x1a5: {  	[tilespmem:$0x16F8] =	vst v0  }
0x1a6: {  	[tilespmem:$0x16E8] =	vst v0  }
0x1a7: {  	[tilespmem:$0x16D8] =	vst v0  }
0x1a8: {  	[tilespmem:$0x16C8] =	vst v0  }
0x1a9: {  	[tilespmem:$0x16B8] =	vst v0  }
0x1aa: {  	[tilespmem:$0x16A8] =	vst v0  }
0x1ab: {  	[tilespmem:$0x1698] =	vst v0  }
0x1ac: {  	[tilespmem:$0x1688] =	vst v0  }
0x1ad: {  	[tilespmem:$0x1678] =	vst v0  }
0x1ae: {  	[tilespmem:$0x1668] =	vst v0  }
0x1af: {  	[tilespmem:$0x1658] =	vst v0  }
0x1b0: {  	[tilespmem:$0x1648] =	vst v0  }
0x1b1: {  	[tilespmem:$0x1638] =	vst v0  }
0x1b2: {  	[tilespmem:$0x1628] =	vst v0  }
0x1b3: {  	[tilespmem:$0x1618] =	vst v0  }
0x1b4: {  	[tilespmem:$0x1608] =	vst v0  }
0x1b5: {  	[tilespmem:$0x15F8] =	vst v0  }
0x1b6: {  	[tilespmem:$0x15E8] =	vst v0  }
0x1b7: {  	[tilespmem:$0x15D8] =	vst v0  }
0x1b8: {  	[tilespmem:$0x15C8] =	vst v0  }
0x1b9: {  	[tilespmem:$0x15B8] =	vst v0  }
0x1ba: {  	[tilespmem:$0x15A8] =	vst v0  }
0x1bb: {  	[tilespmem:$0x1598] =	vst v0  }
0x1bc: {  	[tilespmem:$0x1588] =	vst v0  }
0x1bd: {  	[tilespmem:$0x1578] =	vst v0  }
0x1be: {  	[tilespmem:$0x1568] =	vst v0  }
0x1bf: {  	[tilespmem:$0x1558] =	vst v0  }
0x1c0: {  	[tilespmem:$0x1548] =	vst v0  }
0x1c1: {  	[tilespmem:$0x1538] =	vst v0  }
0x1c2: {  	[tilespmem:$0x1528] =	vst v0  }
0x1c3: {  	[tilespmem:$0x1518] =	vst v0  }
0x1c4: {  	[tilespmem:$0x1508] =	vst v0  }
0x1c5: {  	[tilespmem:$0x14F8] =	vst v0  }
0x1c6: {  	[tilespmem:$0x14E8] =	vst v0  }
0x1c7: {  	[tilespmem:$0x14D8] =	vst v0  }
0x1c8: {  	[tilespmem:$0x14C8] =	vst v0  }
0x1c9: {  	[tilespmem:$0x14B8] =	vst v0  }
0x1ca: {  	[tilespmem:$0x14A8] =	vst v0  }
0x1cb: {  	[tilespmem:$0x1498] =	vst v0  }
0x1cc: {  	[tilespmem:$0x1488] =	vst v0  }
0x1cd: {  	[tilespmem:$0x1478] =	vst v0  }
0x1ce: {  	[tilespmem:$0x1468] =	vst v0  }
0x1cf: {  	[tilespmem:$0x1458] =	vst v0  }
0x1d0: {  	[tilespmem:$0x1448] =	vst v0  }
0x1d1: {  	[tilespmem:$0x1438] =	vst v0  }
0x1d2: {  	[tilespmem:$0x1428] =	vst v0  }
0x1d3: {  	[tilespmem:$0x1418] =	vst v0  }
0x1d4: {  	[tilespmem:$0x1408] =	vst v0  }
0x1d5: {  	[tilespmem:$0x13F8] =	vst v0  }
0x1d6: {  	[tilespmem:$0x13E8] =	vst v0  }
0x1d7: {  	[tilespmem:$0x13D8] =	vst v0  }
0x1d8: {  	[tilespmem:$0x13C8] =	vst v0  }
0x1d9: {  	[tilespmem:$0x13B8] =	vst v0  }
0x1da: {  	[tilespmem:$0x13A8] =	vst v0  }
0x1db: {  	[tilespmem:$0x1398] =	vst v0  }
0x1dc: {  	[tilespmem:$0x1388] =	vst v0  }
0x1dd: {  	[tilespmem:$0x1378] =	vst v0  }
0x1de: {  	[tilespmem:$0x1368] =	vst v0  }
0x1df: {  	[tilespmem:$0x1358] =	vst v0  }
0x1e0: {  	[tilespmem:$0x1348] =	vst v0  }
0x1e1: {  	[tilespmem:$0x1338] =	vst v0  }
0x1e2: {  	[tilespmem:$0x1328] =	vst v0  }
0x1e3: {  	[tilespmem:$0x1318] =	vst v0  }
0x1e4: {  	[tilespmem:$0x1308] =	vst v0  }
0x1e5: {  	[tilespmem:$0x12F8] =	vst v0  }
0x1e6: {  	[tilespmem:$0x12E8] =	vst v0  }
0x1e7: {  	[tilespmem:$0x12D8] =	vst v0  }
0x1e8: {  	[tilespmem:$0x12C8] =	vst v0  }
0x1e9: {  	[tilespmem:$0x12B8] =	vst v0  }
0x1ea: {  	[tilespmem:$0x12A8] =	vst v0  }
0x1eb: {  	[tilespmem:$0x1298] =	vst v0  }
0x1ec: {  	[tilespmem:$0x1288] =	vst v0  }
0x1ed: {  	[tilespmem:$0x1278] =	vst v0  }
0x1ee: {  	[tilespmem:$0x1268] =	vst v0  }
0x1ef: {  	[tilespmem:$0x1258] =	vst v0  }
0x1f0: {  	[tilespmem:$0x1248] =	vst v0  }
0x1f1: {  	[tilespmem:$0x1238] =	vst v0  }
0x1f2: {  	[tilespmem:$0x1228] =	vst v0  }
0x1f3: {  	[tilespmem:$0x1218] =	vst v0  }
0x1f4: {  	[tilespmem:$0x1208] =	vst v0  }
0x1f5: {  	[tilespmem:$0x11F8] =	vst v0  }
0x1f6: {  	[tilespmem:$0x11E8] =	vst v0  }
0x1f7: {  	[tilespmem:$0x11D8] =	vst v0  }
0x1f8: {  	[tilespmem:$0x11C8] =	vst v0  }
0x1f9: {  	[tilespmem:$0x11B8] =	vst v0  }
0x1fa: {  	[tilespmem:$0x11A8] =	vst v0  }
0x1fb: {  	[tilespmem:$0x1198] =	vst v0  }
0x1fc: {  	[tilespmem:$0x1188] =	vst v0  }
0x1fd: {  	[tilespmem:$0x1178] =	vst v0  }
0x1fe: {  	[tilespmem:$0x1168] =	vst v0  }
0x1ff: {  	[tilespmem:$0x1158] =	vst v0  }
0x200: {  	[tilespmem:$0x1148] =	vst v0  }
0x201: {  	[tilespmem:$0x1138] =	vst v0  }
0x202: {  	[tilespmem:$0x1128] =	vst v0  }
0x203: {  	[tilespmem:$0x1118] =	vst v0  }
0x204: {  	[tilespmem:$0x1108] =	vst v0  }
0x205: {  	[tilespmem:$0x10F8] =	vst v0  }
0x206: {  	[tilespmem:$0x10E8] =	vst v0  }
0x207: {  	s2 =	stileid.u32;
	[tilespmem:$0x10D8] =	vst v0  }
0x208: {  	s3 =	smul.u32 $0xCF90, s2;
	[tilespmem:$0x10C8] =	vst v0  }
0x209: {  	[tilespmem:$0x10B8] =	vst v0  }
0x20a: {  	[tilespmem:$0x10A8] =	vst v0;
	s0 =	smin.u32 s3, $0xC28C0  }
0x20b: {  	[tilespmem:$0x1028] =	vst v0;
	s4 =	sadd.s32 $0xCF90, s0  }
0x20c: {  	s5 =	simm.s32 $0x2;
	s29 =	simm.s32 $0x7;
	[tilespmem:$0x1088] =	vst v0;
	s0 =	ssub.s32 s4, s3  }
0x20d: {  	s13 =	simm.s32 $0x8;
	s30 =	simm.s32 $0x9;
	[tilespmem:$0x1078] =	vst v0;
	p0 =	sgt.s32 s0, $0x0  }
0x20e: {  	p4 =	por $0x0, $0x0;
	s14 =	simm.s32 $0xA;
	[tilespmem:$0x1068] =	vst v0;
	s0 =	simm.s32 @!p0 $0x0  }
0x20f: {  	s18 =	simm.s32 $0x0;
	s15 =	simm.s32 $0x0;
	[tilespmem:$0x1058] =	vst v0;
	s12 =	smulhi.u32 $0x97B426, s0  }
0x210: {  	s17 =	simm.s32 $0x0;
	s1 =	sadd.s32 $0x3709600, s8;
	s6 =	sadd.s32 $0x57E00, s8;
	[tilespmem:$0x1048] =	vst v0  }
0x211: {  	s7 =	sadd.s32 $0xF59000, s8;
	s31 =	sshll.u32 s2, $0x5;
	[tilespmem:$0x1038] =	vst v0;
	s10 =	smul.u32 $0x1B0, s12  }
.Ltmp7:
0x212: {  	[tilespmem:$0x1008] =	vst v0;
	[sflag:s5] =	ssyncpa.u1 $0x0;
	v0 =	vimm.s32 $0xFFFFFFFF;
	s5 =	sadd.s32 $0x71E00, s8;
	(pc) =	sbr.rel .LBB3_1-.Ltmp7, $4  }
0x213: {  	[dreg:$0x2] =	wrdreg s31;
	[tilespmem:$0x3648] =	vst v0;
	[sflag:s29] =	ssyncpa.u1 $0x0;
	p0 =	sne.s32 s0, s10  }
0x214: {  	s16 =	smov.u32 s3;
	[dreg:$0x3] =	wrdreg s3;
	s11 =	simm.s32 @!p0 $0x0  }
0x215: {  	[sflag:s13] =	ssyncpa.u1 $0x0;
	s13 =	simm.s32 $0x0;
	s11 =	sadd.s32 s11, s12  }
0x216: {  	v0 =	vlaneseq.u32;
	[sflag:s30] =	ssyncpa.u1 $0x0;
	p0 =	por $0x1, $0x1;
	s8 =	sadd.s32 $0x1, s11  }
.LBB3_18:
0x217: {  	s0 =	simm.s32 $0x2  }
0x218: {  	_ =	swait.ge [sflag:s0], $0x0  }
0x219: {  	[sflag:s0] =	ssyncset.done $0x0;
	s0 =	simm.s32 $0x0  }
.LBB3_19:
0x21a: {  	_ =	swait.ge [sflag:s14], s0  }
0x21b: {  	s31 =	ssub.s32 $0x0, s0;
	v1 =	vmov s20;
	vm0 =	veq.s32 v0, $0x0;
	[sflag:s14] =	ssyncset.done $0x0  }
0x21c: {  	vm15 =	veq.s32 v0, $0x2;
	v1 =	vsel vm0, s24, v1;
	[sflag:s14] =	ssyncadd.s32 s31  }
0x21d: {  	v1 =	vsel vm15, s18, v1;
	[sflag:s14] =	ssyncpa.u1 $0x1  }
0x21e: {  	[tilespmem:$0x3648] =	vst v1  }
.LBB3_20:
0x21f: {  	s0 =	sadd.s32 $0x1B0, s16  }
0x220: {  	s2 =	smov.u32 s3;
	p1 =	slt.s32 s0, s4  }
0x221: {  	s2 =	smov.u32 @p1 s0;
	p1 =	sne.s32 s17, s8  }
.Ltmp8:
0x222: {  	_ = 	snop;
	(pc) =	sbr.rel @!p1 .LBB3_21-.Ltmp8, $4  }
0x223: {  	_ = 	snop  }
0x224: {  	s18 =	smov.u32 s15  }
0x225: {  	s31 =	sadd.s32 $0x1, s17;
	s15 =	smov.u32 s16;
	p0 =	por !p0, !p0  }
0x226: {  	p4 =	por !p4, !p4;
	s17 =	smov.u32 s31;
	s16 =	smov.u32 s2  }
.LBB3_1:
0x227: {  	p2 =	sge.u32 s17, s11  }
0x228: {  	s0 =	smulhi.u32 @!p2 $0xAAAAAAAB, s17  }
0x229: {  	s19 =	smov.u32 s16;
	p3 =	sgt.s32 @!p2 s16, $0xCF6A0  }
0x22a: {  	s20 =	sshra.s32 @!p2 s16, $0x1F;
	p3 =	por !p3, p2;
	s0 =	sshrl.u32 @!p2 s0, $0x1  }
0x22b: {  	s20 =	sand.u32 @!p2 s20, s16;
	s19 =	simm.s32 @p3 $0xCF6A0;
	s0 =	smul.u32 @!p2 $0x3, s0  }
0x22c: {  	s19 =	ssub.s32 @!p2 s19, s20  }
0x22d: {  	s19 =	sadd.s32 @!p2 $0xFFF30960, s19;
	s0 =	ssub.s32 @!p2 s17, s0  }
0x22e: {  	s20 =	sshll.u32 @!p2 s19, $0x2;
	p3 =	sgt.s32 @!p2 s19, $0x1AF;
	s0 =	smul.u32 @!p2 $0x6C0, s0  }
0x22f: {  	s21 =	sand.u32 @!p2 $0x7, s16;
	s19 =	ssub.s32 @!p2 $0x6C0, s20;
	p3 =	por !p3, p2  }
0x230: {  	s20 =	sshrl.u32 @!p2 s16, $0x3;
	s19 =	sshrl.u32 @!p2 s19, $0x2;
	s0 =	sshrl.u32 @!p2 s0, $0x2  }
0x231: {  	s20 =	sadd.s32 @!p2 s5, s20;
	s19 =	simm.s32 @!p3 $0x0;
	s0 =	sadd.s32 @!p2 $0x3878, s0  }
0x232: {  	[tilespmem:s0], [sflag:$0x8] =	stream.linear.gather @!p2 [hbm4b:s20+s21], s19, $0x38;
	[tilespmem:$0x1F0E8] =	vst v63  }
0x233: {  	s20 =	sadd.s32 $0xFFFFFFFF, s17  }
0x234: {  	p2 =	sge.u32 s20, s11  }
0x235: {  	p3 =	sgt.s32 @!p2 s15, $0xCF6A0  }
0x236: {  	s0 =	smov.u32 s15;
	s19 =	sshra.s32 @!p2 s15, $0x1F;
	p3 =	por !p3, p2  }
0x237: {  	s19 =	sand.u32 @!p2 s19, s15;
	s0 =	simm.s32 @p3 $0xCF6A0  }
0x238: {  	s0 =	ssub.s32 @!p2 s0, s19  }
0x239: {  	s0 =	sadd.s32 @!p2 $0xFFF30960, s0  }
0x23a: {  	s19 =	sshll.u32 @!p2 s0, $0x2  }
0x23b: {  	p3 =	sgt.s32 @!p2 s0, $0x1AF;
	s0 =	ssub.s32 @!p2 $0x6C0, s19  }
0x23c: {  	p3 =	por !p3, p2;
	s0 =	sshrl.u32 @!p2 s0, $0x2  }
0x23d: {  	s21 =	simm.s32 @!p2 $0x8;
	s19 =	sand.u32 @!p2 $0x1, s20;
	s0 =	simm.s32 @!p3 $0x0  }
0x23e: {  	s19 =	smul.u32 @!p2 $0x6C0, s19;
	_ =	swait.ge @!p2 [sflag:s21], s0  }
0x23f: {  	s22 =	ssub.s32 @!p2 $0x0, s0;
	[sflag:s21] =	ssyncset.done @!p2 $0x0  }
0x240: {  	s19 =	sshrl.u32 @!p2 s19, $0x2;
	[sflag:s21] =	ssyncadd.s32 @!p2 s22;
	s21 =	sshrl.u32 @!p2 s15, $0x3  }
0x241: {  	s19 =	sadd.s32 @!p2 $0x3D88, s19;
	s22 =	sand.u32 @!p2 $0x7, s15;
	s21 =	sadd.s32 @!p2 s6, s21  }
0x242: {  	[tilespmem:s19], [sflag:$0x9] =	stream.linear.gather @!p2 [hbm4b:s21+s22], s0, $0x38;
	[tilespmem:$0x1F0E8] =	vst v63  }
0x243: {  	s19 =	ssub.s32 @!p2 $0xCF850, s15  }
0x244: {  	p3 =	slt.s32 @!p2 s19, $0x1  }
0x245: {  	p3 =	por p2, p3  }
.Ltmp9:
0x246: {  	_ = 	snop;
	(pc) =	sbr.rel @p3 .LBB3_7-.Ltmp9, $1  }
0x247: {  	_ =	sdelay $0x3  }
0x248: {  	s0 =	smulhi.u32 $0xAAAAAAAB, s20;
	_ =	sdelay $0x1  }
0x249: {  	s0 =	sshrl.u32 s0, $0x1  }
0x24a: {  	s0 =	smul.u32 $0x3, s0;
	_ =	sdelay $0x1  }
0x24b: {  	s0 =	ssub.s32 s20, s0  }
0x24c: {  	s21 =	simm.s32 $0x1;
	s0 =	smul.u32 $0x6C0, s0  }
.Ltmp10:
0x24d: {  	s21 =	simm.s32 @!p0 $0x0;
	(pc) =	sbr.rel .LBB3_4-.Ltmp10, $4  }
0x24e: {  	s31 =	smul.u32 $0x36000, s21  }
0x24f: {  	p3 =	slt.s32 @!p2 s19, $0x1B0;
	s0 =	sshrl.u32 s0, $0x2  }
0x250: {  	p2 =	por !p3, p2;
	s20 =	sshrl.u32 s31, $0x2;
	s0 =	sadd.s32 $0x3878, s0  }
0x251: {  	s19 =	simm.s32 @p2 $0x1B0;
	s21 =	simm.s32 $0x0;
	s20 =	sadd.s32 $0x40E8, s20;
	v1 =	vmov s0  }
.LBB3_3:
0x252: {  	p2 =	sge.s32 s21, s19  }
.Ltmp11:
0x253: {  	_ = 	snop;
	(pc) =	sbr.rel @p2 .LBB3_7-.Ltmp11, $2  }
0x254: {  	_ =	sdelay $0x2  }
0x255: {  	s20 =	sadd.s32 $0x800, s20  }
.LBB3_4:
0x256: {  	p2 =	sle.s32 s19, s21  }
.Ltmp12:
0x257: {  	_ = 	snop;
	(pc) =	sbr.rel @p2 .LBB3_3-.Ltmp12, $2  }
0x258: {  	_ =	sdelay $0x2  }
0x259: {  	s22 =	smov.u32 s21;
	s21 =	sadd.s32 $0x10, s21  }
0x25a: {  	s0 =	ssub.s32 s19, s22  }
0x25b: {  	p2 =	slt.s32 s0, $0x10  }
0x25c: {  	s0 =	simm.s32 @!p2 $0x10  }
0x25d: {  	v2 =	vmov s0  }
0x25e: {  	vm0 =	vgt.s32 v2, v0;
	_ =	sdelay $0x5  }
0x25f: {  	v2 =	vld.idx.msk [tilespmem:v1+s22+$0x0 ss:$0x1], vm0;
	_ =	sdelay $0x2  }
0x260: {  	s23 =	smov.u32 s19;
	p2 =	slt.s32 s21, s19  }
0x261: {  	s24 =	smov.u32 s20;
	s25 =	simm.s32 $0x0;
	s23 =	smov.u32 @p2 s21  }
.LBB3_6:
0x262: {  	(v2sf) =	vpush v2, s25;
	_ =	sdelay $0xc  }
0x263: {  	s25 =	sadd.s32 $0x1, s25  }
0x264: {  	s31 =	sadd.s32 s25, s22  }
0x265: {  	p2 =	slt.s32 s31, s23;
	s0 =	spop (v2sf)  }
.Ltmp13:
0x266: {  	s0 =	sshll.u32 s0, $0x4;
	(pc) =	sbr.rel @p2 .LBB3_6-.Ltmp13, $4  }
0x267: {  	s0 =	sand.u32 $0x1FFFFFF0, s0  }
0x268: {  	s0 =	sadd.s32 s7, s0  }
0x269: {  	[tilespmem:s24], [sflag:$0x7] =	stream.linear.gather [hbm4b:s0+s13], $0x8, $0x38;
	[tilespmem:$0x1F0E8] =	vst v63  }
0x26a: {  	s24 =	sadd.s32 $0x80, s24  }
.Ltmp14:
0x26b: {  	_ = 	snop;
	(pc) =	sbr.rel .LBB3_3-.Ltmp14, $1  }
0x26c: {  	_ =	sdelay $0x3  }
.LBB3_7:
0x26d: {  	p2 =	slt.u32 s17, $0x2  }
.Ltmp15:
0x26e: {  	_ = 	snop;
	(pc) =	sbr.rel @p2 .LBB3_20-.Ltmp15, $1  }
0x26f: {  	_ =	sdelay $0x3  }
0x270: {  	p2 =	sgt.s32 s18, $0xCF6A0;
	s0 =	smov.u32 s18  }
0x271: {  	s19 =	sshra.s32 s18, $0x1F;
	s20 =	ssub.s32 $0xCF850, s18;
	s0 =	simm.s32 @!p2 $0xCF6A0  }
0x272: {  	s19 =	sand.u32 s19, s18;
	p2 =	slt.s32 s20, $0x1B0;
	s21 =	smov.u32 s20  }
0x273: {  	s0 =	ssub.s32 s0, s19;
	s21 =	simm.s32 @!p2 $0x1B0  }
0x274: {  	s0 =	sadd.s32 $0xFFF30960, s0;
	s26 =	sshll.u32 s21, $0x3  }
0x275: {  	s2 =	simm.s32 $0x7;
	s28 =	sshll.u32 s0, $0x2;
	s19 =	sand.u32 $0x3FFFFFF8, s26  }
0x276: {  	p2 =	sgt.s32 s0, $0x1AF;
	s29 =	ssub.s32 $0x6C0, s28;
	_ =	swait.ge [sflag:s2], s19  }
0x277: {  	s19 =	ssub.s32 $0x0, s19;
	[sflag:s2] =	ssyncset.done $0x0;
	s0 =	sshrl.u32 s29, $0x2  }
0x278: {  	s30 =	simm.s32 $0x9;
	[sflag:s2] =	ssyncadd.s32 s19;
	s0 =	simm.s32 @p2 $0x0  }
0x279: {  	_ =	swait.ge [sflag:s30], s0  }
0x27a: {  	s0 =	ssub.s32 $0x0, s0;
	[sflag:s30] =	ssyncset.done $0x0  }
0x27b: {  	[sflag:s30] =	ssyncadd.s32 s0  }
0x27c: {  	v1 =	vld [tilespmem:$0x3648];
	_ =	sdelay $0x4  }
0x27d: {  	(v2sf) =	vpush v1, $0x0  }
0x27e: {  	(v2sf) =	vpush v1, $0x1  }
0x27f: {  	(v2sf) =	vpush v1, $0x2;
	_ =	sdelay $0x3  }
0x280: {  	s0 =	sadd.s32 $0x1B0, s18  }
0x281: {  	p2 =	slt.s32 s4, s0  }
0x282: {  	s0 =	smov.u32 @p2 s4;
	p2 =	sgt.s32 s20, $0x0  }
0x283: {  	s22 =	ssub.s32 s0, s18;
	s20 =	simm.s32 @!p2 $0x0  }
0x284: {  	p2 =	slt.s32 s20, s22  }
0x285: {  	s22 =	smov.u32 @p2 s20  }
0x286: {  	s21 =	simm.s32 $0x1;
	p2 =	slt.s32 s22, $0x1  }
.Ltmp16:
0x287: {  	s21 =	simm.s32 @!p4 $0x0;
	(pc) =	sbr.rel @p2 .LBB3_12-.Ltmp16, $4  }
0x288: {  	s31 =	smul.u32 $0x6C0, s21  }
0x289: {  	s23 =	spop (v2sf)  }
0x28a: {  	s0 =	sshrl.u32 s31, $0x2;
	s25 =	spop (v2sf)  }
0x28b: {  	s19 =	sadd.s32 $0x3D88, s0;
	s18 =	spop (v2sf)  }
0x28c: {  	s0 =	smin.u32 s22, $0x10  }
0x28d: {  	v1 =	vmov s0  }
0x28e: {  	p3 =	sgt.s32 s22, $0x10;
	vm1 =	vgt.u32 v1, v0  }
.Ltmp17:
0x28f: {  	_ = 	snop;
	(pc) =	sbr.rel @!p3 .LBB3_11-.Ltmp17, $2  }
0x290: {  	_ =	sdelay $0x2  }
0x291: {  	s24 =	simm.s32 $0x10;
	s26 =	sadd.s32 $0xFFFFFFF0, s22;
	s20 =	smov.u32 s19;
	vm0 =	vmmov vm1  }
.LBB3_10:
0x292: {  	s0 =	smin.u32 s26, $0x10;
	s24 =	sadd.s32 $0x10, s24;
	v1 =	vld.msk [tilespmem:s20+$0x0 ss:$0x1], vm1  }
0x293: {  	v2 =	vmov s0;
	p3 =	slt.s32 s24, s22  }
0x294: {  	vm1 =	vgt.u32 v2, v0  }
.Ltmp18:
0x295: {  	(pc) =	sbr.rel @p3 .LBB3_10-.Ltmp18, $3  }
0x296: {  	_ =	sdelay $0x1  }
0x297: {  	v1 =	vshll.u32 v1, $0x4  }
0x298: {  	s26 =	sadd.s32 $0xFFFFFFF0, s26;
	[tilespmem:s20+$0x0] =	vst.msk vm0, v1;
	s20 =	sadd.s32 $0x10, s20;
	vm0 =	vmmov vm1  }
.LBB3_11:
0x299: {  	_ =	sdelay $0x4  }
0x29a: {  	v1 =	vld.msk [tilespmem:s20+$0x0 ss:$0x1], vm1;
	_ =	sdelay $0x4  }
0x29b: {  	v1 =	vshll.u32 v1, $0x4  }
0x29c: {  	[tilespmem:s20+$0x0] =	vst.msk vm0, v1  }
.LBB3_12:
0x29d: {  	s0 =	sand.u32 $0x1, s17  }
0x29e: {  	s0 =	smul.u32 $0x1B0, s0  }
0x29f: {  	p3 =	sne.s32 s25, $0xFFFFFFFF  }
0x2a0: {  	v1 =	vld.msk @!p3 [tilespmem:s0+$0x3D88], $0x1;
	_ =	sdelay $0x4  }
0x2a1: {  	(v2sf) =	vpush @!p3 v1, $0x0;
	_ =	sdelay $0xc  }
.Ltmp19:
0x2a2: {  	_ = 	snop;
	(pc) =	sbr.rel @p2 .LBB3_18-.Ltmp19, $4  }
0x2a3: {  	_ = 	snop  }
0x2a4: {  	s24 =	spop @!p3 (v2sf)  }
0x2a5: {  	s18 =	simm.s32 @!p3 $0x0;
	s20 =	smov.u32 s24  }
0x2a6: {  	[sflag:s14] =	ssyncpa.u1 $0x0;
	s24 =	smov.u32 @p3 s23;
	s20 =	smov.u32 @p3 s25  }
0x2a7: {  	v1 =	vld.msk [tilespmem:s19+$0x0], $0x1;
	_ =	sdelay $0x4  }
0x2a8: {  	(v2sf) =	vpush v1, $0x0;
	_ =	sdelay $0xd  }
0x2a9: {  	s0 =	simm.s32 @!p4 $0x0  }
0x2aa: {  	s26 =	smul.u32 $0x36000, s21;
	s25 =	ssub.s32 $0x0, s22;
	s28 =	spop (v2sf)  }
0x2ab: {  	s0 =	simm.s32 @p4 $0x1;
	s23 =	sadd.s32 $0x1, s25;
	p2 =	seq.s32 s24, s28  }
0x2ac: {  	[smem:$0x7FD] =	sst s0;
	s0 =	sshrl.u32 s26, $0x2;
	p3 =	sgt.s32 @!p2 s24, $0x0  }
0x2ad: {  	s21 =	sadd.s32 $0x40E8, s0;
	s0 =	smov.u32 s24;
	p3 =	por !p3, p2  }
0x2ae: {  	s0 =	simm.s32 @p3 $0x0;
	p3 =	seq.s32 s23, $0x0  }
.Ltmp20:
0x2af: {  	_ = 	snop;
	(pc) =	sbr.rel @p3 .LBB3_15-.Ltmp20, $4  }
0x2b0: {  	s3 =	smov.u32 s8;
	s12 =	smov.u32 s5;
	s8 =	smov.u32 s6  }
0x2b1: {  	s22 =	simm.s32 $0x0;
	s29 =	simm.s32 @!p2 $0x1;
	s0 =	smin.u32 @!p2 s0, $0xC34FF  }
0x2b2: {  	s30 =	simm.s32 @!p2 $0x1B38;
	s29 =	smov.u32 @p2 s22;
	s26 =	sand.u32 @!p2 $0xFFFF8, s0  }
0x2b3: {  	s31 =	sand.u32 @!p2 $0x7, s0;
	s0 =	sadd.s32 @!p2 s1, s26;
	s26 =	sadd.s32 $0x1, s19  }
.LBB3_14:
0x2b4: {  	s2 =	smov.u32 s29  }
0x2b5: {  	[tilespmem:s30], [sflag:$0x2] =	stream.linear.gather @!p2 [hbm4b:s0+s31], $0x8, $0x38;
	[tilespmem:$0x1F0E8] =	vst v63  }
0x2b6: {  	s23 =	sadd.s32 $0x1, s23;
	s0 =	smov.u32 s28;
	v1 =	vld.msk [tilespmem:s26+$0x0], $0x1  }
0x2b7: {  	p3 =	seq.s32 s23, $0x0;
	_ =	sdelay $0x3  }
0x2b8: {  	(v2sf) =	vpush v1, $0x0;
	_ =	sdelay $0xe  }
0x2b9: {  	s28 =	spop (v2sf)  }
0x2ba: {  	p2 =	seq.s32 s0, s28  }
0x2bb: {  	p4 =	sgt.s32 @!p2 s0, $0x0;
	s30 =	sshll.u32 @!p2 s29, $0x6;
	s29 =	sadd.s32 @!p2 $0x1, s29  }
.Ltmp21:
0x2bc: {  	p4 =	por !p4, p2;
	s30 =	sshra.s32 @!p2 s30, $0x2;
	(pc) =	sbr.rel @!p3 .LBB3_14-.Ltmp21, $4  }
0x2bd: {  	s29 =	smov.u32 @p2 s2;
	s0 =	simm.s32 @p4 $0x0;
	s30 =	sadd.s32 @!p2 $0x1B38, s30  }
0x2be: {  	s0 =	smin.u32 @!p2 s0, $0xC34FF  }
0x2bf: {  	s2 =	sand.u32 @!p2 $0xFFFF8, s0;
	s31 =	sand.u32 @!p2 $0x7, s0  }
0x2c0: {  	s26 =	sadd.s32 $0x1, s26;
	s0 =	sadd.s32 @!p2 s1, s2  }
.LBB3_15:
0x2c1: {  	[tilespmem:s30], [sflag:$0x2] =	stream.linear.gather @!p2 [hbm4b:s0+s31], $0x8, $0x38;
	[tilespmem:$0x1F0E8] =	vst v63  }
0x2c2: {  	s31 =	sshll.u32 s29, $0x3  }
0x2c3: {  	s2 =	simm.s32 $0x2;
	s0 =	sand.u32 $0x3FFFFFF8, s31  }
0x2c4: {  	_ =	swait.ge [sflag:s2], s0  }
0x2c5: {  	s0 =	ssub.s32 $0x0, s0;
	[sflag:s2] =	ssyncset.done $0x0  }
0x2c6: {  	[sflag:s2] =	ssyncadd.s32 s0  }
0x2c7: {  	v1 =	vld.msk [tilespmem:s19+$0x0], $0x1;
	_ =	sdelay $0x4  }
0x2c8: {  	(v2sf) =	vpush v1, $0x0;
	_ =	sdelay $0xe  }
0x2c9: {  	s23 =	spop (v2sf)  }
0x2ca: {  	p2 =	sne.s32 s24, s23  }
0x2cb: {  	p4 =	sne.s32 @p2 s24, s20  }
0x2cc: {  	p3 =	por !p4, !p2  }
0x2cd: {  	s0 =	simm.s32 @!p3 $0x0  }
0x2ce: {  	v1 =	vld.msk @!p3 [tilespmem:s0+$0x1B38], $0xff  }
0x2cf: {  	p5 =	sgt.u32 @!p3 s24, $0xC34FF  }
0x2d0: {  	s2 =	sshll.u32 @!p3 s18, $0x6;
	p6 =	por @p2 p5, !p4  }
0x2d1: {  	s2 =	sshra.s32 @!p3 s2, $0x2;
	p1 =	por p6, !p2;
	p6 =	por p4, !p2  }
0x2d2: {  	s26 =	sadd.s32 @!p3 $0x28, s2;
	s28 =	sand.u32 @!p1 $0xFFFF8, s24;
	s29 =	sshll.u32 @!p6 s18, $0x6  }
0x2d3: {  	s24 =	sand.u32 @!p1 $0x7, s24;
	[tilespmem:s2+$0x28] =	vst.add.f32.msk @!p3 $0xff, v1;
	s2 =	sadd.s32 @!p1 s1, s28;
	s28 =	sshra.s32 @!p6 s29, $0x2  }
0x2d4: {  	[hbm4b:s2+s24] =	stream.linear.scatter @!p1 [tilespmem:s26], [sflag:$0xA], $0x8, $0x38;
	[tilespmem:$0x1F0E8] =	vst v63  }
0x2d5: {  	s0 =	rddreg [dreg:$0x2];
	s2 =	sadd.s32 @!p6 $0x28, s28;
	s24 =	simm.s32 @!p6 $0x1  }
0x2d6: {  	[spmem:s0] =	stream.linear.scatter @!p6 [tilespmem:s2], [sflag:$0x1], $0x8, $0x38;
	[tilespmem:$0x1F0E8] =	vst v63  }
0x2d7: {  	s0 =	sadd.s32 @p2 $0x1, s18;
	_ =	swait.ge @!p6 [sflag:s24], $0x8  }
0x2d8: {  	s2 =	sshrl.u32 @p2 s0, $0x4;
	[sflag:s24] =	ssyncset.done @!p6 $0x0  }
0x2d9: {  	s2 =	smulhi.u32 @p2 $0x97B425F, s2;
	[sflag:s24] =	ssyncadd.s32 @!p6 $0xFFFFFFF8  }
0x2da: {  	s24 =	sadd.s32 $0x1, s25;
	v1 =	vld.msk @p2 [tilespmem:s21+$0x0], $0xff  }
0x2db: {  	p1 =	por @p2 !p5, !p4;
	s2 =	smul.u32 @p2 $0x1B0, s2;
	p4 =	seq.s32 s24, $0x0  }
.Ltmp22:
0x2dc: {  	p1 =	por !p1, !p2;
	s25 =	simm.s32 @!p3 $0x0;
	(pc) =	sbr.rel @p4 .LBB3_17-.Ltmp22, $4  }
0x2dd: {  	s26 =	sshll.u32 @!p2 s18, $0x6;
	s25 =	simm.s32 @!p1 $0x20;
	s0 =	ssub.s32 @p2 s0, s2  }
0x2de: {  	s26 =	sshra.s32 @!p2 s26, $0x2;
	s28 =	sadd.s32 @!p3 $0x0, s25;
	s29 =	sshll.u32 @p2 s0, $0x4  }
0x2df: {  	s25 =	simm.s32 $0x0;
	s2 =	simm.s32 @p2 $0x1;
	s28 =	smov.u32 @p3 s22;
	[tilespmem:s29+$0x28] =	vst.msk @p2 $0xff, v1  }
0x2e0: {  	s18 =	smov.u32 @p2 s0;
	s25 =	smov.u32 @p2 s28;
	s22 =	smov.u32 @p2 s2;
	v1 =	vld.msk @!p2 [tilespmem:s21+$0x0], $0xff  }
.LBB3_16:
0x2e1: {  	_ =	sdelay $0x3  }
0x2e2: {  	s19 =	sadd.s32 $0x1, s19;
	[tilespmem:s26+$0x28] =	vst.add.f32.msk @!p2 $0xff, v1  }
0x2e3: {  	v1 =	vld.msk [tilespmem:s19+$0x0], $0x1;
	_ =	sdelay $0x4  }
0x2e4: {  	(v2sf) =	vpush v1, $0x0;
	_ =	sdelay $0xe  }
0x2e5: {  	s0 =	smov.u32 s23;
	s23 =	spop (v2sf)  }
0x2e6: {  	p2 =	sne.s32 s0, s23  }
0x2e7: {  	p5 =	sne.s32 @p2 s0, s20  }
0x2e8: {  	p4 =	por !p5, !p2  }
0x2e9: {  	s30 =	sshll.u32 @!p4 s22, $0x6  }
0x2ea: {  	s30 =	sshra.s32 @!p4 s30, $0x2  }
0x2eb: {  	p1 =	sgt.u32 @!p4 s0, $0xC34FF;
	v1 =	vld.msk @!p4 [tilespmem:s30+$0x1B38], $0xff  }
0x2ec: {  	s31 =	sshll.u32 @!p4 s18, $0x6;
	p6 =	por @p2 p1, !p5;
	p1 =	por @p2 !p1, !p5  }
0x2ed: {  	s5 =	simm.s32 @!p4 $0x0;
	s31 =	sshra.s32 @!p4 s31, $0x2;
	p1 =	por !p1, !p2  }
0x2ee: {  	p5 =	por p5, !p2;
	s5 =	simm.s32 @!p1 $0x20;
	p1 =	por p6, !p2  }
0x2ef: {  	s30 =	sadd.s32 @!p4 $0x28, s31;
	s6 =	sshll.u32 @!p5 s18, $0x6;
	s10 =	sand.u32 @!p1 $0xFFFF8, s0  }
0x2f0: {  	s6 =	sshra.s32 @!p5 s6, $0x2;
	s0 =	sand.u32 @!p1 $0x7, s0;
	s10 =	sadd.s32 @!p1 s1, s10;
	[tilespmem:s31+$0x28] =	vst.add.f32.msk @!p4 $0xff, v1  }
0x2f1: {  	[hbm4b:s10+s0] =	stream.linear.scatter @!p1 [tilespmem:s30], [sflag:$0xA], $0x8, $0x38;
	[tilespmem:$0x1F0E8] =	vst v63  }
0x2f2: {  	s2 =	rddreg [dreg:$0x2];
	s0 =	sadd.s32 @!p5 $0x28, s6;
	s6 =	simm.s32 @!p5 $0x1  }
0x2f3: {  	[spmem:s2] =	stream.linear.scatter @!p5 [tilespmem:s0], [sflag:$0x1], $0x8, $0x38;
	[tilespmem:$0x1F0E8] =	vst v63  }
0x2f4: {  	s28 =	sadd.s32 @p2 $0x1, s18;
	_ =	swait.ge @!p5 [sflag:s6], $0x8  }
0x2f5: {  	s29 =	sshrl.u32 @p2 s28, $0x4;
	[sflag:s6] =	ssyncset.done @!p5 $0x0  }
0x2f6: {  	s21 =	sadd.s32 $0x80, s21;
	s29 =	smulhi.u32 @p2 $0x97B425F, s29;
	[sflag:s6] =	ssyncadd.s32 @!p5 $0xFFFFFFF8  }
0x2f7: {  	s24 =	sadd.s32 $0x1, s24;
	v1 =	vld.msk @p2 [tilespmem:s21+$0x0], $0xff  }
0x2f8: {  	p3 =	seq.s32 s24, $0x0;
	s29 =	smul.u32 @p2 $0x1B0, s29  }
.Ltmp23:
0x2f9: {  	_ = 	snop;
	(pc) =	sbr.rel @!p3 .LBB3_16-.Ltmp23, $4  }
0x2fa: {  	s28 =	ssub.s32 @p2 s28, s29  }
0x2fb: {  	s26 =	sshll.u32 @!p2 s18, $0x6;
	s5 =	sadd.s32 @!p4 s5, s25;
	s10 =	sshll.u32 @p2 s28, $0x4  }
0x2fc: {  	s9 =	sadd.s32 @p2 $0x1, s22;
	s26 =	sshra.s32 @!p2 s26, $0x2;
	s5 =	smov.u32 @p4 s25;
	[tilespmem:s10+$0x28] =	vst.msk @p2 $0xff, v1  }
0x2fd: {  	s22 =	smov.u32 @p2 s9;
	s18 =	smov.u32 @p2 s28;
	s25 =	smov.u32 @p2 s5;
	v1 =	vld.msk @!p2 [tilespmem:s21+$0x0], $0xff  }
.LBB3_17:
.Ltmp24:
0x2fe: {  	_ = 	snop;
	(pc) =	sbr.rel .LBB3_19-.Ltmp24, $4  }
0x2ff: {  	s2 =	sld [smem:$0x7FD]  }
0x300: {  	s0 =	sshrl.u32 s25, $0x2  }
0x301: {  	s24 =	smov.u32 s23;
	s6 =	smov.u32 s8;
	s5 =	smov.u32 s12  }
0x302: {  	s8 =	smov.u32 s3;
	s3 =	rddreg [dreg:$0x3];
	p4 =	seq.s32 s2, $0x1;
	[tilespmem:s26+$0x28] =	vst.add.f32.msk @!p2 $0xff, v1  }
.LBB3_21:
0x303: {  	_ =	sfence.sel $0x180000  }
0x304: {  	s0 =	simm.s32 $0x7;
	[bflag:$0x0] =	sbarrier.arrive $0xFFFF  }
0x305: {  	s25 =	simm.s32 $0x8;
	[sflag:s0] =	ssyncpa.u1 $0x1  }
0x306: {  	s26 =	simm.s32 $0x9;
	[sflag:s25] =	ssyncpa.u1 $0x1  }
0x307: {  	s28 =	simm.s32 $0x2;
	[sflag:s26] =	ssyncpa.u1 $0x1  }
0x308: {  	[sflag:s28] =	ssyncpa.u1 $0x1  }
0x309: {  	v0 =	vld [tilespmem:$0x3648];
	_ =	sdelay $0x4  }
0x30a: {  	(v2sf) =	vpush v0, $0x0  }
0x30b: {  	(v2sf) =	vpush v0, $0x1;
	_ =	sdelay $0x1  }
0x30c: {  	(v2sf) =	vpush v0, $0x2;
	_ =	sdelay $0xb  }
0x30d: {  	s0 =	spop (v2sf)  }
0x30e: {  	s2 =	spop (v2sf)  }
0x30f: {  	s3 =	smov.u32 s0;
	p0 =	sne.s32 s0, s2  }
0x310: {  	s4 =	spop (v2sf);
	s3 =	simm.s32 @!p0 $0xFFFFFFFF  }
0x311: {  	v2 =	vimm.s32 $0x1;
	v3 =	vlaneseq.u32;
	p0 =	seq.s32 s4, $0xFFFFFFFF;
	v1 =	vmov s3  }
0x312: {  	s7 =	stileid.u32;
	v0 =	vperm.xlane v0, v2;
	p1 =	sne.s32 @!p0 s0, s2;
	v1 =	vperm.xlane v1, v3  }
0x313: {  	vm0 =	vcmask $0x3F04;
	s6 =	simm.s32 $0x3648;
	s0 =	simm.s32 @!p0 $0x1;
	p1 =	por !p1, p0  }
0x314: {  	s3 =	sshll.u32 s7, $0x1;
	s2 =	sshll.u32 @!p0 s4, $0x6;
	s0 =	simm.s32 @p1 $0x0;
	v0 =	vsel vm0, v1, v0  }
0x315: {  	s5 =	sor.u32 $0x200, s3;
	s2 =	sshra.s32 @!p0 s2, $0x2;
	s0 =	sor.u32 @!p0 s0, s3;
	[tilespmem:$0x3648] =	vst v0  }
0x316: {  	[spmem:s5] =	stream.linear.scatter [tilespmem:s6], [sflag:$0x1], $0x2, $0x38;
	[tilespmem:$0x1F0E8] =	vst v63  }
0x317: {  	s2 =	sadd.s32 @!p0 $0x28, s2;
	s0 =	sshll.u32 @!p0 s0, $0x4  }
0x318: {  	[spmem:s0] =	stream.linear.scatter @!p0 [tilespmem:s2], [sflag:$0x1], $0x10, $0x38;
	[tilespmem:$0x1F0E8] =	vst v63  }
0x319: {  	s0 =	simm.s32 @!p0 $0x12  }
0x31a: {  	s3 =	simm.s32 $0x1;
	s0 =	simm.s32 @p0 $0x2  }
0x31b: {  	_ =	swait.ge [sflag:s3], s0  }
0x31c: {  	s0 =	ssub.s32 $0x0, s0;
	[sflag:s3] =	ssyncset.done $0x0  }
0x31d: {  	[sflag:s3] =	ssyncadd.s32 s0  }
0x31e: {  	_ =	sfence.stream.spmem  }
0x31f: {  	s29 =	simm.s32 $0x3;
	[bflag:$0x0] =	sbarrier.arrive $0xFFFF  }
0x320: {  	s30 =	simm.s32 $0x4;
	[sflag:s29] =	ssyncpa.u1 $0x1  }
0x321: {  	s31 =	simm.s32 $0x3C;
	[sflag:s30] =	ssyncpa.u1 $0x1  }
0x322: {  	p0 =	sne.s32 s7, $0x0;
	[sflag:s31] =	ssyncpa.u1 $0x1  }
0x323: {  	_ =	sfence @p0  }
0x324: {  	[sflag:s3] =	ssyncpa.u1 @p0 $0x1  }
0x325: {  	_ =	strace @p0 $0x90000056  }
0x326: {  	[bflag:$0x2] =	sbarrier.arrive @p0 $0xFFFF  }
0x327: {  	_ =	shalt @p0  }
.LBB3_22:
0x328: {  	_ =	sfence.stream.spmem;
	s0 =	simm.s32 $0x5  }
0x329: {  	s2 =	simm.s32 $0x200;
	s3 =	simm.s32 $0x3658;
	[sflag:s0] =	ssyncpa.u1 $0x0  }
0x32a: {  	[tilespmem:s3], [sflag:$0x5] =	stream.linear.gather [spmem:s2], $0x20, $0x38;
	[tilespmem:$0x1F0E8] =	vst v63  }
0x32b: {  	s30 =	simm.s32 $0x3678;
	s2 =	simm.s32 $0x0  }
0x32c: {  	[tilespmem:s30], [sflag:$0x5] =	stream.linear.gather [spmem:s2], $0x200, $0x38;
	[tilespmem:$0x1F0E8] =	vst v63  }
.Ltmp25:
0x32d: {  	_ = 	snop;
	(pc) =	sbr.rel .LBB3_23-.Ltmp25, $4  }
0x32e: {  	_ =	swait.ge [sflag:s0], $0x220  }
0x32f: {  	[sflag:s0] =	ssyncset.done $0x0  }
0x330: {  	s31 =	simm.s32 $0x6;
	[sflag:s0] =	ssyncadd.s32 $0xFFFFFDE0  }
0x331: {  	s3 =	simm.s32 $0x0;
	[sflag:s31] =	ssyncpa.u1 $0x0  }
.LBB3_28:
0x332: {  	p0 =	slt.u32 s4, $0xC3500  }
0x333: {  	s0 =	sand.u32 @p0 $0xFFFF8, s4  }
0x334: {  	s4 =	sand.u32 @p0 $0x7, s4;
	s5 =	simm.s32 @p0 $0x3638;
	s0 =	sadd.s32 @p0 s1, s0  }
0x335: {  	[tilespmem:s5], [sflag:$0x6] =	stream.linear.gather @p0 [hbm4b:s0+s4], $0x8, $0x38;
	[tilespmem:$0x1F0E8] =	vst v63  }
0x336: {  	s0 =	simm.s32 @p0 $0x6  }
0x337: {  	_ =	swait.ge @p0 [sflag:s0], $0x8  }
0x338: {  	[sflag:s0] =	ssyncset.done @p0 $0x0  }
0x339: {  	[sflag:s0] =	ssyncadd.s32 @p0 $0xFFFFFFF8  }
0x33a: {  	v1 =	vld @p0 [tilespmem:$0x3638];
	_ =	sdelay $0x2  }
0x33b: {  	s0 =	sshll.u32 @p0 s3, $0x6  }
0x33c: {  	s5 =	sshll.u32 @!p0 s3, $0x6;
	s4 =	sshrl.u32 @p0 s0, $0x2  }
0x33d: {  	s5 =	smov.u32 @p0 s0;
	[tilespmem:s4+$0x3678] =	vst.add.f32.msk @p0 $0xffff, v1  }
0x33e: {  	s0 =	sshrl.u32 s5, $0x2;
	[tilespmem:s2+$0x3658] =	vst.msk $0x1, v0  }
0x33f: {  	v0 =	vld [tilespmem:s0+$0x3678];
	_ =	sdelay $0x2  }
0x340: {  	s31 =	sshll.u32 s2, $0x6  }
0x341: {  	s0 =	sshra.s32 s31, $0x2  }
0x342: {  	s2 =	sadd.s32 $0x1, s2;
	[tilespmem:s0+$0x3678] =	vst v0  }
.LBB3_30:
0x343: {  	s3 =	sadd.s32 $0x1, s3  }
0x344: {  	p0 =	sne.s32 s3, $0x20  }
.Ltmp26:
0x345: {  	_ = 	snop;
	(pc) =	sbr.rel @!p0 .LBB3_31-.Ltmp26, $1  }
0x346: {  	_ =	sdelay $0x3  }
.LBB3_23:
0x347: {  	v0 =	vld.msk [tilespmem:s3+$0x3658], $0x1;
	_ =	sdelay $0x4  }
0x348: {  	(v2sf) =	vpush v0, $0x0;
	_ =	sdelay $0xe  }
0x349: {  	s4 =	spop (v2sf)  }
0x34a: {  	p0 =	seq.s32 s4, $0xFFFFFFFF  }
.Ltmp27:
0x34b: {  	_ = 	snop;
	(pc) =	sbr.rel @p0 .LBB3_30-.Ltmp27, $1  }
0x34c: {  	_ =	sdelay $0x3  }
0x34d: {  	p0 =	slt.s32 s2, $0x1  }
.Ltmp28:
0x34e: {  	_ = 	snop;
	(pc) =	sbr.rel @p0 .LBB3_28-.Ltmp28, $1  }
0x34f: {  	_ =	sdelay $0x3  }
0x350: {  	s5 =	simm.s32 $0x3658;
	p0 =	por $0x0, $0x0  }
0x351: {  	v1 =	vld.msk @!p0 [tilespmem:s5+$0x0], $0x1;
	_ =	sdelay $0x4  }
0x352: {  	(v2sf) =	vpush @!p0 v1, $0x0;
	_ =	sdelay $0xd  }
0x353: {  	p2 =	sne.s32 s2, $0x1  }
.Ltmp29:
0x354: {  	s0 =	spop @!p0 (v2sf);
	(pc) =	sbr.rel @!p2 .LBB3_27-.Ltmp29, $4  }
0x355: {  	p1 =	seq.s32 @!p0 s4, s0  }
0x356: {  	s6 =	simm.s32 $0x0;
	p1 =	por !p1, p0  }
0x357: {  	s0 =	simm.s32 $0xFFFFFFFF;
	s6 =	simm.s32 @p1 $0xFFFFFFFF  }
0x358: {  	s7 =	simm.s32 $0x1;
	s6 =	smov.u32 @p0 s0  }
.LBB3_26:
0x359: {  	s0 =	smov.u32 s6;
	p0 =	sne.s32 s6, $0xFFFFFFFF  }
0x35a: {  	s5 =	sadd.s32 $0x1, s5;
	s6 =	smov.u32 s7;
	s7 =	sadd.s32 $0x1, s7  }
0x35b: {  	p1 =	sne.s32 s2, s7;
	v1 =	vld.msk @!p0 [tilespmem:s5+$0x0], $0x1;
	_ =	sdelay $0x4  }
0x35c: {  	(v2sf) =	vpush @!p0 v1, $0x0;
	_ =	sdelay $0xe  }
.Ltmp30:
0x35d: {  	s8 =	spop @!p0 (v2sf);
	(pc) =	sbr.rel @p1 .LBB3_26-.Ltmp30, $4  }
0x35e: {  	p2 =	seq.s32 @!p0 s4, s8  }
0x35f: {  	p2 =	por !p2, p0  }
0x360: {  	s6 =	simm.s32 @p2 $0xFFFFFFFF  }
0x361: {  	s6 =	smov.u32 @p0 s0  }
.LBB3_27:
0x362: {  	p0 =	sne.s32 s6, $0xFFFFFFFF  }
.Ltmp31:
0x363: {  	_ = 	snop;
	(pc) =	sbr.rel @!p0 .LBB3_28-.Ltmp31, $1  }
0x364: {  	_ =	sdelay $0x3  }
0x365: {  	s0 =	sshll.u32 s3, $0x4  }
0x366: {  	s0 =	sand.u32 $0x3FFFFFF0, s0  }
0x367: {  	v0 =	vld [tilespmem:s0+$0x3678]  }
.Ltmp32:
0x368: {  	_ = 	snop;
	(pc) =	sbr.rel .LBB3_30-.Ltmp32, $4  }
0x369: {  	_ = 	snop  }
0x36a: {  	s31 =	sshll.u32 s6, $0x6  }
0x36b: {  	s0 =	sshra.s32 s31, $0x2  }
0x36c: {  	[tilespmem:s0+$0x3678] =	vst.add.f32.msk $0xffff, v0  }
.LBB3_31:
0x36d: {  	p0 =	slt.s32 s2, $0x1  }
.Ltmp33:
0x36e: {  	_ = 	snop;
	(pc) =	sbr.rel @p0 .LBB3_35-.Ltmp33, $3  }
0x36f: {  	_ =	sdelay $0x1  }
0x370: {  	s0 =	simm.s32 $0x6  }
0x371: {  	s3 =	simm.s32 $0x0;
	[sflag:s0] =	ssyncpa.u1 $0x1  }
0x372: {  	s0 =	simm.s32 $0x3658  }
0x373: {  	v0 =	vld.msk [tilespmem:s0+$0x0], $0x1;
	_ =	sdelay $0x4  }
0x374: {  	(v2sf) =	vpush v0, $0x0;
	_ =	sdelay $0xd  }
0x375: {  	s2 =	sadd.s32 $0xFFFFFFFF, s2  }
0x376: {  	p1 =	sne.s32 s2, $0x0;
	s0 =	spop (v2sf)  }
.Ltmp34:
0x377: {  	p0 =	sgt.u32 s0, $0xC34FF;
	(pc) =	sbr.rel @!p1 .LBB3_34-.Ltmp34, $4  }
0x378: {  	s4 =	simm.s32 $0x3678;
	s5 =	sand.u32 @!p0 $0xFFFF8, s0  }
0x379: {  	s6 =	simm.s32 $0x0;
	s0 =	sand.u32 @!p0 $0x7, s0;
	s5 =	sadd.s32 @!p0 s1, s5  }
0x37a: {  	[hbm4b:s5+s0] =	stream.linear.scatter @!p0 [tilespmem:s4], [sflag:$0x5], $0x8, $0x38;
	[tilespmem:$0x1F0E8] =	vst v63  }
0x37b: {  	s6 =	simm.s32 @!p0 $0x20;
	s5 =	simm.s32 $0x3659  }
.LBB3_33:
0x37c: {  	v0 =	vld.msk [tilespmem:s5+$0x0], $0x1;
	s2 =	sadd.s32 $0xFFFFFFFF, s2;
	s3 =	sadd.s32 s3, s6  }
0x37d: {  	p0 =	sne.s32 s2, $0x0;
	_ =	sdelay $0x3  }
0x37e: {  	(v2sf) =	vpush v0, $0x0;
	_ =	sdelay $0xe  }
.Ltmp35:
0x37f: {  	s0 =	spop (v2sf);
	(pc) =	sbr.rel @p0 .LBB3_33-.Ltmp35, $4  }
0x380: {  	s6 =	simm.s32 $0x0;
	p1 =	sgt.u32 s0, $0xC34FF  }
0x381: {  	s4 =	sadd.s32 $0x10, s4;
	s6 =	simm.s32 @!p1 $0x20;
	s7 =	sand.u32 @!p1 $0xFFFF8, s0  }
0x382: {  	s5 =	sadd.s32 $0x1, s5;
	s0 =	sand.u32 @!p1 $0x7, s0;
	s7 =	sadd.s32 @!p1 s1, s7  }
0x383: {  	[hbm4b:s7+s0] =	stream.linear.scatter @!p1 [tilespmem:s4], [sflag:$0x5], $0x8, $0x38;
	[tilespmem:$0x1F0E8] =	vst v63  }
.LBB3_34:
0x384: {  	s0 =	sadd.s32 s3, s6  }
0x385: {  	s3 =	sshrl.u32 s0, $0x2  }
.LBB3_35:
0x386: {  	s0 =	simm.s32 $0x5  }
0x387: {  	_ =	swait.ge [sflag:s0], s3  }
0x388: {  	s1 =	ssub.s32 $0x0, s3;
	[sflag:s0] =	ssyncset.done $0x0  }
0x389: {  	[sflag:s0] =	ssyncadd.s32 s1  }
0x38a: {  	[sflag:s0] =	ssyncpa.u1 $0x1  }
0x38b: {  	s30 =	simm.s32 $0x1;
	_ =	sfence  }
0x38c: {  	[sflag:s30] =	ssyncpa.u1 $0x1  }
0x38d: {  	_ =	strace $0x90000056  }
0x38e: {  	[bflag:$0x2] =	sbarrier.arrive $0xFFFF  }
0x38f: {  	s31 =	rddreg [dreg:$0x1]  }
0x390: {  	s0 =	sadd.s32 $0x100000, s31  }
0x391: {  	[sflag:s0] =	ssyncadd.tile.s32 $0x1;
	_ =	shalt  }
.Lfunc_end3:
_tile_overlayer_lowered:
.L_overlay_start_3:
0x392: {  	(tag) =	ssettag $0x3  }
0x393: {  	s0 =	rddreg [dreg:$0x0];
	s2 =	stileid.u32  }
0x394: {  	s1 =	rddreg [dreg:$0x1];
	p0 =	sne.s32 s2, $0x0  }
0x395: {  	s3 =	rddreg [dreg:$0x2];
	[bflag:$0x3] =	sbarrier.arrive $0xFFFF;
	s2 =	simm.s32 @!p0 $0x1C01  }
0x396: {  	[timem:s3], [sflag:s2] =	dma.local @!p0 [hbm:s0], s1  }
0x397: {  	s0 =	simm.s32 @!p0 $0x1  }
0x398: {  	_ =	swait.ge @!p0 [sflag:s0], s1  }
0x399: {  	s1 =	ssub.s32 @!p0 $0x0, s1;
	[sflag:s0] =	ssyncset.done @!p0 $0x0  }
0x39a: {  	[sflag:s0] =	ssyncadd.s32 @!p0 s1  }
0x39b: {  	[bflag:$0x3] =	sbarrier.arrive $0xFFFF  }
0x39c: {  	_ =	shalt  }

// kernel: scatter_offload_async_start
scs
__scs_entry_jumppad:
0x0: {  	(pc) =	sbr.rel $0x88, $3  }
0x1: {  	(tag) =	ssettag $0x0;
	lr =	simm.s32 $0x1  }
0x2: {  	[smem:$0x3F8B] =	sst lr;
	_ =	strace $0xD0000000  }
0x3: {  	_ = 	snop  }
0x4: {  	_ = 	snop  }
0x5: {  	_ = 	snop  }
0x6: {  	_ = 	snop  }
0x7: {  	_ = 	snop  }
__scs_overlays_trampoline_lowered:
0x8: {  	[smem:$0x3F9A] =	sst s0  }
0x9: {  	[smem:$0x3F9B] =	sst s1  }
0xa: {  	[smem:$0x3F9C] =	sst s2  }
0xb: {  	[smem:$0x3F9D] =	sst s3  }
0xc: {  	[smem:$0x3F9E] =	sst s4  }
0xd: {  	[smem:$0x3F9F] =	sst s5  }
0xe: {  	[smem:$0x3FA0] =	sst s6  }
0xf: {  	[smem:$0x3FA1] =	sst s7  }
0x10: {  	[smem:$0x3FA2] =	sst s8  }
0x11: {  	[smem:$0x3FA3] =	sst s9;
	s0 =	simm.s32 @!p0 $0x0  }
0x12: {  	s1 =	sld [smem:$0x3F89];
	s0 =	simm.s32 @p0 $0x1  }
0x13: {  	[smem:$0x3FA4] =	sst s0;
	s0 =	simm.s32 @!p1 $0x0  }
0x14: {  	s2 =	sld [smem:$0x3F88];
	s0 =	simm.s32 @p1 $0x1  }
0x15: {  	[smem:$0x3FA5] =	sst s0;
	s0 =	simm.s32 @!p2 $0x0  }
0x16: {  	s3 =	sld [smem:$0x3FDB];
	s0 =	simm.s32 @p2 $0x1  }
0x17: {  	s4 =	simm.s32 $0x1BF5;
	[smem:$0x3FA7] =	sst s0  }
0x18: {  	s0 =	sld [smem:$0x3F8A];
	_ =	swait.ge [sflag:s4], $0x0  }
0x19: {  	s7 =	sld [smem:$0x3F8B]  }
0x1a: {  	s8 =	sadd.s32 $0xFFFFE003, lr  }
0x1b: {  	s9 =	sadd.s32 $0xFFFFFEF7, lr;
	s5 =	simm.s32 $0xFFFFFFFF;
	p2 =	slt.u32 s8, $0xFFFFF086  }
0x1c: {  	p1 =	slt.u32 s9, $0xF7A;
	s5 =	simm.s32 @!p2 $0x0  }
0x1d: {  	s5 =	simm.s32 @p1 $0x1;
	p0 =	seq.s32 s7, s2  }
0x1e: {  	s7 =	smul.u32 @!p0 $0xF7A, s2;
	p2 =	seq.s32 @!p0 s5, $0x0  }
0x1f: {  	s9 =	smul.u32 $0xF7A, s1;
	s8 =	simm.s32 @!p0 $0x1BF5;
	p2 =	por !p2, p0  }
0x20: {  	[sflag:s8] =	ssyncset.s32 @!p0 $0xFFFFF086;
	s6 =	sadd.s32 @!p0 s3, s7;
	s7 =	simm.s32 @!p0 $0x108  }
0x21: {  	s3 =	sadd.s32 s3, s9;
	s6 =	sadd.s32 @!p0 $0x88, s6;
	s7 =	simm.s32 @p2 $0x1082  }
0x22: {  	[simem:s7], [sflag:s8] =	dma.local @!p0 [hbm:s6], $0xF7A  }
0x23: {  	s9 =	sor.u32 $0xD0000000, s2;
	s6 =	simm.s32 $0x108;
	_ =	swait.ge @!p0 [sflag:s8], $0x0  }
0x24: {  	s3 =	sadd.s32 $0x88, s3;
	s6 =	simm.s32 @!p1 $0x1082;
	[sflag:s4] =	ssyncset.s32 $0xFFFFF086  }
0x25: {  	[simem:s6], [sflag:s4] =	dma.local [hbm:s3], $0xF7A  }
0x26: {  	[smem:$0x3F8B] =	sst s1;
	(tag) =	ssettag s2;
	_ =	strace s9  }
0x27: {  	s1 =	sld [smem:$0x3F9B]  }
0x28: {  	s2 =	sld [smem:$0x3F9C]  }
0x29: {  	s4 =	sld [smem:$0x3F9E]  }
0x2a: {  	p0 =	seq.s32 s5, $0x0;
	s5 =	sld [smem:$0x3F9F]  }
0x2b: {  	s6 =	sld [smem:$0x3FA0]  }
0x2c: {  	s7 =	sld [smem:$0x3FA1]  }
0x2d: {  	s3 =	simm.s32 $0x108;
	s8 =	sld [smem:$0x3FA2]  }
0x2e: {  	s3 =	simm.s32 @!p0 $0x1082;
	s9 =	sld [smem:$0x3FA3]  }
0x2f: {  	lr =	sadd.s32 s0, s3;
	s0 =	sld [smem:$0x3F9A]  }
0x30: {  	s3 =	sld [smem:$0x3F9D]  }
0x31: {  	[smem:$0x3FA6] =	sst s10  }
0x32: {  	s10 =	sld [smem:$0x3FA4];
	_ =	sdelay $0x3  }
0x33: {  	p0 =	seq.s32 s10, $0x1;
	s10 =	sld [smem:$0x3FA6];
	_ =	sdelay $0x3  }
0x34: {  	[smem:$0x3FA6] =	sst s10  }
0x35: {  	s10 =	sld [smem:$0x3FA5];
	_ =	sdelay $0x3  }
0x36: {  	p1 =	seq.s32 s10, $0x1;
	s10 =	sld [smem:$0x3FA6];
	_ =	sdelay $0x3  }
0x37: {  	[smem:$0x3FA6] =	sst s10  }
0x38: {  	s10 =	sld [smem:$0x3FA7]  }
0x39: {  	_ = 	snop;
	(pc) =	sbr.ind lr, $3  }
0x3a: {  	_ = 	snop  }
0x3b: {  	_ = 	snop  }
0x3c: {  	p2 =	seq.s32 s10, $0x1;
	s10 =	sld [smem:$0x3FA6]  }
0x3d: {  	_ =	shalt  }
0x3e: {  	_ =	shalt  }
0x3f: {  	_ =	shalt  }
0x40: {  	_ =	shalt  }
0x41: {  	_ =	shalt  }
0x42: {  	_ =	shalt  }
0x43: {  	_ =	shalt  }
0x44: {  	_ =	shalt  }
0x45: {  	_ =	shalt  }
0x46: {  	_ =	shalt  }
0x47: {  	_ =	shalt  }
0x48: {  	_ =	shalt  }
0x49: {  	_ =	shalt  }
0x4a: {  	_ =	shalt  }
0x4b: {  	_ =	shalt  }
0x4c: {  	_ =	shalt  }
0x4d: {  	_ =	shalt  }
0x4e: {  	_ =	shalt  }
0x4f: {  	_ =	shalt  }
0x50: {  	_ =	shalt  }
0x51: {  	_ =	shalt  }
0x52: {  	_ =	shalt  }
0x53: {  	_ =	shalt  }
0x54: {  	_ =	shalt  }
0x55: {  	_ =	shalt  }
0x56: {  	_ =	shalt  }
0x57: {  	_ =	shalt  }
0x58: {  	_ =	shalt  }
0x59: {  	_ =	shalt  }
0x5a: {  	_ =	shalt  }
0x5b: {  	_ =	shalt  }
0x5c: {  	_ =	shalt  }
0x5d: {  	_ =	shalt  }
0x5e: {  	_ =	shalt  }
0x5f: {  	_ =	shalt  }
0x60: {  	_ =	shalt  }
0x61: {  	_ =	shalt  }
0x62: {  	_ =	shalt  }
0x63: {  	_ =	shalt  }
0x64: {  	_ =	shalt  }
0x65: {  	_ =	shalt  }
0x66: {  	_ =	shalt  }
0x67: {  	_ =	shalt  }
0x68: {  	_ =	shalt  }
0x69: {  	_ =	shalt  }
0x6a: {  	_ =	shalt  }
0x6b: {  	_ =	shalt  }
0x6c: {  	_ =	shalt  }
0x6d: {  	_ =	shalt  }
0x6e: {  	_ =	shalt  }
0x6f: {  	_ =	shalt  }
0x70: {  	_ =	shalt  }
0x71: {  	_ =	shalt  }
0x72: {  	_ =	shalt  }
0x73: {  	_ =	shalt  }
0x74: {  	_ =	shalt  }
0x75: {  	_ =	shalt  }
0x76: {  	_ =	shalt  }
0x77: {  	_ =	shalt  }
0x78: {  	_ =	shalt  }
0x79: {  	_ =	shalt  }
0x7a: {  	_ =	shalt  }
0x7b: {  	_ =	shalt  }
0x7c: {  	_ =	shalt  }
0x7d: {  	_ =	shalt  }
0x7e: {  	_ =	shalt  }
0x7f: {  	_ =	shalt  }
0x80: {  	_ =	shalt  }
0x81: {  	_ =	shalt  }
0x82: {  	_ =	shalt  }
0x83: {  	_ =	shalt  }
0x84: {  	_ =	shalt  }
0x85: {  	_ =	shalt  }
0x86: {  	_ =	shalt  }
0x87: {  	_ =	shalt  }
.Lfunc_end0:
.L_simem_size_0:
called_computation_lowered:
.L_overlay_start_0:
0x88: {  	s0 =	sld [smem:$0x3FD9]  }
0x89: {  	s1 =	sld [smem:$0x3FFE];
	_ =	sdelay $0x3  }
0x8a: {  	s0 =	sadd.s32 s1, s0  }
0x8b: {  	[smem:$0x3FB2] =	sst s0  }
0x8c: {  	_ = 	snop  }
0x8d: {  	(tm) =	ssettm $0x1  }
0x8e: {  	s14 =	sld [smem:$0x3FFB];
	_ =	sdelay $0x3  }
0x8f: {  	_ =	strace s14  }
0x90: {  	s0 =	sld [smem:$0x3FFC];
	_ =	sdelay $0x3  }
0x91: {  	_ =	strace s0  }
0x92: {  	s0 =	sld [smem:$0x3FFD];
	_ =	sdelay $0x3  }
0x93: {  	_ =	strace s0  }
0x94: {  	_ =	strace $0x8FFFFFFF  }
0x95: {  	s15 =	sld [smem:$0x3FDB];
	_ =	sdelay $0x1  }
0x96: {  	s16 =	simm.s32 $_scs_section_size  }
0x97: {  	s2 =	simm.s32 $_size__tile_overlayer_lowered;
	s3 =	simm.s32 $_tile_overlayer_lowered  }
0x98: {  	s4 =	simm.s32 $0x1BFF;
	s17 =	sshll.u32 s3, $0x1;
	s1 =	sadd.s32 s16, s15  }
0x99: {  	s18 =	simm.s32 $0x0;
	s2 =	sshll.u32 s2, $0x1;
	s3 =	sadd.s32 s17, s1  }
0x9a: {  	[timem:s18], [sflag:s4] =	dma.local [hbm:s3], s2  }
0x9b: {  	_ =	swait.ge [sflag:s4], s2  }
0x9c: {  	s2 =	ssub.s32 $0x0, s2;
	[sflag:s4] =	ssyncset.done $0x0  }
0x9d: {  	[sflag:s4] =	ssyncadd.s32 s2;
	_ =	sdelay $0x1  }
0x9e: {  	s19 =	simm.s32 $0x1B8B  }
0x9f: {  	_ =	swait.ge [sflag:s19], $0x1  }
0xa0: {  	[sflag:s19] =	ssyncset.done $0x0  }
0xa1: {  	s21 =	simm.s32 $0x1B8E;
	s20 =	sld [smem:$0x3FFE];
	[sflag:s19] =	ssyncadd.s32 $0xFFFFFFFF  }
0xa2: {  	s22 =	simm.s32 $execute0_lowered;
	[smem:$0x3FD2] =	sst s21  }
0xa3: {  	s3 =	sshll.u32 s22, $0x1;
	_ =	strace $0x8000004C;
	[dreg:$0x1] =	wrdreg $0xFFFFFFFF  }
0xa4: {  	s23 =	simm.s32 $_size_execute0_lowered;
	s3 =	sadd.s32 s1, s3;
	[dreg:$0x0] =	wrdreg $0x0  }
0xa5: {  	s4 =	sshll.u32 s23, $0x1;
	[dreg:$0x2] =	wrdreg s3  }
0xa6: {  	[dreg:$0x3] =	wrdreg s4  }
0xa7: {  	[dreg:$0x4] =	wrdreg $0xC0  }
0xa8: {  	s24 =	simm.s32 $execute1_lowered;
	_ =	task [dreg:s18], $0x5FFFF  }
0xa9: {  	s3 =	sshll.u32 s24, $0x1;
	[dreg:$0x1] =	wrdreg $0xFFFFFFFF  }
0xaa: {  	s1 =	sadd.s32 s1, s3;
	[dreg:$0x0] =	wrdreg $0x60  }
0xab: {  	[dreg:$0x2] =	wrdreg s1  }
0xac: {  	[dreg:$0x3] =	wrdreg s20  }
0xad: {  	[dreg:$0x4] =	wrdreg $0x9  }
0xae: {  	_ =	task.clear_ibuf [dreg:s18], $0x5FFFF;
	_ =	strace $0x9000004C  }
0xaf: {  	s25 =	simm.s32 $0x9;
	_ =	strace $0x8000004E  }
0xb0: {  	_ =	swait.ge [sflag:s25], $0x1  }
0xb1: {  	[sflag:s25] =	ssyncadd.s32 $0xFFFFFFFF  }
0xb2: {  	_ =	strace $0x9000004E  }
0xb3: {  	_ =	strace $0x8000004F;
	[dreg:$0x1] =	wrdreg $0xFFFFFFFF  }
0xb4: {  	[dreg:$0x0] =	wrdreg $0x2030  }
0xb5: {  	[dreg:$0x2] =	wrdreg s20  }
0xb6: {  	[dreg:$0x3] =	wrdreg $0xA  }
0xb7: {  	_ =	task.clear_ibuf [dreg:s18], $0x4FFFF;
	_ =	strace $0x9000004F  }
0xb8: {  	s26 =	simm.s32 $0xA;
	_ =	strace $0x80000051  }
0xb9: {  	_ =	swait.ge [sflag:s26], $0x1  }
0xba: {  	[sflag:s26] =	ssyncadd.s32 $0xFFFFFFFF  }
0xbb: {  	_ =	strace $0x90000051  }
0xbc: {  	_ =	sfence  }
0xbd: {  	s28 =	sld [smem:$0x0];
	_ =	sdelay $0x1  }
0xbe: {  	s29 =	srdreg.scid  }
0xbf: {  	s30 =	sshll.u32 s29, $0xD;
	s31 =	sshrl.u32 s29, $0x2  }
0xc0: {  	s2 =	sand.u32 $0x1, s29;
	s3 =	sand.u32 $0x4000, s30;
	s1 =	sadd.s32 s31, s28  }
0xc1: {  	s2 =	sor.u32 s3, s2;
	s1 =	sshll.u32 s1, $0x11  }
0xc2: {  	s1 =	sor.u32 s1, s2  }
0xc3: {  	s1 =	sadd.s32 $0x8F2B, s1  }
0xc4: {  	[sflag:s1] =	ssyncadd.remote.s32 $0x1  }
0xc5: {  	_ =	sfence.sel $0xFFFF  }
0xc6: {  	[dreg:$0x0] =	wrdreg $0xFFFFFFFF;
	(pc) =	sbr.abs _section_cstart, $3  }
0xc7: {  	[dreg:$0x1] =	wrdreg $0xFFFFFFFF  }
0xc8: {  	_ =	task.clear_ibuf [dreg:s18], $0x2FFFF;
	_ =	strace $0x9FFFFFFF  }
0xc9: {  	(tm) =	ssettm $0x7FFFFFFF  }
tec
execute0_lowered:
.L_overlay_start_1:
0x0: {  	(tag) =	ssettag $0x1  }
0x1: {  	s2 =	rddreg [dreg:$0x0]  }
0x2: {  	s5 =	rddreg [dreg:$0x1]  }
0x3: {  	s0 =	rddreg [dreg:$0x2];
	s3 =	stileid.u32  }
0x4: {  	[bflag:$0x3] =	sbarrier.arrive $0xFFFF;
	s1 =	simm.s32 $_size_execute1_lowered;
	s31 =	simm.s32 $0x2  }
0x5: {  	s13 =	simm.s32 $0x0;
	s8 =	simm.s32 $0x20;
	s9 =	simm.s32 $0x80  }
0x6: {  	s11 =	simm.s32 $0x0;
	s12 =	simm.s32 $0x0;
	p0 =	sne.s32 s3, $0x0  }
0x7: {  	s1 =	sshll.u32 s1, $0x1;
	s3 =	sshll.u32 s3, $0x9;
	s4 =	simm.s32 @!p0 $0x1C3F  }
.Ltmp0:
0x8: {  	s6 =	simm.s32 @!p0 $0x4060;
	s7 =	ssub.s32 $0xC200, s3;
	(pc) =	sbr.rel .LBB2_1-.Ltmp0, $4  }
0x9: {  	[timem:s6], [sflag:s4] =	dma.local @!p0 [hbm:s2], s1  }
0xa: {  	s10 =	smov.u32 s3;
	s4 =	simm.s32 $0x1;
	_ =	strace $0x8000004D  }
0xb: {  	s2 =	sadd.s32 $0xDD2400, s5;
	s6 =	sshrl.u32 s7, $0xD;
	[sflag:s4] =	ssyncpa.u1 $0x0  }
0xc: {  	s5 =	sadd.s32 $0xE95A00, s5;
	s7 =	sadd.s32 $0x2, s6;
	[sflag:s31] =	ssyncpa.u1 $0x0  }
.LBB2_5:
0xd: {  	_ =	sdelay $0x3  }
0xe: {  	[tilespmem:v1+s16+$0x0 ss:$0x1] =	vst.idx.msk $0xffff, v2  }
.LBB2_6:
0xf: {  	s16 =	sand.u32 $0x1FFFFFF, s11  }
0x10: {  	s17 =	smulhi.u32 $0x14F8B59, s16;
	_ =	sdelay $0x1  }
0x11: {  	s17 =	sshrl.u32 s17, $0x8  }
0x12: {  	s17 =	smul.u32 $0xC350, s17;
	_ =	sdelay $0x1  }
0x13: {  	s16 =	ssub.s32 s16, s17  }
0x14: {  	s16 =	sshll.u32 s16, $0x4  }
0x15: {  	s16 =	sadd.s32 s5, s16  }
0x16: {  	[hbm4b:s16+s8] =	stream.strided.scatter [tilespmem:s15], [sflag:$0x2], s14, s9, s8, $0x38;
	[tilespmem:$0x10000] =	vst v63  }
.LBB2_7:
0x17: {  	p1 =	slt.u32 s12, $0x2  }
0x18: {  	p2 =	sgt.s32 @!p1 s13, $0xC150  }
0x19: {  	s14 =	smov.u32 s13;
	s15 =	sshra.s32 @!p1 s13, $0x1F;
	p2 =	por !p2, p1  }
0x1a: {  	s13 =	sand.u32 @!p1 s15, s13;
	s14 =	simm.s32 @p2 $0xC150  }
0x1b: {  	s13 =	ssub.s32 @!p1 s14, s13  }
0x1c: {  	s13 =	sadd.s32 @!p1 $0xFFFF3EB0, s13  }
0x1d: {  	s14 =	sshll.u32 @!p1 s13, $0x7  }
0x1e: {  	p2 =	sgt.s32 @!p1 s13, $0x1FF;
	s13 =	ssub.s32 @!p1 $0x10000, s14  }
0x1f: {  	s15 =	sadd.s32 $0x2000, s10;
	p2 =	por !p2, p1;
	s13 =	sshrl.u32 @!p1 s13, $0x2  }
0x20: {  	s13 =	simm.s32 @!p2 $0x0;
	p2 =	sgt.s32 s15, $0xC34F  }
0x21: {  	s15 =	smov.u32 @p2 s3;
	p2 =	sne.s32 s12, s7  }
.Ltmp1:
0x22: {  	_ = 	snop;
	(pc) =	sbr.rel @!p2 .LBB2_8-.Ltmp1, $4  }
0x23: {  	s14 =	simm.s32 @!p1 $0x2  }
0x24: {  	_ =	swait.ge @!p1 [sflag:s14], s13;
	s16 =	ssub.s32 @!p1 $0x0, s13  }
0x25: {  	s13 =	smov.u32 s11;
	s12 =	sadd.s32 $0x1, s12;
	[sflag:s14] =	ssyncset.done @!p1 $0x0  }
0x26: {  	s11 =	smov.u32 s10;
	s10 =	smov.u32 s15;
	[sflag:s14] =	ssyncadd.s32 @!p1 s16  }
.LBB2_1:
0x27: {  	p1 =	sgt.u32 s12, s6  }
0x28: {  	s15 =	smov.u32 s10;
	p2 =	sgt.s32 @!p1 s10, $0xC150  }
0x29: {  	s14 =	sand.u32 @!p1 $0x1FFFFFF, s10;
	s16 =	sshra.s32 @!p1 s10, $0x1F;
	p2 =	por !p2, p1  }
0x2a: {  	s17 =	smulhi.u32 @!p1 $0x14F8B59, s14;
	s16 =	sand.u32 @!p1 s16, s10;
	s15 =	simm.s32 @p2 $0xC150  }
0x2b: {  	s15 =	ssub.s32 @!p1 s15, s16  }
0x2c: {  	s16 =	sshrl.u32 @!p1 s17, $0x8;
	s15 =	sadd.s32 @!p1 $0xFFFF3EB0, s15  }
0x2d: {  	s17 =	sxor.u32 @!p1 $0xFFFFFFFF, s12;
	s16 =	smul.u32 @!p1 $0xC350, s16;
	s18 =	sshll.u32 @!p1 s15, $0x7  }
0x2e: {  	s17 =	sshll.u32 @!p1 s17, $0xE;
	p2 =	sgt.s32 @!p1 s15, $0x1FF;
	s15 =	ssub.s32 @!p1 $0x10000, s18  }
0x2f: {  	s14 =	ssub.s32 @!p1 s14, s16;
	p2 =	por !p2, p1;
	s16 =	sand.u32 @!p1 $0x4000, s17  }
0x30: {  	s17 =	simm.s32 @!p1 $0x20;
	s15 =	sshrl.u32 @!p1 s15, $0x2;
	s14 =	sshll.u32 @!p1 s14, $0x4  }
0x31: {  	s18 =	simm.s32 @!p1 $0x80;
	s15 =	simm.s32 @!p2 $0x0;
	s14 =	sadd.s32 @!p1 s2, s14  }
0x32: {  	[tilespmem:s16], [sflag:$0x1] =	stream.strided.gather @!p1 [hbm4b:s14+s17], s15, s18, s17, $0x38;
	[tilespmem:$0x10000] =	vst v63  }
0x33: {  	p1 =	seq.s32 s12, $0x0  }
0x34: {  	p2 =	sge.u32 @!p1 s12, s7  }
0x35: {  	p1 =	por p1, p2  }
.Ltmp2:
0x36: {  	_ = 	snop;
	(pc) =	sbr.rel @p1 .LBB2_7-.Ltmp2, $1  }
0x37: {  	_ =	sdelay $0x3  }
0x38: {  	p1 =	sgt.s32 s11, $0xC150;
	s14 =	smov.u32 s11;
	s15 =	sshra.s32 s11, $0x1F  }
0x39: {  	s14 =	simm.s32 @!p1 $0xC150;
	s15 =	sand.u32 s15, s11  }
0x3a: {  	s14 =	ssub.s32 s14, s15  }
0x3b: {  	s14 =	sadd.s32 $0xFFFF3EB0, s14  }
0x3c: {  	s31 =	sshll.u32 s14, $0x7  }
0x3d: {  	s15 =	ssub.s32 $0x10000, s31  }
0x3e: {  	p1 =	sgt.s32 s14, $0x1FF;
	s14 =	sshrl.u32 s15, $0x2;
	s15 =	sadd.s32 $0x200, s11  }
0x3f: {  	s14 =	simm.s32 @p1 $0x0;
	p1 =	slt.s32 s15, $0xC350  }
0x40: {  	s15 =	simm.s32 @!p1 $0xC350  }
0x41: {  	s17 =	ssub.s32 s15, s11  }
0x42: {  	p1 =	slt.s32 s17, $0x1  }
.Ltmp3:
0x43: {  	_ = 	snop;
	(pc) =	sbr.rel @p1 .LBB2_6-.Ltmp3, $4  }
0x44: {  	_ = 	snop  }
0x45: {  	s16 =	sshll.u32 s12, $0xE;
	_ =	swait.ge [sflag:s4], s14  }
0x46: {  	s16 =	sand.u32 $0x4000, s16;
	s18 =	ssub.s32 $0x0, s14;
	[sflag:s4] =	ssyncset.done $0x0  }
0x47: {  	s15 =	sor.u32 $0x8000, s16;
	[sflag:s4] =	ssyncadd.s32 s18  }
0x48: {  	v0 =	vmov s16;
	_ =	sdelay $0x2  }
0x49: {  	s31 =	simm.s32 $0x0;
	p1 =	sne.s32 s17, $0x1  }
.Ltmp4:
0x4a: {  	s16 =	sand.u32 $0x3FE0, s31;
	(pc) =	sbr.rel @!p1 .LBB2_5-.Ltmp4, $2  }
0x4b: {  	v1 =	vmov s15;
	v2 =	vld.idx.msk [tilespmem:v0+s16+$0x0 ss:$0x1], $0xffff;
	_ =	sdelay $0x2  }
0x4c: {  	s17 =	sadd.s32 $0xFFFFFFFF, s17;
	s18 =	simm.s32 $0x20  }
.LBB2_4:
0x4d: {  	s19 =	sand.u32 $0x3FE0, s18;
	p1 =	sne.s32 s17, $0x1;
	s17 =	sadd.s32 $0xFFFFFFFF, s17  }
.Ltmp5:
0x4e: {  	[tilespmem:v1+s16+$0x0 ss:$0x1] =	vst.idx.msk $0xffff, v2;
	v2 =	vld.idx.msk [tilespmem:v0+s19+$0x0 ss:$0x1], $0xffff;
	s16 =	smov.u32 s19;
	(pc) =	sbr.rel @p1 .LBB2_4-.Ltmp5, $2  }
0x4f: {  	_ =	sdelay $0x2  }
0x50: {  	s18 =	sadd.s32 $0x20, s18  }
.Ltmp6:
0x51: {  	_ = 	snop;
	(pc) =	sbr.rel .LBB2_5-.Ltmp6, $1  }
0x52: {  	_ =	sdelay $0x3  }
.LBB2_8:
0x53: {  	_ =	sfence.sel $0x180000  }
0x54: {  	s2 =	simm.s32 $0x1;
	[bflag:$0x0] =	sbarrier.arrive $0xFFFF  }
0x55: {  	s31 =	simm.s32 $0x2;
	[sflag:s2] =	ssyncpa.u1 $0x1  }
0x56: {  	[sflag:s31] =	ssyncpa.u1 $0x1  }
0x57: {  	_ =	strace $0x9000004D  }
0x58: {  	s0 =	sadd.s32 @!p0 $0x100000, s0;
	[bflag:$0x2] =	sbarrier.arrive $0xFFFF  }
0x59: {  	[sflag:s0] =	ssyncadd.tile.s32 @!p0 $0x1;
	s0 =	simm.s32 @!p0 $0x3F  }
0x5a: {  	_ =	swait.ge @!p0 [sflag:s0], s1  }
0x5b: {  	s1 =	ssub.s32 @!p0 $0x0, s1;
	[sflag:s0] =	ssyncset.done @!p0 $0x0  }
0x5c: {  	[sflag:s0] =	ssyncadd.s32 @!p0 s1  }
0x5d: {  	[bflag:$0x3] =	sbarrier.arrive $0xFFFF  }
0x5e: {  	_ =	shalt  }
.Lfunc_end2:
execute1_lowered:
.L_overlay_start_2:
0x5f: {  	(tag) =	ssettag $0x2  }
0x60: {  	s8 =	rddreg [dreg:$0x0];
	_ =	strace $0x80000050;
	s11 =	simm.s32 $0x1  }
0x61: {  	v0 =	vimm.s32 $0x0;
	[sflag:s11] =	ssyncpa.u1 $0x0  }
0x62: {  	[tilespmem:$0x28] =	vst v0  }
0x63: {  	[tilespmem:$0x38] =	vst v0  }
0x64: {  	[tilespmem:$0x48] =	vst v0  }
0x65: {  	[tilespmem:$0x58] =	vst v0  }
0x66: {  	[tilespmem:$0x68] =	vst v0  }
0x67: {  	[tilespmem:$0x78] =	vst v0  }
0x68: {  	[tilespmem:$0x88] =	vst v0  }
0x69: {  	[tilespmem:$0x98] =	vst v0  }
0x6a: {  	[tilespmem:$0xA8] =	vst v0  }
0x6b: {  	[tilespmem:$0xB8] =	vst v0  }
0x6c: {  	[tilespmem:$0xC8] =	vst v0  }
0x6d: {  	[tilespmem:$0xD8] =	vst v0  }
0x6e: {  	[tilespmem:$0xE8] =	vst v0  }
0x6f: {  	[tilespmem:$0xF8] =	vst v0  }
0x70: {  	[tilespmem:$0x108] =	vst v0  }
0x71: {  	[tilespmem:$0x118] =	vst v0  }
0x72: {  	[tilespmem:$0x128] =	vst v0  }
0x73: {  	[tilespmem:$0x138] =	vst v0  }
0x74: {  	[tilespmem:$0x148] =	vst v0  }
0x75: {  	[tilespmem:$0x158] =	vst v0  }
0x76: {  	[tilespmem:$0x168] =	vst v0  }
0x77: {  	[tilespmem:$0x178] =	vst v0  }
0x78: {  	[tilespmem:$0x188] =	vst v0  }
0x79: {  	[tilespmem:$0x198] =	vst v0  }
0x7a: {  	[tilespmem:$0x1A8] =	vst v0  }
0x7b: {  	[tilespmem:$0x1B8] =	vst v0  }
0x7c: {  	[tilespmem:$0x1C8] =	vst v0  }
0x7d: {  	[tilespmem:$0x1D8] =	vst v0  }
0x7e: {  	[tilespmem:$0x1E8] =	vst v0  }
0x7f: {  	[tilespmem:$0x1F8] =	vst v0  }
0x80: {  	[tilespmem:$0x208] =	vst v0  }
0x81: {  	[tilespmem:$0x218] =	vst v0  }
0x82: {  	[tilespmem:$0x228] =	vst v0  }
0x83: {  	[tilespmem:$0x238] =	vst v0  }
0x84: {  	[tilespmem:$0x248] =	vst v0  }
0x85: {  	[tilespmem:$0x258] =	vst v0  }
0x86: {  	[tilespmem:$0x268] =	vst v0  }
0x87: {  	[tilespmem:$0x278] =	vst v0  }
0x88: {  	[tilespmem:$0x288] =	vst v0  }
0x89: {  	[tilespmem:$0x298] =	vst v0  }
0x8a: {  	[tilespmem:$0x2A8] =	vst v0  }
0x8b: {  	[tilespmem:$0x2B8] =	vst v0  }
0x8c: {  	[tilespmem:$0x2C8] =	vst v0  }
0x8d: {  	[tilespmem:$0x2D8] =	vst v0  }
0x8e: {  	[tilespmem:$0x2E8] =	vst v0  }
0x8f: {  	[tilespmem:$0x2F8] =	vst v0  }
0x90: {  	[tilespmem:$0x308] =	vst v0  }
0x91: {  	[tilespmem:$0x318] =	vst v0  }
0x92: {  	[tilespmem:$0x328] =	vst v0  }
0x93: {  	[tilespmem:$0x338] =	vst v0  }
0x94: {  	[tilespmem:$0x348] =	vst v0  }
0x95: {  	[tilespmem:$0x358] =	vst v0  }
0x96: {  	[tilespmem:$0x368] =	vst v0  }
0x97: {  	[tilespmem:$0x378] =	vst v0  }
0x98: {  	[tilespmem:$0x388] =	vst v0  }
0x99: {  	[tilespmem:$0x398] =	vst v0  }
0x9a: {  	[tilespmem:$0x3A8] =	vst v0  }
0x9b: {  	[tilespmem:$0x3B8] =	vst v0  }
0x9c: {  	[tilespmem:$0x3C8] =	vst v0  }
0x9d: {  	[tilespmem:$0x3D8] =	vst v0  }
0x9e: {  	[tilespmem:$0x3E8] =	vst v0  }
0x9f: {  	[tilespmem:$0x3F8] =	vst v0  }
0xa0: {  	[tilespmem:$0x408] =	vst v0  }
0xa1: {  	[tilespmem:$0x418] =	vst v0  }
0xa2: {  	[tilespmem:$0x428] =	vst v0  }
0xa3: {  	[tilespmem:$0x438] =	vst v0  }
0xa4: {  	[tilespmem:$0x448] =	vst v0  }
0xa5: {  	[tilespmem:$0x458] =	vst v0  }
0xa6: {  	[tilespmem:$0x468] =	vst v0  }
0xa7: {  	[tilespmem:$0x478] =	vst v0  }
0xa8: {  	[tilespmem:$0x488] =	vst v0  }
0xa9: {  	[tilespmem:$0x498] =	vst v0  }
0xaa: {  	[tilespmem:$0x4A8] =	vst v0  }
0xab: {  	[tilespmem:$0x4B8] =	vst v0  }
0xac: {  	[tilespmem:$0x4C8] =	vst v0  }
0xad: {  	[tilespmem:$0x4D8] =	vst v0  }
0xae: {  	[tilespmem:$0x4E8] =	vst v0  }
0xaf: {  	[tilespmem:$0x4F8] =	vst v0  }
0xb0: {  	[tilespmem:$0x508] =	vst v0  }
0xb1: {  	[tilespmem:$0x518] =	vst v0  }
0xb2: {  	[tilespmem:$0x528] =	vst v0  }
0xb3: {  	[tilespmem:$0x538] =	vst v0  }
0xb4: {  	[tilespmem:$0x548] =	vst v0  }
0xb5: {  	[tilespmem:$0x558] =	vst v0  }
0xb6: {  	[tilespmem:$0x568] =	vst v0  }
0xb7: {  	[tilespmem:$0x578] =	vst v0  }
0xb8: {  	[tilespmem:$0x588] =	vst v0  }
0xb9: {  	[tilespmem:$0x598] =	vst v0  }
0xba: {  	[tilespmem:$0x5A8] =	vst v0  }
0xbb: {  	[tilespmem:$0x5B8] =	vst v0  }
0xbc: {  	[tilespmem:$0x5C8] =	vst v0  }
0xbd: {  	[tilespmem:$0x5D8] =	vst v0  }
0xbe: {  	[tilespmem:$0x5E8] =	vst v0  }
0xbf: {  	[tilespmem:$0x5F8] =	vst v0  }
0xc0: {  	[tilespmem:$0x608] =	vst v0  }
0xc1: {  	[tilespmem:$0x618] =	vst v0  }
0xc2: {  	[tilespmem:$0x628] =	vst v0  }
0xc3: {  	[tilespmem:$0x638] =	vst v0  }
0xc4: {  	[tilespmem:$0x648] =	vst v0  }
0xc5: {  	[tilespmem:$0x658] =	vst v0  }
0xc6: {  	[tilespmem:$0x668] =	vst v0  }
0xc7: {  	[tilespmem:$0x678] =	vst v0  }
0xc8: {  	[tilespmem:$0x688] =	vst v0  }
0xc9: {  	[tilespmem:$0x698] =	vst v0  }
0xca: {  	[tilespmem:$0x6A8] =	vst v0  }
0xcb: {  	[tilespmem:$0x6B8] =	vst v0  }
0xcc: {  	[tilespmem:$0x6C8] =	vst v0  }
0xcd: {  	[tilespmem:$0x6D8] =	vst v0  }
0xce: {  	[tilespmem:$0x6E8] =	vst v0  }
0xcf: {  	[tilespmem:$0x6F8] =	vst v0  }
0xd0: {  	[tilespmem:$0x708] =	vst v0  }
0xd1: {  	[tilespmem:$0x718] =	vst v0  }
0xd2: {  	[tilespmem:$0x728] =	vst v0  }
0xd3: {  	[tilespmem:$0x738] =	vst v0  }
0xd4: {  	[tilespmem:$0x748] =	vst v0  }
0xd5: {  	[tilespmem:$0x758] =	vst v0  }
0xd6: {  	[tilespmem:$0x768] =	vst v0  }
0xd7: {  	[tilespmem:$0x778] =	vst v0  }
0xd8: {  	[tilespmem:$0x788] =	vst v0  }
0xd9: {  	[tilespmem:$0x798] =	vst v0  }
0xda: {  	[tilespmem:$0x7A8] =	vst v0  }
0xdb: {  	[tilespmem:$0x7B8] =	vst v0  }
0xdc: {  	[tilespmem:$0x7C8] =	vst v0  }
0xdd: {  	[tilespmem:$0x7D8] =	vst v0  }
0xde: {  	[tilespmem:$0x7E8] =	vst v0  }
0xdf: {  	[tilespmem:$0x7F8] =	vst v0  }
0xe0: {  	[tilespmem:$0x808] =	vst v0  }
0xe1: {  	[tilespmem:$0x818] =	vst v0  }
0xe2: {  	[tilespmem:$0x828] =	vst v0  }
0xe3: {  	[tilespmem:$0x838] =	vst v0  }
0xe4: {  	[tilespmem:$0x848] =	vst v0  }
0xe5: {  	[tilespmem:$0x858] =	vst v0  }
0xe6: {  	[tilespmem:$0x868] =	vst v0  }
0xe7: {  	[tilespmem:$0x878] =	vst v0  }
0xe8: {  	[tilespmem:$0x888] =	vst v0  }
0xe9: {  	[tilespmem:$0x898] =	vst v0  }
0xea: {  	[tilespmem:$0x8A8] =	vst v0  }
0xeb: {  	[tilespmem:$0x8B8] =	vst v0  }
0xec: {  	[tilespmem:$0x8C8] =	vst v0  }
0xed: {  	[tilespmem:$0x8D8] =	vst v0  }
0xee: {  	[tilespmem:$0x8E8] =	vst v0  }
0xef: {  	[tilespmem:$0x8F8] =	vst v0  }
0xf0: {  	[tilespmem:$0x908] =	vst v0  }
0xf1: {  	[tilespmem:$0x918] =	vst v0  }
0xf2: {  	[tilespmem:$0x928] =	vst v0  }
0xf3: {  	[tilespmem:$0x938] =	vst v0  }
0xf4: {  	[tilespmem:$0x948] =	vst v0  }
0xf5: {  	[tilespmem:$0x958] =	vst v0  }
0xf6: {  	[tilespmem:$0x968] =	vst v0  }
0xf7: {  	[tilespmem:$0x978] =	vst v0  }
0xf8: {  	[tilespmem:$0x988] =	vst v0  }
0xf9: {  	[tilespmem:$0x998] =	vst v0  }
0xfa: {  	[tilespmem:$0x9A8] =	vst v0  }
0xfb: {  	[tilespmem:$0x9B8] =	vst v0  }
0xfc: {  	[tilespmem:$0x9C8] =	vst v0  }
0xfd: {  	[tilespmem:$0x9D8] =	vst v0  }
0xfe: {  	[tilespmem:$0x9E8] =	vst v0  }
0xff: {  	[tilespmem:$0x9F8] =	vst v0  }
0x100: {  	[tilespmem:$0xA08] =	vst v0  }
0x101: {  	[tilespmem:$0xA18] =	vst v0  }
0x102: {  	[tilespmem:$0xA28] =	vst v0  }
0x103: {  	[tilespmem:$0xA38] =	vst v0  }
0x104: {  	[tilespmem:$0xA48] =	vst v0  }
0x105: {  	[tilespmem:$0xA58] =	vst v0  }
0x106: {  	[tilespmem:$0xA68] =	vst v0  }
0x107: {  	[tilespmem:$0xA78] =	vst v0  }
0x108: {  	[tilespmem:$0xA88] =	vst v0  }
0x109: {  	[tilespmem:$0xA98] =	vst v0  }
0x10a: {  	[tilespmem:$0xAA8] =	vst v0  }
0x10b: {  	[tilespmem:$0xAB8] =	vst v0  }
0x10c: {  	[tilespmem:$0xAC8] =	vst v0  }
0x10d: {  	[tilespmem:$0xAD8] =	vst v0  }
0x10e: {  	[tilespmem:$0xAE8] =	vst v0  }
0x10f: {  	[tilespmem:$0xAF8] =	vst v0  }
0x110: {  	[tilespmem:$0xB08] =	vst v0  }
0x111: {  	[tilespmem:$0xB18] =	vst v0  }
0x112: {  	[tilespmem:$0xB28] =	vst v0  }
0x113: {  	[tilespmem:$0xB38] =	vst v0  }
0x114: {  	[tilespmem:$0xB48] =	vst v0  }
0x115: {  	[tilespmem:$0xB58] =	vst v0  }
0x116: {  	[tilespmem:$0xB68] =	vst v0  }
0x117: {  	[tilespmem:$0xB78] =	vst v0  }
0x118: {  	[tilespmem:$0xB88] =	vst v0  }
0x119: {  	[tilespmem:$0xB98] =	vst v0  }
0x11a: {  	[tilespmem:$0xBA8] =	vst v0  }
0x11b: {  	[tilespmem:$0xBB8] =	vst v0  }
0x11c: {  	[tilespmem:$0xBC8] =	vst v0  }
0x11d: {  	[tilespmem:$0xBD8] =	vst v0  }
0x11e: {  	[tilespmem:$0xBE8] =	vst v0  }
0x11f: {  	[tilespmem:$0xBF8] =	vst v0  }
0x120: {  	[tilespmem:$0xC08] =	vst v0  }
0x121: {  	[tilespmem:$0xC18] =	vst v0  }
0x122: {  	[tilespmem:$0xC28] =	vst v0  }
0x123: {  	[tilespmem:$0xC38] =	vst v0  }
0x124: {  	[tilespmem:$0xC48] =	vst v0  }
0x125: {  	[tilespmem:$0xC58] =	vst v0  }
0x126: {  	[tilespmem:$0xC68] =	vst v0  }
0x127: {  	[tilespmem:$0xC78] =	vst v0  }
0x128: {  	[tilespmem:$0xC88] =	vst v0  }
0x129: {  	[tilespmem:$0xC98] =	vst v0  }
0x12a: {  	[tilespmem:$0xCA8] =	vst v0  }
0x12b: {  	[tilespmem:$0xCB8] =	vst v0  }
0x12c: {  	[tilespmem:$0xCC8] =	vst v0  }
0x12d: {  	[tilespmem:$0xCD8] =	vst v0  }
0x12e: {  	[tilespmem:$0xCE8] =	vst v0  }
0x12f: {  	[tilespmem:$0xCF8] =	vst v0  }
0x130: {  	[tilespmem:$0xD08] =	vst v0  }
0x131: {  	[tilespmem:$0xD18] =	vst v0  }
0x132: {  	[tilespmem:$0xD28] =	vst v0  }
0x133: {  	[tilespmem:$0xD38] =	vst v0  }
0x134: {  	[tilespmem:$0xD48] =	vst v0  }
0x135: {  	[tilespmem:$0xD58] =	vst v0  }
0x136: {  	[tilespmem:$0xD68] =	vst v0  }
0x137: {  	[tilespmem:$0xD78] =	vst v0  }
0x138: {  	[tilespmem:$0xD88] =	vst v0  }
0x139: {  	[tilespmem:$0xD98] =	vst v0  }
0x13a: {  	[tilespmem:$0xDA8] =	vst v0  }
0x13b: {  	[tilespmem:$0xDB8] =	vst v0  }
0x13c: {  	[tilespmem:$0xDC8] =	vst v0  }
0x13d: {  	[tilespmem:$0xDD8] =	vst v0  }
0x13e: {  	[tilespmem:$0xDE8] =	vst v0  }
0x13f: {  	[tilespmem:$0xDF8] =	vst v0  }
0x140: {  	[tilespmem:$0xE08] =	vst v0  }
0x141: {  	[tilespmem:$0xE18] =	vst v0  }
0x142: {  	[tilespmem:$0xE28] =	vst v0  }
0x143: {  	[tilespmem:$0xE38] =	vst v0  }
0x144: {  	[tilespmem:$0xE48] =	vst v0  }
0x145: {  	[tilespmem:$0xE58] =	vst v0  }
0x146: {  	[tilespmem:$0xE68] =	vst v0  }
0x147: {  	[tilespmem:$0xE78] =	vst v0  }
0x148: {  	[tilespmem:$0xE88] =	vst v0  }
0x149: {  	[tilespmem:$0xE98] =	vst v0  }
0x14a: {  	[tilespmem:$0xEA8] =	vst v0  }
0x14b: {  	[tilespmem:$0xEB8] =	vst v0  }
0x14c: {  	[tilespmem:$0xEC8] =	vst v0  }
0x14d: {  	[tilespmem:$0xED8] =	vst v0  }
0x14e: {  	[tilespmem:$0xEE8] =	vst v0  }
0x14f: {  	[tilespmem:$0xEF8] =	vst v0  }
0x150: {  	[tilespmem:$0xF08] =	vst v0  }
0x151: {  	[tilespmem:$0xF18] =	vst v0  }
0x152: {  	[tilespmem:$0xF28] =	vst v0  }
0x153: {  	[tilespmem:$0xF38] =	vst v0  }
0x154: {  	[tilespmem:$0xF48] =	vst v0  }
0x155: {  	[tilespmem:$0xF58] =	vst v0  }
0x156: {  	[tilespmem:$0xF68] =	vst v0  }
0x157: {  	[tilespmem:$0xF78] =	vst v0  }
0x158: {  	[tilespmem:$0xF88] =	vst v0  }
0x159: {  	[tilespmem:$0xF98] =	vst v0  }
0x15a: {  	[tilespmem:$0xFA8] =	vst v0  }
0x15b: {  	[tilespmem:$0xFB8] =	vst v0  }
0x15c: {  	[tilespmem:$0xFC8] =	vst v0  }
0x15d: {  	[tilespmem:$0xFD8] =	vst v0  }
0x15e: {  	[tilespmem:$0xFE8] =	vst v0  }
0x15f: {  	[tilespmem:$0xFF8] =	vst v0  }
0x160: {  	[tilespmem:$0x1018] =	vst v0  }
0x161: {  	[tilespmem:$0x1098] =	vst v0  }
0x162: {  	[tilespmem:$0x1B28] =	vst v0  }
0x163: {  	[tilespmem:$0x1B18] =	vst v0  }
0x164: {  	[tilespmem:$0x1B08] =	vst v0  }
0x165: {  	[tilespmem:$0x1AF8] =	vst v0  }
0x166: {  	[tilespmem:$0x1AE8] =	vst v0  }
0x167: {  	[tilespmem:$0x1AD8] =	vst v0  }
0x168: {  	[tilespmem:$0x1AC8] =	vst v0  }
0x169: {  	[tilespmem:$0x1AB8] =	vst v0  }
0x16a: {  	[tilespmem:$0x1AA8] =	vst v0  }
0x16b: {  	[tilespmem:$0x1A98] =	vst v0  }
0x16c: {  	[tilespmem:$0x1A88] =	vst v0  }
0x16d: {  	[tilespmem:$0x1A78] =	vst v0  }
0x16e: {  	[tilespmem:$0x1A68] =	vst v0  }
0x16f: {  	[tilespmem:$0x1A58] =	vst v0  }
0x170: {  	[tilespmem:$0x1A48] =	vst v0  }
0x171: {  	[tilespmem:$0x1A38] =	vst v0  }
0x172: {  	[tilespmem:$0x1A28] =	vst v0  }
0x173: {  	[tilespmem:$0x1A18] =	vst v0  }
0x174: {  	[tilespmem:$0x1A08] =	vst v0  }
0x175: {  	[tilespmem:$0x19F8] =	vst v0  }
0x176: {  	[tilespmem:$0x19E8] =	vst v0  }
0x177: {  	[tilespmem:$0x19D8] =	vst v0  }
0x178: {  	[tilespmem:$0x19C8] =	vst v0  }
0x179: {  	[tilespmem:$0x19B8] =	vst v0  }
0x17a: {  	[tilespmem:$0x19A8] =	vst v0  }
0x17b: {  	[tilespmem:$0x1998] =	vst v0  }
0x17c: {  	[tilespmem:$0x1988] =	vst v0  }
0x17d: {  	[tilespmem:$0x1978] =	vst v0  }
0x17e: {  	[tilespmem:$0x1968] =	vst v0  }
0x17f: {  	[tilespmem:$0x1958] =	vst v0  }
0x180: {  	[tilespmem:$0x1948] =	vst v0  }
0x181: {  	[tilespmem:$0x1938] =	vst v0  }
0x182: {  	[tilespmem:$0x1928] =	vst v0  }
0x183: {  	[tilespmem:$0x1918] =	vst v0  }
0x184: {  	[tilespmem:$0x1908] =	vst v0  }
0x185: {  	[tilespmem:$0x18F8] =	vst v0  }
0x186: {  	[tilespmem:$0x18E8] =	vst v0  }
0x187: {  	[tilespmem:$0x18D8] =	vst v0  }
0x188: {  	[tilespmem:$0x18C8] =	vst v0  }
0x189: {  	[tilespmem:$0x18B8] =	vst v0  }
0x18a: {  	[tilespmem:$0x18A8] =	vst v0  }
0x18b: {  	[tilespmem:$0x1898] =	vst v0  }
0x18c: {  	[tilespmem:$0x1888] =	vst v0  }
0x18d: {  	[tilespmem:$0x1878] =	vst v0  }
0x18e: {  	[tilespmem:$0x1868] =	vst v0  }
0x18f: {  	[tilespmem:$0x1858] =	vst v0  }
0x190: {  	[tilespmem:$0x1848] =	vst v0  }
0x191: {  	[tilespmem:$0x1838] =	vst v0  }
0x192: {  	[tilespmem:$0x1828] =	vst v0  }
0x193: {  	[tilespmem:$0x1818] =	vst v0  }
0x194: {  	[tilespmem:$0x1808] =	vst v0  }
0x195: {  	[tilespmem:$0x17F8] =	vst v0  }
0x196: {  	[tilespmem:$0x17E8] =	vst v0  }
0x197: {  	[tilespmem:$0x17D8] =	vst v0  }
0x198: {  	[tilespmem:$0x17C8] =	vst v0  }
0x199: {  	[tilespmem:$0x17B8] =	vst v0  }
0x19a: {  	[tilespmem:$0x17A8] =	vst v0  }
0x19b: {  	[tilespmem:$0x1798] =	vst v0  }
0x19c: {  	[tilespmem:$0x1788] =	vst v0  }
0x19d: {  	[tilespmem:$0x1778] =	vst v0  }
0x19e: {  	[tilespmem:$0x1768] =	vst v0  }
0x19f: {  	[tilespmem:$0x1758] =	vst v0  }
0x1a0: {  	[tilespmem:$0x1748] =	vst v0  }
0x1a1: {  	[tilespmem:$0x1738] =	vst v0  }
0x1a2: {  	[tilespmem:$0x1728] =	vst v0  }
0x1a3: {  	[tilespmem:$0x1718] =	vst v0  }
0x1a4: {  	[tilespmem:$0x1708] =	vst v0  }
0x1a5: {  	[tilespmem:$0x16F8] =	vst v0  }
0x1a6: {  	[tilespmem:$0x16E8] =	vst v0  }
0x1a7: {  	[tilespmem:$0x16D8] =	vst v0  }
0x1a8: {  	[tilespmem:$0x16C8] =	vst v0  }
0x1a9: {  	[tilespmem:$0x16B8] =	vst v0  }
0x1aa: {  	[tilespmem:$0x16A8] =	vst v0  }
0x1ab: {  	[tilespmem:$0x1698] =	vst v0  }
0x1ac: {  	[tilespmem:$0x1688] =	vst v0  }
0x1ad: {  	[tilespmem:$0x1678] =	vst v0  }
0x1ae: {  	[tilespmem:$0x1668] =	vst v0  }
0x1af: {  	[tilespmem:$0x1658] =	vst v0  }
0x1b0: {  	[tilespmem:$0x1648] =	vst v0  }
0x1b1: {  	[tilespmem:$0x1638] =	vst v0  }
0x1b2: {  	[tilespmem:$0x1628] =	vst v0  }
0x1b3: {  	[tilespmem:$0x1618] =	vst v0  }
0x1b4: {  	[tilespmem:$0x1608] =	vst v0  }
0x1b5: {  	[tilespmem:$0x15F8] =	vst v0  }
0x1b6: {  	[tilespmem:$0x15E8] =	vst v0  }
0x1b7: {  	[tilespmem:$0x15D8] =	vst v0  }
0x1b8: {  	[tilespmem:$0x15C8] =	vst v0  }
0x1b9: {  	[tilespmem:$0x15B8] =	vst v0  }
0x1ba: {  	[tilespmem:$0x15A8] =	vst v0  }
0x1bb: {  	[tilespmem:$0x1598] =	vst v0  }
0x1bc: {  	[tilespmem:$0x1588] =	vst v0  }
0x1bd: {  	[tilespmem:$0x1578] =	vst v0  }
0x1be: {  	[tilespmem:$0x1568] =	vst v0  }
0x1bf: {  	[tilespmem:$0x1558] =	vst v0  }
0x1c0: {  	[tilespmem:$0x1548] =	vst v0  }
0x1c1: {  	[tilespmem:$0x1538] =	vst v0  }
0x1c2: {  	[tilespmem:$0x1528] =	vst v0  }
0x1c3: {  	[tilespmem:$0x1518] =	vst v0  }
0x1c4: {  	[tilespmem:$0x1508] =	vst v0  }
0x1c5: {  	[tilespmem:$0x14F8] =	vst v0  }
0x1c6: {  	[tilespmem:$0x14E8] =	vst v0  }
0x1c7: {  	[tilespmem:$0x14D8] =	vst v0  }
0x1c8: {  	[tilespmem:$0x14C8] =	vst v0  }
0x1c9: {  	[tilespmem:$0x14B8] =	vst v0  }
0x1ca: {  	[tilespmem:$0x14A8] =	vst v0  }
0x1cb: {  	[tilespmem:$0x1498] =	vst v0  }
0x1cc: {  	[tilespmem:$0x1488] =	vst v0  }
0x1cd: {  	[tilespmem:$0x1478] =	vst v0  }
0x1ce: {  	[tilespmem:$0x1468] =	vst v0  }
0x1cf: {  	[tilespmem:$0x1458] =	vst v0  }
0x1d0: {  	[tilespmem:$0x1448] =	vst v0  }
0x1d1: {  	[tilespmem:$0x1438] =	vst v0  }
0x1d2: {  	[tilespmem:$0x1428] =	vst v0  }
0x1d3: {  	[tilespmem:$0x1418] =	vst v0  }
0x1d4: {  	[tilespmem:$0x1408] =	vst v0  }
0x1d5: {  	[tilespmem:$0x13F8] =	vst v0  }
0x1d6: {  	[tilespmem:$0x13E8] =	vst v0  }
0x1d7: {  	[tilespmem:$0x13D8] =	vst v0  }
0x1d8: {  	[tilespmem:$0x13C8] =	vst v0  }
0x1d9: {  	[tilespmem:$0x13B8] =	vst v0  }
0x1da: {  	[tilespmem:$0x13A8] =	vst v0  }
0x1db: {  	[tilespmem:$0x1398] =	vst v0  }
0x1dc: {  	[tilespmem:$0x1388] =	vst v0  }
0x1dd: {  	[tilespmem:$0x1378] =	vst v0  }
0x1de: {  	[tilespmem:$0x1368] =	vst v0  }
0x1df: {  	[tilespmem:$0x1358] =	vst v0  }
0x1e0: {  	[tilespmem:$0x1348] =	vst v0  }
0x1e1: {  	[tilespmem:$0x1338] =	vst v0  }
0x1e2: {  	[tilespmem:$0x1328] =	vst v0  }
0x1e3: {  	[tilespmem:$0x1318] =	vst v0  }
0x1e4: {  	[tilespmem:$0x1308] =	vst v0  }
0x1e5: {  	[tilespmem:$0x12F8] =	vst v0  }
0x1e6: {  	[tilespmem:$0x12E8] =	vst v0  }
0x1e7: {  	[tilespmem:$0x12D8] =	vst v0  }
0x1e8: {  	[tilespmem:$0x12C8] =	vst v0  }
0x1e9: {  	[tilespmem:$0x12B8] =	vst v0  }
0x1ea: {  	[tilespmem:$0x12A8] =	vst v0  }
0x1eb: {  	[tilespmem:$0x1298] =	vst v0  }
0x1ec: {  	[tilespmem:$0x1288] =	vst v0  }
0x1ed: {  	[tilespmem:$0x1278] =	vst v0  }
0x1ee: {  	[tilespmem:$0x1268] =	vst v0  }
0x1ef: {  	[tilespmem:$0x1258] =	vst v0  }
0x1f0: {  	[tilespmem:$0x1248] =	vst v0  }
0x1f1: {  	[tilespmem:$0x1238] =	vst v0  }
0x1f2: {  	[tilespmem:$0x1228] =	vst v0  }
0x1f3: {  	[tilespmem:$0x1218] =	vst v0  }
0x1f4: {  	[tilespmem:$0x1208] =	vst v0  }
0x1f5: {  	[tilespmem:$0x11F8] =	vst v0  }
0x1f6: {  	[tilespmem:$0x11E8] =	vst v0  }
0x1f7: {  	[tilespmem:$0x11D8] =	vst v0  }
0x1f8: {  	[tilespmem:$0x11C8] =	vst v0  }
0x1f9: {  	[tilespmem:$0x11B8] =	vst v0  }
0x1fa: {  	[tilespmem:$0x11A8] =	vst v0  }
0x1fb: {  	[tilespmem:$0x1198] =	vst v0  }
0x1fc: {  	[tilespmem:$0x1188] =	vst v0  }
0x1fd: {  	[tilespmem:$0x1178] =	vst v0  }
0x1fe: {  	[tilespmem:$0x1168] =	vst v0  }
0x1ff: {  	[tilespmem:$0x1158] =	vst v0  }
0x200: {  	[tilespmem:$0x1148] =	vst v0  }
0x201: {  	[tilespmem:$0x1138] =	vst v0  }
0x202: {  	[tilespmem:$0x1128] =	vst v0  }
0x203: {  	[tilespmem:$0x1118] =	vst v0  }
0x204: {  	[tilespmem:$0x1108] =	vst v0  }
0x205: {  	[tilespmem:$0x10F8] =	vst v0  }
0x206: {  	[tilespmem:$0x10E8] =	vst v0  }
0x207: {  	s2 =	stileid.u32;
	[tilespmem:$0x10D8] =	vst v0  }
0x208: {  	s3 =	smul.u32 $0xCF90, s2;
	[tilespmem:$0x10C8] =	vst v0  }
0x209: {  	[tilespmem:$0x10B8] =	vst v0  }
0x20a: {  	[tilespmem:$0x10A8] =	vst v0;
	s0 =	smin.u32 s3, $0xC28C0  }
0x20b: {  	[tilespmem:$0x1028] =	vst v0;
	s4 =	sadd.s32 $0xCF90, s0  }
0x20c: {  	s5 =	simm.s32 $0x2;
	s29 =	simm.s32 $0x7;
	[tilespmem:$0x1088] =	vst v0;
	s0 =	ssub.s32 s4, s3  }
0x20d: {  	s13 =	simm.s32 $0x8;
	s30 =	simm.s32 $0x9;
	[tilespmem:$0x1078] =	vst v0;
	p0 =	sgt.s32 s0, $0x0  }
0x20e: {  	p4 =	por $0x0, $0x0;
	s14 =	simm.s32 $0xA;
	[tilespmem:$0x1068] =	vst v0;
	s0 =	simm.s32 @!p0 $0x0  }
0x20f: {  	s18 =	simm.s32 $0x0;
	s15 =	simm.s32 $0x0;
	[tilespmem:$0x1058] =	vst v0;
	s12 =	smulhi.u32 $0x97B426, s0  }
0x210: {  	s17 =	simm.s32 $0x0;
	s1 =	sadd.s32 $0xE95A00, s8;
	s6 =	sadd.s32 $0x57E00, s8;
	[tilespmem:$0x1048] =	vst v0  }
0x211: {  	s7 =	sadd.s32 $0x8BE00, s8;
	s31 =	sshll.u32 s2, $0x5;
	[tilespmem:$0x1038] =	vst v0;
	s10 =	smul.u32 $0x1B0, s12  }
.Ltmp7:
0x212: {  	[tilespmem:$0x1008] =	vst v0;
	[sflag:s5] =	ssyncpa.u1 $0x0;
	v0 =	vimm.s32 $0xFFFFFFFF;
	s5 =	sadd.s32 $0x71E00, s8;
	(pc) =	sbr.rel .LBB3_1-.Ltmp7, $4  }
0x213: {  	[dreg:$0x2] =	wrdreg s31;
	[tilespmem:$0x3648] =	vst v0;
	[sflag:s29] =	ssyncpa.u1 $0x0;
	p0 =	sne.s32 s0, s10  }
0x214: {  	s16 =	smov.u32 s3;
	[dreg:$0x3] =	wrdreg s3;
	s11 =	simm.s32 @!p0 $0x0  }
0x215: {  	[sflag:s13] =	ssyncpa.u1 $0x0;
	s13 =	simm.s32 $0x0;
	s11 =	sadd.s32 s11, s12  }
0x216: {  	v0 =	vlaneseq.u32;
	[sflag:s30] =	ssyncpa.u1 $0x0;
	p0 =	por $0x1, $0x1;
	s8 =	sadd.s32 $0x1, s11  }
.LBB3_18:
0x217: {  	s0 =	simm.s32 $0x2  }
0x218: {  	_ =	swait.ge [sflag:s0], $0x0  }
0x219: {  	[sflag:s0] =	ssyncset.done $0x0;
	s0 =	simm.s32 $0x0  }
.LBB3_19:
0x21a: {  	_ =	swait.ge [sflag:s14], s0  }
0x21b: {  	s31 =	ssub.s32 $0x0, s0;
	v1 =	vmov s20;
	vm0 =	veq.s32 v0, $0x0;
	[sflag:s14] =	ssyncset.done $0x0  }
0x21c: {  	vm15 =	veq.s32 v0, $0x2;
	v1 =	vsel vm0, s24, v1;
	[sflag:s14] =	ssyncadd.s32 s31  }
0x21d: {  	v1 =	vsel vm15, s18, v1;
	[sflag:s14] =	ssyncpa.u1 $0x1  }
0x21e: {  	[tilespmem:$0x3648] =	vst v1  }
.LBB3_20:
0x21f: {  	s0 =	sadd.s32 $0x1B0, s16  }
0x220: {  	s2 =	smov.u32 s3;
	p1 =	slt.s32 s0, s4  }
0x221: {  	s2 =	smov.u32 @p1 s0;
	p1 =	sne.s32 s17, s8  }
.Ltmp8:
0x222: {  	_ = 	snop;
	(pc) =	sbr.rel @!p1 .LBB3_21-.Ltmp8, $4  }
0x223: {  	_ = 	snop  }
0x224: {  	s18 =	smov.u32 s15  }
0x225: {  	s31 =	sadd.s32 $0x1, s17;
	s15 =	smov.u32 s16;
	p0 =	por !p0, !p0  }
0x226: {  	p4 =	por !p4, !p4;
	s17 =	smov.u32 s31;
	s16 =	smov.u32 s2  }
.LBB3_1:
0x227: {  	p2 =	sge.u32 s17, s11  }
0x228: {  	s0 =	smulhi.u32 @!p2 $0xAAAAAAAB, s17  }
0x229: {  	s19 =	smov.u32 s16;
	p3 =	sgt.s32 @!p2 s16, $0xCF6A0  }
0x22a: {  	s20 =	sshra.s32 @!p2 s16, $0x1F;
	p3 =	por !p3, p2;
	s0 =	sshrl.u32 @!p2 s0, $0x1  }
0x22b: {  	s20 =	sand.u32 @!p2 s20, s16;
	s19 =	simm.s32 @p3 $0xCF6A0;
	s0 =	smul.u32 @!p2 $0x3, s0  }
0x22c: {  	s19 =	ssub.s32 @!p2 s19, s20  }
0x22d: {  	s19 =	sadd.s32 @!p2 $0xFFF30960, s19;
	s0 =	ssub.s32 @!p2 s17, s0  }
0x22e: {  	s20 =	sshll.u32 @!p2 s19, $0x2;
	p3 =	sgt.s32 @!p2 s19, $0x1AF;
	s0 =	smul.u32 @!p2 $0x6C0, s0  }
0x22f: {  	s21 =	sand.u32 @!p2 $0x7, s16;
	s19 =	ssub.s32 @!p2 $0x6C0, s20;
	p3 =	por !p3, p2  }
0x230: {  	s20 =	sshrl.u32 @!p2 s16, $0x3;
	s19 =	sshrl.u32 @!p2 s19, $0x2;
	s0 =	sshrl.u32 @!p2 s0, $0x2  }
0x231: {  	s20 =	sadd.s32 @!p2 s5, s20;
	s19 =	simm.s32 @!p3 $0x0;
	s0 =	sadd.s32 @!p2 $0x3878, s0  }
0x232: {  	[tilespmem:s0], [sflag:$0x8] =	stream.linear.gather @!p2 [hbm4b:s20+s21], s19, $0x38;
	[tilespmem:$0x1F0E8] =	vst v63  }
0x233: {  	s20 =	sadd.s32 $0xFFFFFFFF, s17  }
0x234: {  	p2 =	sge.u32 s20, s11  }
0x235: {  	p3 =	sgt.s32 @!p2 s15, $0xCF6A0  }
0x236: {  	s0 =	smov.u32 s15;
	s19 =	sshra.s32 @!p2 s15, $0x1F;
	p3 =	por !p3, p2  }
0x237: {  	s19 =	sand.u32 @!p2 s19, s15;
	s0 =	simm.s32 @p3 $0xCF6A0  }
0x238: {  	s0 =	ssub.s32 @!p2 s0, s19  }
0x239: {  	s0 =	sadd.s32 @!p2 $0xFFF30960, s0  }
0x23a: {  	s19 =	sshll.u32 @!p2 s0, $0x2  }
0x23b: {  	p3 =	sgt.s32 @!p2 s0, $0x1AF;
	s0 =	ssub.s32 @!p2 $0x6C0, s19  }
0x23c: {  	p3 =	por !p3, p2;
	s0 =	sshrl.u32 @!p2 s0, $0x2  }
0x23d: {  	s21 =	simm.s32 @!p2 $0x8;
	s19 =	sand.u32 @!p2 $0x1, s20;
	s0 =	simm.s32 @!p3 $0x0  }
0x23e: {  	s19 =	smul.u32 @!p2 $0x6C0, s19;
	_ =	swait.ge @!p2 [sflag:s21], s0  }
0x23f: {  	s22 =	ssub.s32 @!p2 $0x0, s0;
	[sflag:s21] =	ssyncset.done @!p2 $0x0  }
0x240: {  	s19 =	sshrl.u32 @!p2 s19, $0x2;
	[sflag:s21] =	ssyncadd.s32 @!p2 s22;
	s21 =	sshrl.u32 @!p2 s15, $0x3  }
0x241: {  	s19 =	sadd.s32 @!p2 $0x3D88, s19;
	s22 =	sand.u32 @!p2 $0x7, s15;
	s21 =	sadd.s32 @!p2 s6, s21  }
0x242: {  	[tilespmem:s19], [sflag:$0x9] =	stream.linear.gather @!p2 [hbm4b:s21+s22], s0, $0x38;
	[tilespmem:$0x1F0E8] =	vst v63  }
0x243: {  	s19 =	ssub.s32 @!p2 $0xCF850, s15  }
0x244: {  	p3 =	slt.s32 @!p2 s19, $0x1  }
0x245: {  	p3 =	por p2, p3  }
.Ltmp9:
0x246: {  	_ = 	snop;
	(pc) =	sbr.rel @p3 .LBB3_7-.Ltmp9, $1  }
0x247: {  	_ =	sdelay $0x3  }
0x248: {  	s0 =	smulhi.u32 $0xAAAAAAAB, s20;
	_ =	sdelay $0x1  }
0x249: {  	s0 =	sshrl.u32 s0, $0x1  }
0x24a: {  	s0 =	smul.u32 $0x3, s0;
	_ =	sdelay $0x1  }
0x24b: {  	s0 =	ssub.s32 s20, s0  }
0x24c: {  	s21 =	simm.s32 $0x1;
	s0 =	smul.u32 $0x6C0, s0  }
.Ltmp10:
0x24d: {  	s21 =	simm.s32 @!p0 $0x0;
	(pc) =	sbr.rel .LBB3_4-.Ltmp10, $4  }
0x24e: {  	s31 =	smul.u32 $0x36000, s21  }
0x24f: {  	p3 =	slt.s32 @!p2 s19, $0x1B0;
	s0 =	sshrl.u32 s0, $0x2  }
0x250: {  	p2 =	por !p3, p2;
	s20 =	sshrl.u32 s31, $0x2;
	s0 =	sadd.s32 $0x3878, s0  }
0x251: {  	s19 =	simm.s32 @p2 $0x1B0;
	s21 =	simm.s32 $0x0;
	s20 =	sadd.s32 $0x40E8, s20;
	v1 =	vmov s0  }
.LBB3_3:
0x252: {  	p2 =	sge.s32 s21, s19  }
.Ltmp11:
0x253: {  	_ = 	snop;
	(pc) =	sbr.rel @p2 .LBB3_7-.Ltmp11, $2  }
0x254: {  	_ =	sdelay $0x2  }
0x255: {  	s20 =	sadd.s32 $0x800, s20  }
.LBB3_4:
0x256: {  	p2 =	sle.s32 s19, s21  }
.Ltmp12:
0x257: {  	_ = 	snop;
	(pc) =	sbr.rel @p2 .LBB3_3-.Ltmp12, $2  }
0x258: {  	_ =	sdelay $0x2  }
0x259: {  	s22 =	smov.u32 s21;
	s21 =	sadd.s32 $0x10, s21  }
0x25a: {  	s0 =	ssub.s32 s19, s22  }
0x25b: {  	p2 =	slt.s32 s0, $0x10  }
0x25c: {  	s0 =	simm.s32 @!p2 $0x10  }
0x25d: {  	v2 =	vmov s0  }
0x25e: {  	vm0 =	vgt.s32 v2, v0;
	_ =	sdelay $0x5  }
0x25f: {  	v2 =	vld.idx.msk [tilespmem:v1+s22+$0x0 ss:$0x1], vm0;
	_ =	sdelay $0x2  }
0x260: {  	s23 =	smov.u32 s19;
	p2 =	slt.s32 s21, s19  }
0x261: {  	s24 =	smov.u32 s20;
	s25 =	simm.s32 $0x0;
	s23 =	smov.u32 @p2 s21  }
.LBB3_6:
0x262: {  	(v2sf) =	vpush v2, s25;
	_ =	sdelay $0xc  }
0x263: {  	s25 =	sadd.s32 $0x1, s25  }
0x264: {  	s31 =	sadd.s32 s25, s22  }
0x265: {  	p2 =	slt.s32 s31, s23;
	s0 =	spop (v2sf)  }
.Ltmp13:
0x266: {  	s0 =	sshll.u32 s0, $0x4;
	(pc) =	sbr.rel @p2 .LBB3_6-.Ltmp13, $4  }
0x267: {  	s0 =	sand.u32 $0x1FFFFFF0, s0  }
0x268: {  	s0 =	sadd.s32 s7, s0  }
0x269: {  	[tilespmem:s24], [sflag:$0x7] =	stream.linear.gather [hbm4b:s0+s13], $0x8, $0x38;
	[tilespmem:$0x1F0E8] =	vst v63  }
0x26a: {  	s24 =	sadd.s32 $0x80, s24  }
.Ltmp14:
0x26b: {  	_ = 	snop;
	(pc) =	sbr.rel .LBB3_3-.Ltmp14, $1  }
0x26c: {  	_ =	sdelay $0x3  }
.LBB3_7:
0x26d: {  	p2 =	slt.u32 s17, $0x2  }
.Ltmp15:
0x26e: {  	_ = 	snop;
	(pc) =	sbr.rel @p2 .LBB3_20-.Ltmp15, $1  }
0x26f: {  	_ =	sdelay $0x3  }
0x270: {  	p2 =	sgt.s32 s18, $0xCF6A0;
	s0 =	smov.u32 s18  }
0x271: {  	s19 =	sshra.s32 s18, $0x1F;
	s20 =	ssub.s32 $0xCF850, s18;
	s0 =	simm.s32 @!p2 $0xCF6A0  }
0x272: {  	s19 =	sand.u32 s19, s18;
	p2 =	slt.s32 s20, $0x1B0;
	s21 =	smov.u32 s20  }
0x273: {  	s0 =	ssub.s32 s0, s19;
	s21 =	simm.s32 @!p2 $0x1B0  }
0x274: {  	s0 =	sadd.s32 $0xFFF30960, s0;
	s26 =	sshll.u32 s21, $0x3  }
0x275: {  	s2 =	simm.s32 $0x7;
	s28 =	sshll.u32 s0, $0x2;
	s19 =	sand.u32 $0x3FFFFFF8, s26  }
0x276: {  	p2 =	sgt.s32 s0, $0x1AF;
	s29 =	ssub.s32 $0x6C0, s28;
	_ =	swait.ge [sflag:s2], s19  }
0x277: {  	s19 =	ssub.s32 $0x0, s19;
	[sflag:s2] =	ssyncset.done $0x0;
	s0 =	sshrl.u32 s29, $0x2  }
0x278: {  	s30 =	simm.s32 $0x9;
	[sflag:s2] =	ssyncadd.s32 s19;
	s0 =	simm.s32 @p2 $0x0  }
0x279: {  	_ =	swait.ge [sflag:s30], s0  }
0x27a: {  	s0 =	ssub.s32 $0x0, s0;
	[sflag:s30] =	ssyncset.done $0x0  }
0x27b: {  	[sflag:s30] =	ssyncadd.s32 s0  }
0x27c: {  	v1 =	vld [tilespmem:$0x3648];
	_ =	sdelay $0x4  }
0x27d: {  	(v2sf) =	vpush v1, $0x0  }
0x27e: {  	(v2sf) =	vpush v1, $0x1  }
0x27f: {  	(v2sf) =	vpush v1, $0x2;
	_ =	sdelay $0x3  }
0x280: {  	s0 =	sadd.s32 $0x1B0, s18  }
0x281: {  	p2 =	slt.s32 s4, s0  }
0x282: {  	s0 =	smov.u32 @p2 s4;
	p2 =	sgt.s32 s20, $0x0  }
0x283: {  	s22 =	ssub.s32 s0, s18;
	s20 =	simm.s32 @!p2 $0x0  }
0x284: {  	p2 =	slt.s32 s20, s22  }
0x285: {  	s22 =	smov.u32 @p2 s20  }
0x286: {  	s21 =	simm.s32 $0x1;
	p2 =	slt.s32 s22, $0x1  }
.Ltmp16:
0x287: {  	s21 =	simm.s32 @!p4 $0x0;
	(pc) =	sbr.rel @p2 .LBB3_12-.Ltmp16, $4  }
0x288: {  	s31 =	smul.u32 $0x6C0, s21  }
0x289: {  	s23 =	spop (v2sf)  }
0x28a: {  	s0 =	sshrl.u32 s31, $0x2;
	s25 =	spop (v2sf)  }
0x28b: {  	s19 =	sadd.s32 $0x3D88, s0;
	s18 =	spop (v2sf)  }
0x28c: {  	s0 =	smin.u32 s22, $0x10  }
0x28d: {  	v1 =	vmov s0  }
0x28e: {  	p3 =	sgt.s32 s22, $0x10;
	vm1 =	vgt.u32 v1, v0  }
.Ltmp17:
0x28f: {  	_ = 	snop;
	(pc) =	sbr.rel @!p3 .LBB3_11-.Ltmp17, $2  }
0x290: {  	_ =	sdelay $0x2  }
0x291: {  	s24 =	simm.s32 $0x10;
	s26 =	sadd.s32 $0xFFFFFFF0, s22;
	s20 =	smov.u32 s19;
	vm0 =	vmmov vm1  }
.LBB3_10:
0x292: {  	s0 =	smin.u32 s26, $0x10;
	s24 =	sadd.s32 $0x10, s24;
	v1 =	vld.msk [tilespmem:s20+$0x0 ss:$0x1], vm1  }
0x293: {  	v2 =	vmov s0;
	p3 =	slt.s32 s24, s22  }
0x294: {  	vm1 =	vgt.u32 v2, v0  }
.Ltmp18:
0x295: {  	(pc) =	sbr.rel @p3 .LBB3_10-.Ltmp18, $3  }
0x296: {  	_ =	sdelay $0x1  }
0x297: {  	v1 =	vshll.u32 v1, $0x4  }
0x298: {  	s26 =	sadd.s32 $0xFFFFFFF0, s26;
	[tilespmem:s20+$0x0] =	vst.msk vm0, v1;
	s20 =	sadd.s32 $0x10, s20;
	vm0 =	vmmov vm1  }
.LBB3_11:
0x299: {  	_ =	sdelay $0x4  }
0x29a: {  	v1 =	vld.msk [tilespmem:s20+$0x0 ss:$0x1], vm1;
	_ =	sdelay $0x4  }
0x29b: {  	v1 =	vshll.u32 v1, $0x4  }
0x29c: {  	[tilespmem:s20+$0x0] =	vst.msk vm0, v1  }
.LBB3_12:
0x29d: {  	s0 =	sand.u32 $0x1, s17  }
0x29e: {  	s0 =	smul.u32 $0x1B0, s0  }
0x29f: {  	p3 =	sne.s32 s25, $0xFFFFFFFF  }
0x2a0: {  	v1 =	vld.msk @!p3 [tilespmem:s0+$0x3D88], $0x1;
	_ =	sdelay $0x4  }
0x2a1: {  	(v2sf) =	vpush @!p3 v1, $0x0;
	_ =	sdelay $0xc  }
.Ltmp19:
0x2a2: {  	_ = 	snop;
	(pc) =	sbr.rel @p2 .LBB3_18-.Ltmp19, $4  }
0x2a3: {  	_ = 	snop  }
0x2a4: {  	s24 =	spop @!p3 (v2sf)  }
0x2a5: {  	s18 =	simm.s32 @!p3 $0x0;
	s20 =	smov.u32 s24  }
0x2a6: {  	[sflag:s14] =	ssyncpa.u1 $0x0;
	s24 =	smov.u32 @p3 s23;
	s20 =	smov.u32 @p3 s25  }
0x2a7: {  	v1 =	vld.msk [tilespmem:s19+$0x0], $0x1;
	_ =	sdelay $0x4  }
0x2a8: {  	(v2sf) =	vpush v1, $0x0;
	_ =	sdelay $0xd  }
0x2a9: {  	s0 =	simm.s32 @!p4 $0x0  }
0x2aa: {  	s26 =	smul.u32 $0x36000, s21;
	s25 =	ssub.s32 $0x0, s22;
	s28 =	spop (v2sf)  }
0x2ab: {  	s0 =	simm.s32 @p4 $0x1;
	s23 =	sadd.s32 $0x1, s25;
	p2 =	seq.s32 s24, s28  }
0x2ac: {  	[smem:$0x7FD] =	sst s0;
	s0 =	sshrl.u32 s26, $0x2;
	p3 =	sgt.s32 @!p2 s24, $0x0  }
0x2ad: {  	s21 =	sadd.s32 $0x40E8, s0;
	s0 =	smov.u32 s24;
	p3 =	por !p3, p2  }
0x2ae: {  	s0 =	simm.s32 @p3 $0x0;
	p3 =	seq.s32 s23, $0x0  }
.Ltmp20:
0x2af: {  	_ = 	snop;
	(pc) =	sbr.rel @p3 .LBB3_15-.Ltmp20, $4  }
0x2b0: {  	s3 =	smov.u32 s8;
	s12 =	smov.u32 s5;
	s8 =	smov.u32 s6  }
0x2b1: {  	s22 =	simm.s32 $0x0;
	s29 =	simm.s32 @!p2 $0x1;
	s0 =	smin.u32 @!p2 s0, $0xC34FF  }
0x2b2: {  	s30 =	simm.s32 @!p2 $0x1B38;
	s29 =	smov.u32 @p2 s22;
	s26 =	sand.u32 @!p2 $0xFFFF8, s0  }
0x2b3: {  	s31 =	sand.u32 @!p2 $0x7, s0;
	s0 =	sadd.s32 @!p2 s1, s26;
	s26 =	sadd.s32 $0x1, s19  }
.LBB3_14:
0x2b4: {  	s2 =	smov.u32 s29  }
0x2b5: {  	[tilespmem:s30], [sflag:$0x2] =	stream.linear.gather @!p2 [hbm4b:s0+s31], $0x8, $0x38;
	[tilespmem:$0x1F0E8] =	vst v63  }
0x2b6: {  	s23 =	sadd.s32 $0x1, s23;
	s0 =	smov.u32 s28;
	v1 =	vld.msk [tilespmem:s26+$0x0], $0x1  }
0x2b7: {  	p3 =	seq.s32 s23, $0x0;
	_ =	sdelay $0x3  }
0x2b8: {  	(v2sf) =	vpush v1, $0x0;
	_ =	sdelay $0xe  }
0x2b9: {  	s28 =	spop (v2sf)  }
0x2ba: {  	p2 =	seq.s32 s0, s28  }
0x2bb: {  	p4 =	sgt.s32 @!p2 s0, $0x0;
	s30 =	sshll.u32 @!p2 s29, $0x6;
	s29 =	sadd.s32 @!p2 $0x1, s29  }
.Ltmp21:
0x2bc: {  	p4 =	por !p4, p2;
	s30 =	sshra.s32 @!p2 s30, $0x2;
	(pc) =	sbr.rel @!p3 .LBB3_14-.Ltmp21, $4  }
0x2bd: {  	s29 =	smov.u32 @p2 s2;
	s0 =	simm.s32 @p4 $0x0;
	s30 =	sadd.s32 @!p2 $0x1B38, s30  }
0x2be: {  	s0 =	smin.u32 @!p2 s0, $0xC34FF  }
0x2bf: {  	s2 =	sand.u32 @!p2 $0xFFFF8, s0;
	s31 =	sand.u32 @!p2 $0x7, s0  }
0x2c0: {  	s26 =	sadd.s32 $0x1, s26;
	s0 =	sadd.s32 @!p2 s1, s2  }
.LBB3_15:
0x2c1: {  	[tilespmem:s30], [sflag:$0x2] =	stream.linear.gather @!p2 [hbm4b:s0+s31], $0x8, $0x38;
	[tilespmem:$0x1F0E8] =	vst v63  }
0x2c2: {  	s31 =	sshll.u32 s29, $0x3  }
0x2c3: {  	s2 =	simm.s32 $0x2;
	s0 =	sand.u32 $0x3FFFFFF8, s31  }
0x2c4: {  	_ =	swait.ge [sflag:s2], s0  }
0x2c5: {  	s0 =	ssub.s32 $0x0, s0;
	[sflag:s2] =	ssyncset.done $0x0  }
0x2c6: {  	[sflag:s2] =	ssyncadd.s32 s0  }
0x2c7: {  	v1 =	vld.msk [tilespmem:s19+$0x0], $0x1;
	_ =	sdelay $0x4  }
0x2c8: {  	(v2sf) =	vpush v1, $0x0;
	_ =	sdelay $0xe  }
0x2c9: {  	s23 =	spop (v2sf)  }
0x2ca: {  	p2 =	sne.s32 s24, s23  }
0x2cb: {  	p4 =	sne.s32 @p2 s24, s20  }
0x2cc: {  	p3 =	por !p4, !p2  }
0x2cd: {  	s0 =	simm.s32 @!p3 $0x0  }
0x2ce: {  	v1 =	vld.msk @!p3 [tilespmem:s0+$0x1B38], $0xff  }
0x2cf: {  	p5 =	sgt.u32 @!p3 s24, $0xC34FF  }
0x2d0: {  	s2 =	sshll.u32 @!p3 s18, $0x6;
	p6 =	por @p2 p5, !p4  }
0x2d1: {  	s2 =	sshra.s32 @!p3 s2, $0x2;
	p1 =	por p6, !p2;
	p6 =	por p4, !p2  }
0x2d2: {  	s26 =	sadd.s32 @!p3 $0x28, s2;
	s28 =	sand.u32 @!p1 $0xFFFF8, s24;
	s29 =	sshll.u32 @!p6 s18, $0x6  }
0x2d3: {  	s24 =	sand.u32 @!p1 $0x7, s24;
	[tilespmem:s2+$0x28] =	vst.add.f32.msk @!p3 $0xff, v1;
	s2 =	sadd.s32 @!p1 s1, s28;
	s28 =	sshra.s32 @!p6 s29, $0x2  }
0x2d4: {  	[hbm4b:s2+s24] =	stream.linear.scatter @!p1 [tilespmem:s26], [sflag:$0xA], $0x8, $0x38;
	[tilespmem:$0x1F0E8] =	vst v63  }
0x2d5: {  	s0 =	rddreg [dreg:$0x2];
	s2 =	sadd.s32 @!p6 $0x28, s28;
	s24 =	simm.s32 @!p6 $0x1  }
0x2d6: {  	[spmem:s0] =	stream.linear.scatter @!p6 [tilespmem:s2], [sflag:$0x1], $0x8, $0x38;
	[tilespmem:$0x1F0E8] =	vst v63  }
0x2d7: {  	s0 =	sadd.s32 @p2 $0x1, s18;
	_ =	swait.ge @!p6 [sflag:s24], $0x8  }
0x2d8: {  	s2 =	sshrl.u32 @p2 s0, $0x4;
	[sflag:s24] =	ssyncset.done @!p6 $0x0  }
0x2d9: {  	s2 =	smulhi.u32 @p2 $0x97B425F, s2;
	[sflag:s24] =	ssyncadd.s32 @!p6 $0xFFFFFFF8  }
0x2da: {  	s24 =	sadd.s32 $0x1, s25;
	v1 =	vld.msk @p2 [tilespmem:s21+$0x0], $0xff  }
0x2db: {  	p1 =	por @p2 !p5, !p4;
	s2 =	smul.u32 @p2 $0x1B0, s2;
	p4 =	seq.s32 s24, $0x0  }
.Ltmp22:
0x2dc: {  	p1 =	por !p1, !p2;
	s25 =	simm.s32 @!p3 $0x0;
	(pc) =	sbr.rel @p4 .LBB3_17-.Ltmp22, $4  }
0x2dd: {  	s26 =	sshll.u32 @!p2 s18, $0x6;
	s25 =	simm.s32 @!p1 $0x20;
	s0 =	ssub.s32 @p2 s0, s2  }
0x2de: {  	s26 =	sshra.s32 @!p2 s26, $0x2;
	s28 =	sadd.s32 @!p3 $0x0, s25;
	s29 =	sshll.u32 @p2 s0, $0x4  }
0x2df: {  	s25 =	simm.s32 $0x0;
	s2 =	simm.s32 @p2 $0x1;
	s28 =	smov.u32 @p3 s22;
	[tilespmem:s29+$0x28] =	vst.msk @p2 $0xff, v1  }
0x2e0: {  	s18 =	smov.u32 @p2 s0;
	s25 =	smov.u32 @p2 s28;
	s22 =	smov.u32 @p2 s2;
	v1 =	vld.msk @!p2 [tilespmem:s21+$0x0], $0xff  }
.LBB3_16:
0x2e1: {  	_ =	sdelay $0x3  }
0x2e2: {  	s19 =	sadd.s32 $0x1, s19;
	[tilespmem:s26+$0x28] =	vst.add.f32.msk @!p2 $0xff, v1  }
0x2e3: {  	v1 =	vld.msk [tilespmem:s19+$0x0], $0x1;
	_ =	sdelay $0x4  }
0x2e4: {  	(v2sf) =	vpush v1, $0x0;
	_ =	sdelay $0xe  }
0x2e5: {  	s0 =	smov.u32 s23;
	s23 =	spop (v2sf)  }
0x2e6: {  	p2 =	sne.s32 s0, s23  }
0x2e7: {  	p5 =	sne.s32 @p2 s0, s20  }
0x2e8: {  	p4 =	por !p5, !p2  }
0x2e9: {  	s30 =	sshll.u32 @!p4 s22, $0x6  }
0x2ea: {  	s30 =	sshra.s32 @!p4 s30, $0x2  }
0x2eb: {  	p1 =	sgt.u32 @!p4 s0, $0xC34FF;
	v1 =	vld.msk @!p4 [tilespmem:s30+$0x1B38], $0xff  }
0x2ec: {  	s31 =	sshll.u32 @!p4 s18, $0x6;
	p6 =	por @p2 p1, !p5;
	p1 =	por @p2 !p1, !p5  }
0x2ed: {  	s5 =	simm.s32 @!p4 $0x0;
	s31 =	sshra.s32 @!p4 s31, $0x2;
	p1 =	por !p1, !p2  }
0x2ee: {  	p5 =	por p5, !p2;
	s5 =	simm.s32 @!p1 $0x20;
	p1 =	por p6, !p2  }
0x2ef: {  	s30 =	sadd.s32 @!p4 $0x28, s31;
	s6 =	sshll.u32 @!p5 s18, $0x6;
	s10 =	sand.u32 @!p1 $0xFFFF8, s0  }
0x2f0: {  	s6 =	sshra.s32 @!p5 s6, $0x2;
	s0 =	sand.u32 @!p1 $0x7, s0;
	s10 =	sadd.s32 @!p1 s1, s10;
	[tilespmem:s31+$0x28] =	vst.add.f32.msk @!p4 $0xff, v1  }
0x2f1: {  	[hbm4b:s10+s0] =	stream.linear.scatter @!p1 [tilespmem:s30], [sflag:$0xA], $0x8, $0x38;
	[tilespmem:$0x1F0E8] =	vst v63  }
0x2f2: {  	s2 =	rddreg [dreg:$0x2];
	s0 =	sadd.s32 @!p5 $0x28, s6;
	s6 =	simm.s32 @!p5 $0x1  }
0x2f3: {  	[spmem:s2] =	stream.linear.scatter @!p5 [tilespmem:s0], [sflag:$0x1], $0x8, $0x38;
	[tilespmem:$0x1F0E8] =	vst v63  }
0x2f4: {  	s28 =	sadd.s32 @p2 $0x1, s18;
	_ =	swait.ge @!p5 [sflag:s6], $0x8  }
0x2f5: {  	s29 =	sshrl.u32 @p2 s28, $0x4;
	[sflag:s6] =	ssyncset.done @!p5 $0x0  }
0x2f6: {  	s21 =	sadd.s32 $0x80, s21;
	s29 =	smulhi.u32 @p2 $0x97B425F, s29;
	[sflag:s6] =	ssyncadd.s32 @!p5 $0xFFFFFFF8  }
0x2f7: {  	s24 =	sadd.s32 $0x1, s24;
	v1 =	vld.msk @p2 [tilespmem:s21+$0x0], $0xff  }
0x2f8: {  	p3 =	seq.s32 s24, $0x0;
	s29 =	smul.u32 @p2 $0x1B0, s29  }
.Ltmp23:
0x2f9: {  	_ = 	snop;
	(pc) =	sbr.rel @!p3 .LBB3_16-.Ltmp23, $4  }
0x2fa: {  	s28 =	ssub.s32 @p2 s28, s29  }
0x2fb: {  	s26 =	sshll.u32 @!p2 s18, $0x6;
	s5 =	sadd.s32 @!p4 s5, s25;
	s10 =	sshll.u32 @p2 s28, $0x4  }
0x2fc: {  	s9 =	sadd.s32 @p2 $0x1, s22;
	s26 =	sshra.s32 @!p2 s26, $0x2;
	s5 =	smov.u32 @p4 s25;
	[tilespmem:s10+$0x28] =	vst.msk @p2 $0xff, v1  }
0x2fd: {  	s22 =	smov.u32 @p2 s9;
	s18 =	smov.u32 @p2 s28;
	s25 =	smov.u32 @p2 s5;
	v1 =	vld.msk @!p2 [tilespmem:s21+$0x0], $0xff  }
.LBB3_17:
.Ltmp24:
0x2fe: {  	_ = 	snop;
	(pc) =	sbr.rel .LBB3_19-.Ltmp24, $4  }
0x2ff: {  	s2 =	sld [smem:$0x7FD]  }
0x300: {  	s0 =	sshrl.u32 s25, $0x2  }
0x301: {  	s24 =	smov.u32 s23;
	s6 =	smov.u32 s8;
	s5 =	smov.u32 s12  }
0x302: {  	s8 =	smov.u32 s3;
	s3 =	rddreg [dreg:$0x3];
	p4 =	seq.s32 s2, $0x1;
	[tilespmem:s26+$0x28] =	vst.add.f32.msk @!p2 $0xff, v1  }
.LBB3_21:
0x303: {  	_ =	sfence.sel $0x180000  }
0x304: {  	s0 =	simm.s32 $0x7;
	[bflag:$0x0] =	sbarrier.arrive $0xFFFF  }
0x305: {  	s25 =	simm.s32 $0x8;
	[sflag:s0] =	ssyncpa.u1 $0x1  }
0x306: {  	s26 =	simm.s32 $0x9;
	[sflag:s25] =	ssyncpa.u1 $0x1  }
0x307: {  	s28 =	simm.s32 $0x2;
	[sflag:s26] =	ssyncpa.u1 $0x1  }
0x308: {  	[sflag:s28] =	ssyncpa.u1 $0x1  }
0x309: {  	v0 =	vld [tilespmem:$0x3648];
	_ =	sdelay $0x4  }
0x30a: {  	(v2sf) =	vpush v0, $0x0  }
0x30b: {  	(v2sf) =	vpush v0, $0x1;
	_ =	sdelay $0x1  }
0x30c: {  	(v2sf) =	vpush v0, $0x2;
	_ =	sdelay $0xb  }
0x30d: {  	s0 =	spop (v2sf)  }
0x30e: {  	s2 =	spop (v2sf)  }
0x30f: {  	s3 =	smov.u32 s0;
	p0 =	sne.s32 s0, s2  }
0x310: {  	s4 =	spop (v2sf);
	s3 =	simm.s32 @!p0 $0xFFFFFFFF  }
0x311: {  	v2 =	vimm.s32 $0x1;
	v3 =	vlaneseq.u32;
	p0 =	seq.s32 s4, $0xFFFFFFFF;
	v1 =	vmov s3  }
0x312: {  	s7 =	stileid.u32;
	v0 =	vperm.xlane v0, v2;
	p1 =	sne.s32 @!p0 s0, s2;
	v1 =	vperm.xlane v1, v3  }
0x313: {  	vm0 =	vcmask $0x3F04;
	s6 =	simm.s32 $0x3648;
	s0 =	simm.s32 @!p0 $0x1;
	p1 =	por !p1, p0  }
0x314: {  	s3 =	sshll.u32 s7, $0x1;
	s2 =	sshll.u32 @!p0 s4, $0x6;
	s0 =	simm.s32 @p1 $0x0;
	v0 =	vsel vm0, v1, v0  }
0x315: {  	s5 =	sor.u32 $0x200, s3;
	s2 =	sshra.s32 @!p0 s2, $0x2;
	s0 =	sor.u32 @!p0 s0, s3;
	[tilespmem:$0x3648] =	vst v0  }
0x316: {  	[spmem:s5] =	stream.linear.scatter [tilespmem:s6], [sflag:$0x1], $0x2, $0x38;
	[tilespmem:$0x1F0E8] =	vst v63  }
0x317: {  	s2 =	sadd.s32 @!p0 $0x28, s2;
	s0 =	sshll.u32 @!p0 s0, $0x4  }
0x318: {  	[spmem:s0] =	stream.linear.scatter @!p0 [tilespmem:s2], [sflag:$0x1], $0x10, $0x38;
	[tilespmem:$0x1F0E8] =	vst v63  }
0x319: {  	s0 =	simm.s32 @!p0 $0x12  }
0x31a: {  	s3 =	simm.s32 $0x1;
	s0 =	simm.s32 @p0 $0x2  }
0x31b: {  	_ =	swait.ge [sflag:s3], s0  }
0x31c: {  	s0 =	ssub.s32 $0x0, s0;
	[sflag:s3] =	ssyncset.done $0x0  }
0x31d: {  	[sflag:s3] =	ssyncadd.s32 s0  }
0x31e: {  	_ =	sfence.stream.spmem  }
0x31f: {  	s29 =	simm.s32 $0x3;
	[bflag:$0x0] =	sbarrier.arrive $0xFFFF  }
0x320: {  	s30 =	simm.s32 $0x4;
	[sflag:s29] =	ssyncpa.u1 $0x1  }
0x321: {  	s31 =	simm.s32 $0x3C;
	[sflag:s30] =	ssyncpa.u1 $0x1  }
0x322: {  	p0 =	sne.s32 s7, $0x0;
	[sflag:s31] =	ssyncpa.u1 $0x1  }
0x323: {  	_ =	sfence @p0  }
0x324: {  	[sflag:s3] =	ssyncpa.u1 @p0 $0x1  }
0x325: {  	_ =	strace @p0 $0x90000050  }
0x326: {  	[bflag:$0x2] =	sbarrier.arrive @p0 $0xFFFF  }
0x327: {  	_ =	shalt @p0  }
.LBB3_22:
0x328: {  	_ =	sfence.stream.spmem;
	s0 =	simm.s32 $0x5  }
0x329: {  	s2 =	simm.s32 $0x200;
	s3 =	simm.s32 $0x3658;
	[sflag:s0] =	ssyncpa.u1 $0x0  }
0x32a: {  	[tilespmem:s3], [sflag:$0x5] =	stream.linear.gather [spmem:s2], $0x20, $0x38;
	[tilespmem:$0x1F0E8] =	vst v63  }
0x32b: {  	s30 =	simm.s32 $0x3678;
	s2 =	simm.s32 $0x0  }
0x32c: {  	[tilespmem:s30], [sflag:$0x5] =	stream.linear.gather [spmem:s2], $0x200, $0x38;
	[tilespmem:$0x1F0E8] =	vst v63  }
.Ltmp25:
0x32d: {  	_ = 	snop;
	(pc) =	sbr.rel .LBB3_23-.Ltmp25, $4  }
0x32e: {  	_ =	swait.ge [sflag:s0], $0x220  }
0x32f: {  	[sflag:s0] =	ssyncset.done $0x0  }
0x330: {  	s31 =	simm.s32 $0x6;
	[sflag:s0] =	ssyncadd.s32 $0xFFFFFDE0  }
0x331: {  	s3 =	simm.s32 $0x0;
	[sflag:s31] =	ssyncpa.u1 $0x0  }
.LBB3_28:
0x332: {  	p0 =	slt.u32 s4, $0xC3500  }
0x333: {  	s0 =	sand.u32 @p0 $0xFFFF8, s4  }
0x334: {  	s4 =	sand.u32 @p0 $0x7, s4;
	s5 =	simm.s32 @p0 $0x3638;
	s0 =	sadd.s32 @p0 s1, s0  }
0x335: {  	[tilespmem:s5], [sflag:$0x6] =	stream.linear.gather @p0 [hbm4b:s0+s4], $0x8, $0x38;
	[tilespmem:$0x1F0E8] =	vst v63  }
0x336: {  	s0 =	simm.s32 @p0 $0x6  }
0x337: {  	_ =	swait.ge @p0 [sflag:s0], $0x8  }
0x338: {  	[sflag:s0] =	ssyncset.done @p0 $0x0  }
0x339: {  	[sflag:s0] =	ssyncadd.s32 @p0 $0xFFFFFFF8  }
0x33a: {  	v1 =	vld @p0 [tilespmem:$0x3638];
	_ =	sdelay $0x2  }
0x33b: {  	s0 =	sshll.u32 @p0 s3, $0x6  }
0x33c: {  	s5 =	sshll.u32 @!p0 s3, $0x6;
	s4 =	sshrl.u32 @p0 s0, $0x2  }
0x33d: {  	s5 =	smov.u32 @p0 s0;
	[tilespmem:s4+$0x3678] =	vst.add.f32.msk @p0 $0xffff, v1  }
0x33e: {  	s0 =	sshrl.u32 s5, $0x2;
	[tilespmem:s2+$0x3658] =	vst.msk $0x1, v0  }
0x33f: {  	v0 =	vld [tilespmem:s0+$0x3678];
	_ =	sdelay $0x2  }
0x340: {  	s31 =	sshll.u32 s2, $0x6  }
0x341: {  	s0 =	sshra.s32 s31, $0x2  }
0x342: {  	s2 =	sadd.s32 $0x1, s2;
	[tilespmem:s0+$0x3678] =	vst v0  }
.LBB3_30:
0x343: {  	s3 =	sadd.s32 $0x1, s3  }
0x344: {  	p0 =	sne.s32 s3, $0x20  }
.Ltmp26:
0x345: {  	_ = 	snop;
	(pc) =	sbr.rel @!p0 .LBB3_31-.Ltmp26, $1  }
0x346: {  	_ =	sdelay $0x3  }
.LBB3_23:
0x347: {  	v0 =	vld.msk [tilespmem:s3+$0x3658], $0x1;
	_ =	sdelay $0x4  }
0x348: {  	(v2sf) =	vpush v0, $0x0;
	_ =	sdelay $0xe  }
0x349: {  	s4 =	spop (v2sf)  }
0x34a: {  	p0 =	seq.s32 s4, $0xFFFFFFFF  }
.Ltmp27:
0x34b: {  	_ = 	snop;
	(pc) =	sbr.rel @p0 .LBB3_30-.Ltmp27, $1  }
0x34c: {  	_ =	sdelay $0x3  }
0x34d: {  	p0 =	slt.s32 s2, $0x1  }
.Ltmp28:
0x34e: {  	_ = 	snop;
	(pc) =	sbr.rel @p0 .LBB3_28-.Ltmp28, $1  }
0x34f: {  	_ =	sdelay $0x3  }
0x350: {  	s5 =	simm.s32 $0x3658;
	p0 =	por $0x0, $0x0  }
0x351: {  	v1 =	vld.msk @!p0 [tilespmem:s5+$0x0], $0x1;
	_ =	sdelay $0x4  }
0x352: {  	(v2sf) =	vpush @!p0 v1, $0x0;
	_ =	sdelay $0xd  }
0x353: {  	p2 =	sne.s32 s2, $0x1  }
.Ltmp29:
0x354: {  	s0 =	spop @!p0 (v2sf);
	(pc) =	sbr.rel @!p2 .LBB3_27-.Ltmp29, $4  }
0x355: {  	p1 =	seq.s32 @!p0 s4, s0  }
0x356: {  	s6 =	simm.s32 $0x0;
	p1 =	por !p1, p0  }
0x357: {  	s0 =	simm.s32 $0xFFFFFFFF;
	s6 =	simm.s32 @p1 $0xFFFFFFFF  }
0x358: {  	s7 =	simm.s32 $0x1;
	s6 =	smov.u32 @p0 s0  }
.LBB3_26:
0x359: {  	s0 =	smov.u32 s6;
	p0 =	sne.s32 s6, $0xFFFFFFFF  }
0x35a: {  	s5 =	sadd.s32 $0x1, s5;
	s6 =	smov.u32 s7;
	s7 =	sadd.s32 $0x1, s7  }
0x35b: {  	p1 =	sne.s32 s2, s7;
	v1 =	vld.msk @!p0 [tilespmem:s5+$0x0], $0x1;
	_ =	sdelay $0x4  }
0x35c: {  	(v2sf) =	vpush @!p0 v1, $0x0;
	_ =	sdelay $0xe  }
.Ltmp30:
0x35d: {  	s8 =	spop @!p0 (v2sf);
	(pc) =	sbr.rel @p1 .LBB3_26-.Ltmp30, $4  }
0x35e: {  	p2 =	seq.s32 @!p0 s4, s8  }
0x35f: {  	p2 =	por !p2, p0  }
0x360: {  	s6 =	simm.s32 @p2 $0xFFFFFFFF  }
0x361: {  	s6 =	smov.u32 @p0 s0  }
.LBB3_27:
0x362: {  	p0 =	sne.s32 s6, $0xFFFFFFFF  }
.Ltmp31:
0x363: {  	_ = 	snop;
	(pc) =	sbr.rel @!p0 .LBB3_28-.Ltmp31, $1  }
0x364: {  	_ =	sdelay $0x3  }
0x365: {  	s0 =	sshll.u32 s3, $0x4  }
0x366: {  	s0 =	sand.u32 $0x3FFFFFF0, s0  }
0x367: {  	v0 =	vld [tilespmem:s0+$0x3678]  }
.Ltmp32:
0x368: {  	_ = 	snop;
	(pc) =	sbr.rel .LBB3_30-.Ltmp32, $4  }
0x369: {  	_ = 	snop  }
0x36a: {  	s31 =	sshll.u32 s6, $0x6  }
0x36b: {  	s0 =	sshra.s32 s31, $0x2  }
0x36c: {  	[tilespmem:s0+$0x3678] =	vst.add.f32.msk $0xffff, v0  }
.LBB3_31:
0x36d: {  	p0 =	slt.s32 s2, $0x1  }
.Ltmp33:
0x36e: {  	_ = 	snop;
	(pc) =	sbr.rel @p0 .LBB3_35-.Ltmp33, $3  }
0x36f: {  	_ =	sdelay $0x1  }
0x370: {  	s0 =	simm.s32 $0x6  }
0x371: {  	s3 =	simm.s32 $0x0;
	[sflag:s0] =	ssyncpa.u1 $0x1  }
0x372: {  	s0 =	simm.s32 $0x3658  }
0x373: {  	v0 =	vld.msk [tilespmem:s0+$0x0], $0x1;
	_ =	sdelay $0x4  }
0x374: {  	(v2sf) =	vpush v0, $0x0;
	_ =	sdelay $0xd  }
0x375: {  	s2 =	sadd.s32 $0xFFFFFFFF, s2  }
0x376: {  	p1 =	sne.s32 s2, $0x0;
	s0 =	spop (v2sf)  }
.Ltmp34:
0x377: {  	p0 =	sgt.u32 s0, $0xC34FF;
	(pc) =	sbr.rel @!p1 .LBB3_34-.Ltmp34, $4  }
0x378: {  	s4 =	simm.s32 $0x3678;
	s5 =	sand.u32 @!p0 $0xFFFF8, s0  }
0x379: {  	s6 =	simm.s32 $0x0;
	s0 =	sand.u32 @!p0 $0x7, s0;
	s5 =	sadd.s32 @!p0 s1, s5  }
0x37a: {  	[hbm4b:s5+s0] =	stream.linear.scatter @!p0 [tilespmem:s4], [sflag:$0x5], $0x8, $0x38;
	[tilespmem:$0x1F0E8] =	vst v63  }
0x37b: {  	s6 =	simm.s32 @!p0 $0x20;
	s5 =	simm.s32 $0x3659  }
.LBB3_33:
0x37c: {  	v0 =	vld.msk [tilespmem:s5+$0x0], $0x1;
	s2 =	sadd.s32 $0xFFFFFFFF, s2;
	s3 =	sadd.s32 s3, s6  }
0x37d: {  	p0 =	sne.s32 s2, $0x0;
	_ =	sdelay $0x3  }
0x37e: {  	(v2sf) =	vpush v0, $0x0;
	_ =	sdelay $0xe  }
.Ltmp35:
0x37f: {  	s0 =	spop (v2sf);
	(pc) =	sbr.rel @p0 .LBB3_33-.Ltmp35, $4  }
0x380: {  	s6 =	simm.s32 $0x0;
	p1 =	sgt.u32 s0, $0xC34FF  }
0x381: {  	s4 =	sadd.s32 $0x10, s4;
	s6 =	simm.s32 @!p1 $0x20;
	s7 =	sand.u32 @!p1 $0xFFFF8, s0  }
0x382: {  	s5 =	sadd.s32 $0x1, s5;
	s0 =	sand.u32 @!p1 $0x7, s0;
	s7 =	sadd.s32 @!p1 s1, s7  }
0x383: {  	[hbm4b:s7+s0] =	stream.linear.scatter @!p1 [tilespmem:s4], [sflag:$0x5], $0x8, $0x38;
	[tilespmem:$0x1F0E8] =	vst v63  }
.LBB3_34:
0x384: {  	s0 =	sadd.s32 s3, s6  }
0x385: {  	s3 =	sshrl.u32 s0, $0x2  }
.LBB3_35:
0x386: {  	s0 =	simm.s32 $0x5  }
0x387: {  	_ =	swait.ge [sflag:s0], s3  }
0x388: {  	s1 =	ssub.s32 $0x0, s3;
	[sflag:s0] =	ssyncset.done $0x0  }
0x389: {  	[sflag:s0] =	ssyncadd.s32 s1  }
0x38a: {  	[sflag:s0] =	ssyncpa.u1 $0x1  }
0x38b: {  	s30 =	simm.s32 $0x1;
	_ =	sfence  }
0x38c: {  	[sflag:s30] =	ssyncpa.u1 $0x1  }
0x38d: {  	_ =	strace $0x90000050  }
0x38e: {  	[bflag:$0x2] =	sbarrier.arrive $0xFFFF  }
0x38f: {  	s31 =	rddreg [dreg:$0x1]  }
0x390: {  	s0 =	sadd.s32 $0x100000, s31  }
0x391: {  	[sflag:s0] =	ssyncadd.tile.s32 $0x1;
	_ =	shalt  }
.Lfunc_end3:
_tile_overlayer_lowered:
.L_overlay_start_3:
0x392: {  	(tag) =	ssettag $0x3  }
0x393: {  	s0 =	rddreg [dreg:$0x0];
	s2 =	stileid.u32  }
0x394: {  	s1 =	rddreg [dreg:$0x1];
	p0 =	sne.s32 s2, $0x0  }
0x395: {  	s3 =	rddreg [dreg:$0x2];
	[bflag:$0x3] =	sbarrier.arrive $0xFFFF;
	s2 =	simm.s32 @!p0 $0x1C01  }
0x396: {  	[timem:s3], [sflag:s2] =	dma.local @!p0 [hbm:s0], s1  }
0x397: {  	s0 =	simm.s32 @!p0 $0x1  }
0x398: {  	_ =	swait.ge @!p0 [sflag:s0], s1  }
0x399: {  	s1 =	ssub.s32 @!p0 $0x0, s1;
	[sflag:s0] =	ssyncset.done @!p0 $0x0  }
0x39a: {  	[sflag:s0] =	ssyncadd.s32 @!p0 s1  }
0x39b: {  	[bflag:$0x3] =	sbarrier.arrive $0xFFFF  }
0x39c: {  	_ =	shalt  }

</sc_bundles>
